<compile_context>
chip_gen: v7x
topology: tpu7x:2x2x1
jax: 0.10.2.dev20260603
libtpu: 0.0.44.dev20260713+nightly
codegen_flags: <defaults>
</compile_context>

<pallas_src>
import functools

import jax
import jax.numpy as jnp
from jax import lax
from jax.experimental import pallas as pl
from jax.experimental.pallas import tpu as pltpu
from jax.experimental.pallas import tpu_sc as plsc

HEIGHT = 480
K = 16
OUT = 64
R2 = (5.0 / HEIGHT) ** 2

B = 4
N = 4096
G = 64
NC = G * G
BIG = 1 << 30
L = 16
QPT = N // 8


def _sc_ball_kernel(px_hbm, py_hbm, zeros_hbm, emb_hbm, start_hbm, order_hbm,
                    pxv, pyv, cellv, subh, startv, orderv, embv, sem1, sem2):
    c = lax.axis_index("core")
    s = lax.axis_index("subcore")
    lb = s // 8
    b = 2 * c + lb
    qs = (s % 8) * QPT

    lanes = lax.broadcasted_iota(jnp.int32, (L,), 0)
    ones = jnp.ones((L,), jnp.int32)

    cpx = pltpu.async_copy(px_hbm.at[b], pxv, sem1)
    cpy = pltpu.async_copy(py_hbm.at[b], pyv, sem2)
    cpx.wait()
    cpy.wait()

    @pl.when(s % 8 == 0)
    def _build():
        @pl.loop(0, N // L)
        def _cells(t):
            i0 = t * L
            x = pxv[pl.ds(i0, L)]
            y = pyv[pl.ds(i0, L)]
            cx = jnp.minimum((x * G).astype(jnp.int32), G - 1)
            cy = jnp.minimum((y * G).astype(jnp.int32), G - 1)
            cellv[pl.ds(i0, L)] = cy * G + cx

        pltpu.sync_copy(zeros_hbm, subh)

        mlow = lanes < 8
        mhigh = jnp.logical_not(mlow)
        rowbase = (lanes % 8) * NC

        @pl.loop(0, N // L)
        def _hist(t):
            cells16 = cellv[pl.ds(t * L, L)]
            flat = rowbase + cells16
            plsc.addupdate_scatter(subh, [flat], ones, mask=mlow)
            plsc.addupdate_scatter(subh, [flat], ones, mask=mhigh)

        def _ps(t, carry):
            c0 = t * L
            vs = [subh[pl.ds(l * NC + c0, L)] for l in range(8)]
            hist16 = vs[0]
            for l in range(1, 8):
                hist16 = hist16 + vs[l]
            incl = plsc.cumsum(hist16)
            start16 = incl - hist16 + carry
            startv[pl.ds(c0, L)] = start16
            run = start16
            for l in range(8):
                v = vs[l]
                subh[pl.ds(l * NC + c0, L)] = run
                run = run + v
            return carry + jnp.max(incl)

        lax.fori_loop(0, NC // L, _ps, jnp.int32(0))
        startv[pl.ds(NC, L)] = jnp.full((L,), N, jnp.int32)

        @pl.loop(0, N // L)
        def _scatter(t):
            i0 = t * L
            cells16 = cellv[pl.ds(i0, L)]
            flat = rowbase + cells16
            idxv = i0 + lanes
            pos1 = plsc.load_gather(subh, [flat], mask=mlow)
            plsc.addupdate_scatter(subh, [flat], ones, mask=mlow)
            plsc.store_scatter(orderv, [pos1], idxv, mask=mlow)
            pos2 = plsc.load_gather(subh, [flat], mask=mhigh)
            plsc.addupdate_scatter(subh, [flat], ones, mask=mhigh)
            plsc.store_scatter(orderv, [pos2], idxv, mask=mhigh)

        cps = pltpu.async_copy(startv, start_hbm.at[b], sem1)
        cpo = pltpu.async_copy(orderv, order_hbm.at[b], sem2)
        cps.wait()
        cpo.wait()

    plsc.subcore_barrier()

    cps = pltpu.async_copy(start_hbm.at[b], startv, sem1)
    cpo = pltpu.async_copy(order_hbm.at[b], orderv, sem2)
    cps.wait()
    cpo.wait()

    @pl.loop(0, QPT // L)
    def _group(g):
        q0 = qs + g * L
        qi = q0 + lanes
        qx = pxv[pl.ds(q0, L)]
        qy = pyv[pl.ds(q0, L)]
        cx = jnp.minimum((qx * G).astype(jnp.int32), G - 1)
        cy = jnp.minimum((qy * G).astype(jnp.int32), G - 1)
        c1 = jnp.maximum(cx - 1, 0)
        c2 = jnp.minimum(cx + 1, G - 1)

        slots = tuple(jnp.full((L,), BIG, jnp.int32) for _ in range(K))
        for dr in (-1, 0, 1):
            rr = cy + dr
            rvalid = (rr >= 0) & (rr < G)
            rrc = jnp.clip(rr, 0, G - 1)
            lo = plsc.load_gather(startv, [rrc * G + c1])
            hi = plsc.load_gather(startv, [rrc * G + c2 + 1])
            lo = jnp.clip(jnp.where(rvalid, lo, 0), 0, N)
            hi = jnp.clip(jnp.where(rvalid, hi, 0), 0, N)
            lenv = jnp.maximum(hi - lo, 0)
            maxlen = jnp.max(lenv)

            def _one(sl, t):
                active = t < lenv
                p = jnp.clip(jnp.where(active, lo + t, 0), 0, N - 1)
                j = jnp.clip(plsc.load_gather(orderv, [p]), 0, N - 1)
                x = plsc.load_gather(pxv, [j])
                y = plsc.load_gather(pyv, [j])
                dx = qx - x
                dy = qy - y
                qual = active & ((dx * dx + dy * dy) < R2)
                v = jnp.where(qual, j, BIG)
                ns = [jnp.minimum(sl[0], v)]
                for k in range(1, K):
                    ns.append(jnp.maximum(sl[k - 1], jnp.minimum(sl[k], v)))
                return tuple(ns)

            def _cand(t, sl):
                sl = _one(sl, 2 * t)
                return _one(sl, 2 * t + 1)

            slots = lax.fori_loop(0, (maxlen + 1) // 2, _cand, slots)

        rows = g * L + lanes
        for k in range(K):
            sk = slots[k]
            jk = jnp.where(sk < BIG, sk, qi)
            gx = plsc.load_gather(pxv, [jk])
            gy = plsc.load_gather(pyv, [jk])
            kcol = jnp.full((L,), k, jnp.int32)
            plsc.store_scatter(embv, [rows, kcol], qx - gx)
            plsc.store_scatter(embv, [rows, kcol + K], qy - gy)

    pltpu.sync_copy(embv, emb_hbm.at[b, pl.ds(qs, QPT)])


def _mlp_kernel(emb_ref, w1_ref, b1_ref, w2_ref, b2_ref, out_ref):
    e = emb_ref[...]
    h = lax.dot_general(e, w1_ref[...], (((1,), (0,)), ((), ())),
                        preferred_element_type=jnp.float32)
    h = jnp.maximum(h + b1_ref[...], 0.0)
    o = lax.dot_general(h, w2_ref[...], (((1,), (0,)), ((), ())),
                        preferred_element_type=jnp.float32)
    out_ref[...] = o + b2_ref[...]


_sc_ball = pl.kernel(
    _sc_ball_kernel,
    out_type=(jax.ShapeDtypeStruct((B, N, 2 * K), jnp.float32),
              jax.ShapeDtypeStruct((B, NC + L), jnp.int32),
              jax.ShapeDtypeStruct((B, N), jnp.int32)),
    mesh=plsc.VectorSubcoreMesh(core_axis_name="core",
                                subcore_axis_name="subcore"),
    compiler_params=pltpu.CompilerParams(needs_layout_passes=False),
    scratch_types=[
        pltpu.VMEM((N,), jnp.float32),
        pltpu.VMEM((N,), jnp.float32),
        pltpu.VMEM((N,), jnp.int32),
        pltpu.VMEM((8 * NC,), jnp.int32),
        pltpu.VMEM((NC + L,), jnp.int32),
        pltpu.VMEM((N,), jnp.int32),
        pltpu.VMEM((QPT, 2 * K), jnp.float32),
        pltpu.SemaphoreType.DMA,
        pltpu.SemaphoreType.DMA,
    ],
)


MLPR = 4096


@jax.jit
def kernel(xytp, W1, b1, W2, b2):
    px = xytp[..., 1]
    py = xytp[..., 2]
    emb, _, _ = _sc_ball(px, py, jnp.zeros((8 * NC,), jnp.int32))

    W1p = jnp.concatenate([W1[0::2, :], W1[1::2, :]], axis=0)
    out = pl.pallas_call(
        _mlp_kernel,
        grid=(B * N // MLPR,),
        in_specs=[
            pl.BlockSpec((MLPR, 2 * K), lambda i: (i, 0)),
            pl.BlockSpec((2 * K, 2 * OUT), lambda i: (0, 0)),
            pl.BlockSpec((1, 2 * OUT), lambda i: (0, 0)),
            pl.BlockSpec((2 * OUT, OUT), lambda i: (0, 0)),
            pl.BlockSpec((1, OUT), lambda i: (0, 0)),
        ],
        out_specs=pl.BlockSpec((MLPR, OUT), lambda i: (i, 0)),
        out_shape=jax.ShapeDtypeStruct((B * N, OUT), jnp.float32),
    )(emb.reshape(B * N, 2 * K), W1p, b1.reshape(1, -1), W2,
      b2.reshape(1, -1))
    return out.reshape(B, N, OUT)

# --- scband reference (transcript-rebuilt; emitter-appended) ---
"""Pipeline reference for scband-spatial-embedding-40303973105896 (READ-ONLY COPY).

The authoritative reference and input builder live on the scoring server;
editing this copy changes nothing except your own understanding.
"""

import jax, jax.numpy as jnp
import numpy as np

HEIGHT = 480
K = 16
OUT = 64


def _ball_query(p, radius, K):
    # p: [B, N, 3]; returns first-K (by index order) neighbor indices within radius, -1 padded
    B, N, _ = p.shape
    d2 = jnp.sum((p[:, :, None, :] - p[:, None, :, :]) ** 2, axis=-1)  # [B, N, N]
    within = d2 < radius * radius
    cand = jnp.where(within, jnp.arange(N, dtype=jnp.int32)[None, None, :], N)
    first_k = jnp.sort(cand, axis=-1)[..., :K]
    return jnp.where(first_k == N, -1, first_k)


def setup_inputs(seed: int = 0) -> dict:
    key = jax.random.key(seed)
    k1, k2, k3 = jax.random.split(key, 3)
    B, N = 4, 4096
    xytp = jax.random.uniform(k1, (B, N, 4), dtype=jnp.float32)
    W1 = jax.random.normal(k2, (K * 2, OUT * 2), dtype=jnp.float32) * (1.0 / np.sqrt(K * 2))
    b1 = jnp.zeros((OUT * 2,), dtype=jnp.float32)
    W2 = jax.random.normal(k3, (OUT * 2, OUT), dtype=jnp.float32) * (1.0 / np.sqrt(OUT * 2))
    b2 = jnp.zeros((OUT,), dtype=jnp.float32)
    return {"xytp": xytp, "W1": W1, "b1": b1, "W2": W2, "b2": b2}


def reference(xytp, W1, b1, W2, b2):
    B, N, _ = xytp.shape
    # xyt is detached in the torch module
    xyt = jax.lax.stop_gradient(xytp[..., :3])
    xyt = xyt.at[..., 0].set(0.0)
    idx = _ball_query(xyt, 5.0 / HEIGHT, K)  # [B, N, K]
    self_idx = jnp.broadcast_to(jnp.arange(N, dtype=idx.dtype)[None, :, None], idx.shape)
    idx = jnp.where(idx == -1, self_idx, idx)
    xy = xytp[..., 1:3]  # [B, N, 2]
    gathered = jax.vmap(lambda pts, ind: pts[ind])(xy, idx)  # knn_gather -> [B, N, K, 2]
    delta = xy[:, :, None, :] - gathered
    emb = delta.reshape(B, N, K * 2)
    h = jax.nn.relu(emb @ W1 + b1)
    Fsp = h @ W2 + b2
    return Fsp

if __name__ == "__main__":
    import jax
    _d = setup_inputs()
    print(jax.jit(kernel)(*tuple(_d.values())))

</pallas_src>

<mosaic_0001>
#map = affine_map<(d0, d1) -> (0, 0)>
#map1 = affine_map<(d0, d1) -> (0)>
#map2 = affine_map<(d0, d1) -> (0, 0, 0)>
module attributes {stable_mosaic.version = 14 : i64} {
  func.func @_sc_ball_kernel(%arg0: i32, %arg1: i32, %arg2: memref<4x4096xf32, #tpu.memory_space<hbm>>, %arg3: memref<4x4096xf32, #tpu.memory_space<hbm>>, %arg4: memref<32768xi32, #tpu.memory_space<hbm>>, %arg5: memref<4x4096x32xf32, #tpu.memory_space<hbm>>, %arg6: memref<4x4112xi32, #tpu.memory_space<hbm>>, %arg7: memref<4x4096xi32, #tpu.memory_space<hbm>>, %arg8: memref<4096xf32, #tpu.memory_space<vmem>>, %arg9: memref<4096xf32, #tpu.memory_space<vmem>>, %arg10: memref<4096xi32, #tpu.memory_space<vmem>>, %arg11: memref<32768xi32, #tpu.memory_space<vmem>>, %arg12: memref<4112xi32, #tpu.memory_space<vmem>>, %arg13: memref<4096xi32, #tpu.memory_space<vmem>>, %arg14: memref<512x32xf32, #tpu.memory_space<vmem>>, %arg15: memref<!tpu.dma_semaphore, #tpu.memory_space<semaphore_mem>>, %arg16: memref<!tpu.dma_semaphore, #tpu.memory_space<semaphore_mem>>) attributes {dimension_semantics = [#tpu.dimension_semantics<core_parallel>, #tpu.dimension_semantics<subcore_parallel>], iteration_bounds = array<i64: 2, 16>, scalar_prefetch = 0 : i64, scratch_operands = 9 : i64, tpu.core_type = #tpu.core_type<sc_vector_subcore>, window_params = [{transform_indices = #map}, {transform_indices = #map}, {transform_indices = #map1}, {transform_indices = #map2}, {transform_indices = #map}, {transform_indices = #map}]} {
    %jit3A = arith.constant 8 : i32
    %div3A = arith.divsi %arg1, %jit3A : i32
    %sign3A = arith.constant 0 : i32
    %sign3A_0 = arith.cmpi sgt, %arg1, %sign3A : i32
    %sign3A_1 = arith.extui %sign3A_0 : i1 to i32
    %sign3A_2 = arith.constant 0 : i32
    %sign3A_3 = arith.cmpi slt, %arg1, %sign3A_2 : i32
    %sign3A_4 = arith.extui %sign3A_3 : i1 to i32
    %sign3A_5 = arith.subi %sign3A_1, %sign3A_4 : i32
    %sign3A_6 = arith.constant 0 : i32
    %sign3A_7 = arith.cmpi sgt, %jit3A, %sign3A_6 : i32
    %sign3A_8 = arith.extui %sign3A_7 : i1 to i32
    %sign3A_9 = arith.constant 0 : i32
    %sign3A_10 = arith.cmpi slt, %jit3A, %sign3A_9 : i32
    %sign3A_11 = arith.extui %sign3A_10 : i1 to i32
    %sign3A_12 = arith.subi %sign3A_8, %sign3A_11 : i32
    %ne3A = arith.cmpi ne, %sign3A_5, %sign3A_12 : i32
    %rem3A = arith.remsi %arg1, %jit3A : i32
    %ne3A_13 = arith.constant 0 : i32
    %ne3A_14 = arith.cmpi ne, %rem3A, %ne3A_13 : i32
    %and3A = arith.andi %ne3A, %ne3A_14 : i1
    %sub3A = arith.constant 1 : i32
    %sub3A_15 = arith.subi %div3A, %sub3A : i32
    %select_n3A = arith.select %and3A, %sub3A_15, %div3A : i32
    %mul3A = arith.constant 2 : i32
    %mul3A_16 = arith.muli %mul3A, %arg0 : i32
    %add3A = arith.addi %mul3A_16, %select_n3A : i32
    %jit3A_17 = arith.constant 8 : i32
    %eq3A = arith.constant 0 : i32
    %eq3A_18 = arith.cmpi eq, %jit3A_17, %eq3A : i32
    %jit3A_19 = arith.constant 1 : i32
    %select_n3A_20 = arith.select %eq3A_18, %jit3A_19, %jit3A_17 : i32
    %rem3A_21 = arith.remsi %arg1, %select_n3A_20 : i32
    %ne3A_22 = arith.constant 0 : i32
    %ne3A_23 = arith.cmpi ne, %rem3A_21, %ne3A_22 : i32
    %lt3A = arith.constant 0 : i32
    %lt3A_24 = arith.cmpi slt, %rem3A_21, %lt3A : i32
    %lt3A_25 = arith.constant 0 : i32
    %lt3A_26 = arith.cmpi slt, %select_n3A_20, %lt3A_25 : i32
    %ne3A_27 = arith.xori %lt3A_24, %lt3A_26 : i1
    %and3A_28 = arith.andi %ne3A_27, %ne3A_23 : i1
    %add3A_29 = arith.addi %rem3A_21, %select_n3A_20 : i32
    %select_n3A_30 = arith.select %and3A_28, %add3A_29, %rem3A_21 : i32
    %mul3A_31 = arith.constant 512 : i32
    %mul3A_32 = arith.muli %select_n3A_30, %mul3A_31 : i32
    %iota3A = tpu.iota {dimensions = array<i32: 0>} : vector<16xi32>
    %broadcast_in_dim3A = arith.constant 1 : i32
    %broadcast_in_dim3A_33 = vector.broadcast %broadcast_in_dim3A : i32 to vector<16xi32>
    %dma_start3A = arith.constant 0 : i32
    %dma_start3A_34 = tpu.memref_slice %arg2[%add3A, %dma_start3A] : memref<4x4096xf32, #tpu.memory_space<hbm>> -> memref<1x4096xf32, #tpu.memory_space<hbm>>
    %dma_start3A_35 = tpu.memref_squeeze %dma_start3A_34 : memref<1x4096xf32, #tpu.memory_space<hbm>> -> memref<4096xf32, #tpu.memory_space<hbm>>
    %dma_start3A_36 = arith.constant 0 : i32
    %dma_start3A_37 = tpu.memref_slice %arg2[%add3A, %dma_start3A_36] : memref<4x4096xf32, #tpu.memory_space<hbm>> -> memref<1x4096xf32, #tpu.memory_space<hbm>>
    %dma_start3A_38 = tpu.memref_squeeze %dma_start3A_37 : memref<1x4096xf32, #tpu.memory_space<hbm>> -> memref<4096xf32, #tpu.memory_space<hbm>>
    tpu.enqueue_dma source(%dma_start3A_38 : memref<4096xf32, #tpu.memory_space<hbm>>) target(%arg8 : memref<4096xf32, #tpu.memory_space<vmem>>) target_semaphore(%arg15 : memref<!tpu.dma_semaphore, #tpu.memory_space<semaphore_mem>>)
    %dma_start3A_39 = arith.constant 0 : i32
    %dma_start3A_40 = tpu.memref_slice %arg3[%add3A, %dma_start3A_39] : memref<4x4096xf32, #tpu.memory_space<hbm>> -> memref<1x4096xf32, #tpu.memory_space<hbm>>
    %dma_start3A_41 = tpu.memref_squeeze %dma_start3A_40 : memref<1x4096xf32, #tpu.memory_space<hbm>> -> memref<4096xf32, #tpu.memory_space<hbm>>
    %dma_start3A_42 = arith.constant 0 : i32
    %dma_start3A_43 = tpu.memref_slice %arg3[%add3A, %dma_start3A_42] : memref<4x4096xf32, #tpu.memory_space<hbm>> -> memref<1x4096xf32, #tpu.memory_space<hbm>>
    %dma_start3A_44 = tpu.memref_squeeze %dma_start3A_43 : memref<1x4096xf32, #tpu.memory_space<hbm>> -> memref<4096xf32, #tpu.memory_space<hbm>>
    tpu.enqueue_dma source(%dma_start3A_44 : memref<4096xf32, #tpu.memory_space<hbm>>) target(%arg9 : memref<4096xf32, #tpu.memory_space<vmem>>) target_semaphore(%arg16 : memref<!tpu.dma_semaphore, #tpu.memory_space<semaphore_mem>>)
    %dma_wait3A = arith.constant 0 : i32
    %dma_wait3A_45 = tpu.memref_slice %arg2[%add3A, %dma_wait3A] : memref<4x4096xf32, #tpu.memory_space<hbm>> -> memref<1x4096xf32, #tpu.memory_space<hbm>>
    %dma_wait3A_46 = tpu.memref_squeeze %dma_wait3A_45 : memref<1x4096xf32, #tpu.memory_space<hbm>> -> memref<4096xf32, #tpu.memory_space<hbm>>
    %dma_wait3A_47 = arith.constant 0 : i32
    %dma_wait3A_48 = tpu.memref_slice %arg2[%add3A, %dma_wait3A_47] : memref<4x4096xf32, #tpu.memory_space<hbm>> -> memref<1x4096xf32, #tpu.memory_space<hbm>>
    %dma_wait3A_49 = tpu.memref_squeeze %dma_wait3A_48 : memref<1x4096xf32, #tpu.memory_space<hbm>> -> memref<4096xf32, #tpu.memory_space<hbm>>
    tpu.wait_dma2 semaphore(%arg15 : memref<!tpu.dma_semaphore, #tpu.memory_space<semaphore_mem>>) src(%dma_wait3A_49 : memref<4096xf32, #tpu.memory_space<hbm>>) dst(%arg8 : memref<4096xf32, #tpu.memory_space<vmem>>)
    %dma_wait3A_50 = arith.constant 0 : i32
    %dma_wait3A_51 = tpu.memref_slice %arg3[%add3A, %dma_wait3A_50] : memref<4x4096xf32, #tpu.memory_space<hbm>> -> memref<1x4096xf32, #tpu.memory_space<hbm>>
    %dma_wait3A_52 = tpu.memref_squeeze %dma_wait3A_51 : memref<1x4096xf32, #tpu.memory_space<hbm>> -> memref<4096xf32, #tpu.memory_space<hbm>>
    %dma_wait3A_53 = arith.constant 0 : i32
    %dma_wait3A_54 = tpu.memref_slice %arg3[%add3A, %dma_wait3A_53] : memref<4x4096xf32, #tpu.memory_space<hbm>> -> memref<1x4096xf32, #tpu.memory_space<hbm>>
    %dma_wait3A_55 = tpu.memref_squeeze %dma_wait3A_54 : memref<1x4096xf32, #tpu.memory_space<hbm>> -> memref<4096xf32, #tpu.memory_space<hbm>>
    tpu.wait_dma2 semaphore(%arg16 : memref<!tpu.dma_semaphore, #tpu.memory_space<semaphore_mem>>) src(%dma_wait3A_55 : memref<4096xf32, #tpu.memory_space<hbm>>) dst(%arg9 : memref<4096xf32, #tpu.memory_space<vmem>>)
    %jit3A_56 = arith.constant 8 : i32
    %eq3A_57 = arith.constant 0 : i32
    %eq3A_58 = arith.cmpi eq, %jit3A_56, %eq3A_57 : i32
    %jit3A_59 = arith.constant 1 : i32
    %select_n3A_60 = arith.select %eq3A_58, %jit3A_59, %jit3A_56 : i32
    %rem3A_61 = arith.remsi %arg1, %select_n3A_60 : i32
    %ne3A_62 = arith.constant 0 : i32
    %ne3A_63 = arith.cmpi ne, %rem3A_61, %ne3A_62 : i32
    %lt3A_64 = arith.constant 0 : i32
    %lt3A_65 = arith.cmpi slt, %rem3A_61, %lt3A_64 : i32
    %lt3A_66 = arith.constant 0 : i32
    %lt3A_67 = arith.cmpi slt, %select_n3A_60, %lt3A_66 : i32
    %ne3A_68 = arith.xori %lt3A_65, %lt3A_67 : i1
    %and3A_69 = arith.andi %ne3A_68, %ne3A_63 : i1
    %add3A_70 = arith.addi %rem3A_61, %select_n3A_60 : i32
    %select_n3A_71 = arith.select %and3A_69, %add3A_70, %rem3A_61 : i32
    %eq3A_72 = arith.constant 0 : i32
    %eq3A_73 = arith.cmpi eq, %select_n3A_71, %eq3A_72 : i32
    %convert_element_type3A = arith.extui %eq3A_73 : i1 to i32
    %cond3A = arith.constant 0 : i32
    %cond3A_74 = arith.cmpi ne, %convert_element_type3A, %cond3A : i32
    scf.if %cond3A_74 {
      %scan3A_103 = arith.constant 0 : i32
      %scan3A_104 = arith.constant 256 : i32
      %scan3A_105 = arith.addi %scan3A_103, %scan3A_104 : i32
      %scan3A_106 = arith.constant 1 : i32
      scf.for %scan3A_181 = %scan3A_103 to %scan3A_105 step %scan3A_106  : i32 {
        %mul3A_182 = arith.constant 1 : i32
        %mul3A_183 = arith.muli %scan3A_181, %mul3A_182 : i32
        %add3A_184 = arith.constant 0 : i32
        %add3A_185 = arith.addi %add3A_184, %mul3A_183 : i32
        %mul3A_186 = arith.constant 16 : i32
        %mul3A_187 = arith.muli %add3A_185, %mul3A_186 : i32
        %get3A = arith.index_cast %mul3A_187 : i32 to index
        %get3A_188 = tpu.vector_load %arg8[%get3A] {strides = array<i32>} : memref<4096xf32, #tpu.memory_space<vmem>>, vector<16xf32>,
        %get3A_189 = arith.index_cast %mul3A_187 : i32 to index
        %get3A_190 = tpu.vector_load %arg9[%get3A_189] {strides = array<i32>} : memref<4096xf32, #tpu.memory_space<vmem>>, vector<16xf32>,
        %mul3A_191 = arith.constant 6.400000e+01 : f32
        %mul3A_192 = vector.broadcast %mul3A_191 : f32 to vector<16xf32>
        %mul3A_193 = arith.mulf %get3A_188, %mul3A_192 : vector<16xf32>
        %convert_element_type3A_194 = arith.fptosi %mul3A_193 : vector<16xf32> to vector<16xi32>
        %min3A = arith.constant 63 : i32
        %min3A_195 = vector.broadcast %min3A : i32 to vector<16xi32>
        %min3A_196 = arith.minsi %convert_element_type3A_194, %min3A_195 : vector<16xi32>
        %mul3A_197 = arith.constant 6.400000e+01 : f32
        %mul3A_198 = vector.broadcast %mul3A_197 : f32 to vector<16xf32>
        %mul3A_199 = arith.mulf %get3A_190, %mul3A_198 : vector<16xf32>
        %convert_element_type3A_200 = arith.fptosi %mul3A_199 : vector<16xf32> to vector<16xi32>
        %min3A_201 = arith.constant 63 : i32
        %min3A_202 = vector.broadcast %min3A_201 : i32 to vector<16xi32>
        %min3A_203 = arith.minsi %convert_element_type3A_200, %min3A_202 : vector<16xi32>
        %mul3A_204 = arith.constant 64 : i32
        %mul3A_205 = vector.broadcast %mul3A_204 : i32 to vector<16xi32>
        %mul3A_206 = arith.muli %min3A_203, %mul3A_205 : vector<16xi32>
        %add3A_207 = arith.addi %mul3A_206, %min3A_196 : vector<16xi32>
        %swap3A_208 = arith.index_cast %mul3A_187 : i32 to index
        %swap3A_209 = tpu.vector_load %arg10[%swap3A_208] {strides = array<i32>} : memref<4096xi32, #tpu.memory_space<vmem>>, vector<16xi32>,
        tpu.vector_store %arg10[%swap3A_208], %add3A_207 {strides = array<i32>} : memref<4096xi32, #tpu.memory_space<vmem>>, vector<16xi32>,
      }
      %scan3A_107 = arith.constant 256 : i32
      "tpu.region"() ({
        %run_scoped3A = tpu.sem_alloc : memref<!tpu.dma_semaphore, #tpu.memory_space<semaphore_mem>>
        tpu.enqueue_dma source(%arg4 : memref<32768xi32, #tpu.memory_space<hbm>>) target(%arg11 : memref<32768xi32, #tpu.memory_space<vmem>>) target_semaphore(%run_scoped3A : memref<!tpu.dma_semaphore, #tpu.memory_space<semaphore_mem>>)
        tpu.wait_dma2 semaphore(%run_scoped3A : memref<!tpu.dma_semaphore, #tpu.memory_space<semaphore_mem>>) src(%arg4 : memref<32768xi32, #tpu.memory_space<hbm>>) dst(%arg11 : memref<32768xi32, #tpu.memory_space<vmem>>)
        tpu.yield
      }) : () -> ()
      %lt3A_108 = arith.constant 8 : i32
      %lt3A_109 = vector.broadcast %lt3A_108 : i32 to vector<16xi32>
      %lt3A_110 = arith.cmpi slt, %iota3A, %lt3A_109 : vector<16xi32>
      %not3A = arith.constant dense<true> : vector<16xi1>
      %not3A_111 = arith.xori %lt3A_110, %not3A : vector<16xi1>
      %jit3A_112 = arith.constant 8 : i32
      %eq3A_113 = arith.constant 0 : i32
      %eq3A_114 = arith.cmpi eq, %jit3A_112, %eq3A_113 : i32
      %jit3A_115 = arith.constant 1 : i32
      %select_n3A_116 = arith.select %eq3A_114, %jit3A_115, %jit3A_112 : i32
      %rem3A_117 = vector.broadcast %select_n3A_116 : i32 to vector<16xi32>
      %rem3A_118 = arith.remsi %iota3A, %rem3A_117 : vector<16xi32>
      %ne3A_119 = arith.constant 0 : i32
      %ne3A_120 = vector.broadcast %ne3A_119 : i32 to vector<16xi32>
      %ne3A_121 = arith.cmpi ne, %rem3A_118, %ne3A_120 : vector<16xi32>
      %lt3A_122 = arith.constant 0 : i32
      %lt3A_123 = vector.broadcast %lt3A_122 : i32 to vector<16xi32>
      %lt3A_124 = arith.cmpi slt, %rem3A_118, %lt3A_123 : vector<16xi32>
      %lt3A_125 = arith.constant 0 : i32
      %lt3A_126 = arith.cmpi slt, %select_n3A_116, %lt3A_125 : i32
      %ne3A_127 = vector.broadcast %lt3A_126 : i1 to vector<16xi1>
      %ne3A_128 = vector.broadcast %ne3A_127 : vector<16xi1> to vector<16xi1>
      %ne3A_129 = arith.xori %lt3A_124, %ne3A_128 : vector<16xi1>
      %and3A_130 = arith.andi %ne3A_129, %ne3A_121 : vector<16xi1>
      %add3A_131 = vector.broadcast %select_n3A_116 : i32 to vector<16xi32>
      %add3A_132 = arith.addi %rem3A_118, %add3A_131 : vector<16xi32>
      %select_n3A_133 = arith.select %and3A_130, %add3A_132, %rem3A_118 : vector<16xi1>, vector<16xi32>
      %mul3A_134 = arith.constant 4096 : i32
      %mul3A_135 = vector.broadcast %mul3A_134 : i32 to vector<16xi32>
      %mul3A_136 = arith.muli %select_n3A_133, %mul3A_135 : vector<16xi32>
      %scan3A_137 = arith.constant 0 : i32
      %scan3A_138 = arith.constant 256 : i32
      %scan3A_139 = arith.addi %scan3A_137, %scan3A_138 : i32
      %scan3A_140 = arith.constant 1 : i32
      scf.for %scan3A_181 = %scan3A_137 to %scan3A_139 step %scan3A_140  : i32 {
        %mul3A_182 = arith.constant 1 : i32
        %mul3A_183 = arith.muli %scan3A_181, %mul3A_182 : i32
        %add3A_184 = arith.constant 0 : i32
        %add3A_185 = arith.addi %add3A_184, %mul3A_183 : i32
        %mul3A_186 = arith.constant 16 : i32
        %mul3A_187 = arith.muli %add3A_185, %mul3A_186 : i32
        %get3A = arith.index_cast %mul3A_187 : i32 to index
        %get3A_188 = tpu.vector_load %arg10[%get3A] {strides = array<i32>} : memref<4096xi32, #tpu.memory_space<vmem>>, vector<16xi32>,
        %add3A_189 = arith.addi %mul3A_136, %get3A_188 : vector<16xi32>
        tpu.vector_store_idx %arg11[%add3A_189], %broadcast_in_dim3A_33 masked %lt3A_110 {add = true} : memref<32768xi32, #tpu.memory_space<vmem>>[vector<16xi32>], vector<16xi32>, vector<16xi1>
        tpu.vector_store_idx %arg11[%add3A_189], %broadcast_in_dim3A_33 masked %not3A_111 {add = true} : memref<32768xi32, #tpu.memory_space<vmem>>[vector<16xi32>], vector<16xi32>, vector<16xi1>
      }
      %scan3A_141 = arith.constant 256 : i32
      %scan3A_142 = arith.constant 0 : i32
      %scan3A_143 = arith.constant 0 : i32
      %scan3A_144 = arith.constant 256 : i32
      %scan3A_145 = arith.addi %scan3A_143, %scan3A_144 : i32
      %scan3A_146 = arith.constant 1 : i32
      %scan3A_147 = scf.for %scan3A_181 = %scan3A_143 to %scan3A_145 step %scan3A_146 iter_args(%scan3A_182 = %scan3A_142) -> (i32)  : i32 {
        %mul3A_183 = arith.constant 16 : i32
        %mul3A_184 = arith.muli %scan3A_181, %mul3A_183 : i32
        %add3A_185 = arith.constant 0 : i32
        %add3A_186 = arith.addi %add3A_185, %mul3A_184 : i32
        %get3A = arith.index_cast %add3A_186 : i32 to index
        %get3A_187 = tpu.vector_load %arg11[%get3A] {strides = array<i32>} : memref<32768xi32, #tpu.memory_space<vmem>>, vector<16xi32>,
        %add3A_188 = arith.constant 4096 : i32
        %add3A_189 = arith.addi %add3A_188, %mul3A_184 : i32
        %get3A_190 = arith.index_cast %add3A_189 : i32 to index
        %get3A_191 = tpu.vector_load %arg11[%get3A_190] {strides = array<i32>} : memref<32768xi32, #tpu.memory_space<vmem>>, vector<16xi32>,
        %add3A_192 = arith.constant 8192 : i32
        %add3A_193 = arith.addi %add3A_192, %mul3A_184 : i32
        %get3A_194 = arith.index_cast %add3A_193 : i32 to index
        %get3A_195 = tpu.vector_load %arg11[%get3A_194] {strides = array<i32>} : memref<32768xi32, #tpu.memory_space<vmem>>, vector<16xi32>,
        %add3A_196 = arith.constant 12288 : i32
        %add3A_197 = arith.addi %add3A_196, %mul3A_184 : i32
        %get3A_198 = arith.index_cast %add3A_197 : i32 to index
        %get3A_199 = tpu.vector_load %arg11[%get3A_198] {strides = array<i32>} : memref<32768xi32, #tpu.memory_space<vmem>>, vector<16xi32>,
        %add3A_200 = arith.constant 16384 : i32
        %add3A_201 = arith.addi %add3A_200, %mul3A_184 : i32
        %get3A_202 = arith.index_cast %add3A_201 : i32 to index
        %get3A_203 = tpu.vector_load %arg11[%get3A_202] {strides = array<i32>} : memref<32768xi32, #tpu.memory_space<vmem>>, vector<16xi32>,
        %add3A_204 = arith.constant 20480 : i32
        %add3A_205 = arith.addi %add3A_204, %mul3A_184 : i32
        %get3A_206 = arith.index_cast %add3A_205 : i32 to index
        %get3A_207 = tpu.vector_load %arg11[%get3A_206] {strides = array<i32>} : memref<32768xi32, #tpu.memory_space<vmem>>, vector<16xi32>,
        %add3A_208 = arith.constant 24576 : i32
        %add3A_209 = arith.addi %add3A_208, %mul3A_184 : i32
        %get3A_210 = arith.index_cast %add3A_209 : i32 to index
        %get3A_211 = tpu.vector_load %arg11[%get3A_210] {strides = array<i32>} : memref<32768xi32, #tpu.memory_space<vmem>>, vector<16xi32>,
        %add3A_212 = arith.constant 28672 : i32
        %add3A_213 = arith.addi %add3A_212, %mul3A_184 : i32
        %get3A_214 = arith.index_cast %add3A_213 : i32 to index
        %get3A_215 = tpu.vector_load %arg11[%get3A_214] {strides = array<i32>} : memref<32768xi32, #tpu.memory_space<vmem>>, vector<16xi32>,
        %add3A_216 = arith.addi %get3A_187, %get3A_191 : vector<16xi32>
        %add3A_217 = arith.addi %add3A_216, %get3A_195 : vector<16xi32>
        %add3A_218 = arith.addi %add3A_217, %get3A_199 : vector<16xi32>
        %add3A_219 = arith.addi %add3A_218, %get3A_203 : vector<16xi32>
        %add3A_220 = arith.addi %add3A_219, %get3A_207 : vector<16xi32>
        %add3A_221 = arith.addi %add3A_220, %get3A_211 : vector<16xi32>
        %add3A_222 = arith.addi %add3A_221, %get3A_215 : vector<16xi32>
        %broadcast_in_dim3A_223 = arith.constant true
        %broadcast_in_dim3A_224 = vector.broadcast %broadcast_in_dim3A_223 : i1 to vector<16xi1>
        %masked_cumsum3A = tpu.scan <sum>, %add3A_222 masked %broadcast_in_dim3A_224 : vector<16xi32>, vector<16xi1> -> vector<16xi32>
        %sub3A_225 = arith.subi %masked_cumsum3A, %add3A_222 : vector<16xi32>
        %add3A_226 = vector.broadcast %scan3A_182 : i32 to vector<16xi32>
        %add3A_227 = arith.addi %sub3A_225, %add3A_226 : vector<16xi32>
        %swap3A_228 = arith.index_cast %mul3A_184 : i32 to index
        %swap3A_229 = tpu.vector_load %arg12[%swap3A_228] {strides = array<i32>} : memref<4112xi32, #tpu.memory_space<vmem>>, vector<16xi32>,
        tpu.vector_store %arg12[%swap3A_228], %add3A_227 {strides = array<i32>} : memref<4112xi32, #tpu.memory_space<vmem>>, vector<16xi32>,
        %add3A_230 = arith.constant 0 : i32
        %add3A_231 = arith.addi %add3A_230, %mul3A_184 : i32
        %swap3A_232 = arith.index_cast %add3A_231 : i32 to index
        %swap3A_233 = tpu.vector_load %arg11[%swap3A_232] {strides = array<i32>} : memref<32768xi32, #tpu.memory_space<vmem>>, vector<16xi32>,
        tpu.vector_store %arg11[%swap3A_232], %add3A_227 {strides = array<i32>} : memref<32768xi32, #tpu.memory_space<vmem>>, vector<16xi32>,
        %add3A_234 = arith.addi %add3A_227, %get3A_187 : vector<16xi32>
        %add3A_235 = arith.constant 4096 : i32
        %add3A_236 = arith.addi %add3A_235, %mul3A_184 : i32
        %swap3A_237 = arith.index_cast %add3A_236 : i32 to index
        %swap3A_238 = tpu.vector_load %arg11[%swap3A_237] {strides = array<i32>} : memref<32768xi32, #tpu.memory_space<vmem>>, vector<16xi32>,
        tpu.vector_store %arg11[%swap3A_237], %add3A_234 {strides = array<i32>} : memref<32768xi32, #tpu.memory_space<vmem>>, vector<16xi32>,
        %add3A_239 = arith.addi %add3A_234, %get3A_191 : vector<16xi32>
        %add3A_240 = arith.constant 8192 : i32
        %add3A_241 = arith.addi %add3A_240, %mul3A_184 : i32
        %swap3A_242 = arith.index_cast %add3A_241 : i32 to index
        %swap3A_243 = tpu.vector_load %arg11[%swap3A_242] {strides = array<i32>} : memref<32768xi32, #tpu.memory_space<vmem>>, vector<16xi32>,
        tpu.vector_store %arg11[%swap3A_242], %add3A_239 {strides = array<i32>} : memref<32768xi32, #tpu.memory_space<vmem>>, vector<16xi32>,
        %add3A_244 = arith.addi %add3A_239, %get3A_195 : vector<16xi32>
        %add3A_245 = arith.constant 12288 : i32
        %add3A_246 = arith.addi %add3A_245, %mul3A_184 : i32
        %swap3A_247 = arith.index_cast %add3A_246 : i32 to index
        %swap3A_248 = tpu.vector_load %arg11[%swap3A_247] {strides = array<i32>} : memref<32768xi32, #tpu.memory_space<vmem>>, vector<16xi32>,
        tpu.vector_store %arg11[%swap3A_247], %add3A_244 {strides = array<i32>} : memref<32768xi32, #tpu.memory_space<vmem>>, vector<16xi32>,
        %add3A_249 = arith.addi %add3A_244, %get3A_199 : vector<16xi32>
        %add3A_250 = arith.constant 16384 : i32
        %add3A_251 = arith.addi %add3A_250, %mul3A_184 : i32
        %swap3A_252 = arith.index_cast %add3A_251 : i32 to index
        %swap3A_253 = tpu.vector_load %arg11[%swap3A_252] {strides = array<i32>} : memref<32768xi32, #tpu.memory_space<vmem>>, vector<16xi32>,
        tpu.vector_store %arg11[%swap3A_252], %add3A_249 {strides = array<i32>} : memref<32768xi32, #tpu.memory_space<vmem>>, vector<16xi32>,
        %add3A_254 = arith.addi %add3A_249, %get3A_203 : vector<16xi32>
        %add3A_255 = arith.constant 20480 : i32
        %add3A_256 = arith.addi %add3A_255, %mul3A_184 : i32
        %swap3A_257 = arith.index_cast %add3A_256 : i32 to index
        %swap3A_258 = tpu.vector_load %arg11[%swap3A_257] {strides = array<i32>} : memref<32768xi32, #tpu.memory_space<vmem>>, vector<16xi32>,
        tpu.vector_store %arg11[%swap3A_257], %add3A_254 {strides = array<i32>} : memref<32768xi32, #tpu.memory_space<vmem>>, vector<16xi32>,
        %add3A_259 = arith.addi %add3A_254, %get3A_207 : vector<16xi32>
        %add3A_260 = arith.constant 24576 : i32
        %add3A_261 = arith.addi %add3A_260, %mul3A_184 : i32
        %swap3A_262 = arith.index_cast %add3A_261 : i32 to index
        %swap3A_263 = tpu.vector_load %arg11[%swap3A_262] {strides = array<i32>} : memref<32768xi32, #tpu.memory_space<vmem>>, vector<16xi32>,
        tpu.vector_store %arg11[%swap3A_262], %add3A_259 {strides = array<i32>} : memref<32768xi32, #tpu.memory_space<vmem>>, vector<16xi32>,
        %add3A_264 = arith.addi %add3A_259, %get3A_211 : vector<16xi32>
        %add3A_265 = arith.constant 28672 : i32
        %add3A_266 = arith.addi %add3A_265, %mul3A_184 : i32
        %swap3A_267 = arith.index_cast %add3A_266 : i32 to index
        %swap3A_268 = tpu.vector_load %arg11[%swap3A_267] {strides = array<i32>} : memref<32768xi32, #tpu.memory_space<vmem>>, vector<16xi32>,
        tpu.vector_store %arg11[%swap3A_267], %add3A_264 {strides = array<i32>} : memref<32768xi32, #tpu.memory_space<vmem>>, vector<16xi32>,
        %add3A_269 = arith.addi %add3A_264, %get3A_215 : vector<16xi32>
        %reduce_max3A = arith.constant true
        %reduce_max3A_270 = vector.broadcast %reduce_max3A : i1 to vector<16xi1>
        %reduce_max3A_271 = arith.constant -2147483648 : i32
        %reduce_max3A_272 = vector.broadcast %reduce_max3A_271 : i32 to vector<16xi32>
        %reduce_max3A_273 = arith.xori %masked_cumsum3A, %reduce_max3A_272 : vector<16xi32>
        %reduce_max3A_274 = tpu.scan <max>, %reduce_max3A_273 masked %reduce_max3A_270 : vector<16xi32>, vector<16xi1> -> vector<16xi32>
        %reduce_max3A_275 = arith.xori %reduce_max3A_274, %reduce_max3A_272 : vector<16xi32>
        %reduce_max3A_276 = vector.extract %reduce_max3A_275[15] : i32 from vector<16xi32>
        %add3A_277 = arith.addi %scan3A_182, %reduce_max3A_276 : i32
        scf.yield %add3A_277 : i32
      }
      %scan3A_148 = arith.constant 256 : i32
      %broadcast_in_dim3A_149 = arith.constant 4096 : i32
      %broadcast_in_dim3A_150 = vector.broadcast %broadcast_in_dim3A_149 : i32 to vector<16xi32>
      %swap3A = arith.constant 4096 : index
      %swap3A_151 = tpu.vector_load %arg12[%swap3A] {strides = array<i32>} : memref<4112xi32, #tpu.memory_space<vmem>>, vector<16xi32>,
      tpu.vector_store %arg12[%swap3A], %broadcast_in_dim3A_150 {strides = array<i32>} : memref<4112xi32, #tpu.memory_space<vmem>>, vector<16xi32>,
      %scan3A_152 = arith.constant 0 : i32
      %scan3A_153 = arith.constant 256 : i32
      %scan3A_154 = arith.addi %scan3A_152, %scan3A_153 : i32
      %scan3A_155 = arith.constant 1 : i32
      scf.for %scan3A_181 = %scan3A_152 to %scan3A_154 step %scan3A_155  : i32 {
        %mul3A_182 = arith.constant 1 : i32
        %mul3A_183 = arith.muli %scan3A_181, %mul3A_182 : i32
        %add3A_184 = arith.constant 0 : i32
        %add3A_185 = arith.addi %add3A_184, %mul3A_183 : i32
        %mul3A_186 = arith.constant 16 : i32
        %mul3A_187 = arith.muli %add3A_185, %mul3A_186 : i32
        %get3A = arith.index_cast %mul3A_187 : i32 to index
        %get3A_188 = tpu.vector_load %arg10[%get3A] {strides = array<i32>} : memref<4096xi32, #tpu.memory_space<vmem>>, vector<16xi32>,
        %add3A_189 = arith.addi %mul3A_136, %get3A_188 : vector<16xi32>
        %add3A_190 = vector.broadcast %mul3A_187 : i32 to vector<16xi32>
        %add3A_191 = arith.addi %add3A_190, %iota3A : vector<16xi32>
        %gather3A = tpu.vector_load_idx %arg11[%add3A_189] masked %lt3A_110 : memref<32768xi32, #tpu.memory_space<vmem>>[vector<16xi32>], vector<16xi32>, vector<16xi1>
        tpu.vector_store_idx %arg11[%add3A_189], %broadcast_in_dim3A_33 masked %lt3A_110 {add = true} : memref<32768xi32, #tpu.memory_space<vmem>>[vector<16xi32>], vector<16xi32>, vector<16xi1>
        tpu.vector_store_idx %arg13[%gather3A], %add3A_191 masked %lt3A_110 : memref<4096xi32, #tpu.memory_space<vmem>>[vector<16xi32>], vector<16xi32>, vector<16xi1>
        %gather3A_192 = tpu.vector_load_idx %arg11[%add3A_189] masked %not3A_111 : memref<32768xi32, #tpu.memory_space<vmem>>[vector<16xi32>], vector<16xi32>, vector<16xi1>
        tpu.vector_store_idx %arg11[%add3A_189], %broadcast_in_dim3A_33 masked %not3A_111 {add = true} : memref<32768xi32, #tpu.memory_space<vmem>>[vector<16xi32>], vector<16xi32>, vector<16xi1>
        tpu.vector_store_idx %arg13[%gather3A_192], %add3A_191 masked %not3A_111 : memref<4096xi32, #tpu.memory_space<vmem>>[vector<16xi32>], vector<16xi32>, vector<16xi1>
      }
      %scan3A_156 = arith.constant 256 : i32
      %dma_start3A_157 = arith.constant 0 : i32
      %dma_start3A_158 = tpu.memref_slice %arg6[%add3A, %dma_start3A_157] : memref<4x4112xi32, #tpu.memory_space<hbm>> -> memref<1x4112xi32, #tpu.memory_space<hbm>>
      %dma_start3A_159 = tpu.memref_squeeze %dma_start3A_158 : memref<1x4112xi32, #tpu.memory_space<hbm>> -> memref<4112xi32, #tpu.memory_space<hbm>>
      %dma_start3A_160 = arith.constant 0 : i32
      %dma_start3A_161 = tpu.memref_slice %arg6[%add3A, %dma_start3A_160] : memref<4x4112xi32, #tpu.memory_space<hbm>> -> memref<1x4112xi32, #tpu.memory_space<hbm>>
      %dma_start3A_162 = tpu.memref_squeeze %dma_start3A_161 : memref<1x4112xi32, #tpu.memory_space<hbm>> -> memref<4112xi32, #tpu.memory_space<hbm>>
      tpu.enqueue_dma source(%arg12 : memref<4112xi32, #tpu.memory_space<vmem>>) target(%dma_start3A_162 : memref<4112xi32, #tpu.memory_space<hbm>>) target_semaphore(%arg15 : memref<!tpu.dma_semaphore, #tpu.memory_space<semaphore_mem>>)
      %dma_start3A_163 = arith.constant 0 : i32
      %dma_start3A_164 = tpu.memref_slice %arg7[%add3A, %dma_start3A_163] : memref<4x4096xi32, #tpu.memory_space<hbm>> -> memref<1x4096xi32, #tpu.memory_space<hbm>>
      %dma_start3A_165 = tpu.memref_squeeze %dma_start3A_164 : memref<1x4096xi32, #tpu.memory_space<hbm>> -> memref<4096xi32, #tpu.memory_space<hbm>>
      %dma_start3A_166 = arith.constant 0 : i32
      %dma_start3A_167 = tpu.memref_slice %arg7[%add3A, %dma_start3A_166] : memref<4x4096xi32, #tpu.memory_space<hbm>> -> memref<1x4096xi32, #tpu.memory_space<hbm>>
      %dma_start3A_168 = tpu.memref_squeeze %dma_start3A_167 : memref<1x4096xi32, #tpu.memory_space<hbm>> -> memref<4096xi32, #tpu.memory_space<hbm>>
      tpu.enqueue_dma source(%arg13 : memref<4096xi32, #tpu.memory_space<vmem>>) target(%dma_start3A_168 : memref<4096xi32, #tpu.memory_space<hbm>>) target_semaphore(%arg16 : memref<!tpu.dma_semaphore, #tpu.memory_space<semaphore_mem>>)
      %dma_wait3A_169 = arith.constant 0 : i32
      %dma_wait3A_170 = tpu.memref_slice %arg6[%add3A, %dma_wait3A_169] : memref<4x4112xi32, #tpu.memory_space<hbm>> -> memref<1x4112xi32, #tpu.memory_space<hbm>>
      %dma_wait3A_171 = tpu.memref_squeeze %dma_wait3A_170 : memref<1x4112xi32, #tpu.memory_space<hbm>> -> memref<4112xi32, #tpu.memory_space<hbm>>
      %dma_wait3A_172 = arith.constant 0 : i32
      %dma_wait3A_173 = tpu.memref_slice %arg6[%add3A, %dma_wait3A_172] : memref<4x4112xi32, #tpu.memory_space<hbm>> -> memref<1x4112xi32, #tpu.memory_space<hbm>>
      %dma_wait3A_174 = tpu.memref_squeeze %dma_wait3A_173 : memref<1x4112xi32, #tpu.memory_space<hbm>> -> memref<4112xi32, #tpu.memory_space<hbm>>
      tpu.wait_dma2 semaphore(%arg15 : memref<!tpu.dma_semaphore, #tpu.memory_space<semaphore_mem>>) src(%arg12 : memref<4112xi32, #tpu.memory_space<vmem>>) dst(%dma_wait3A_174 : memref<4112xi32, #tpu.memory_space<hbm>>)
      %dma_wait3A_175 = arith.constant 0 : i32
      %dma_wait3A_176 = tpu.memref_slice %arg7[%add3A, %dma_wait3A_175] : memref<4x4096xi32, #tpu.memory_space<hbm>> -> memref<1x4096xi32, #tpu.memory_space<hbm>>
      %dma_wait3A_177 = tpu.memref_squeeze %dma_wait3A_176 : memref<1x4096xi32, #tpu.memory_space<hbm>> -> memref<4096xi32, #tpu.memory_space<hbm>>
      %dma_wait3A_178 = arith.constant 0 : i32
      %dma_wait3A_179 = tpu.memref_slice %arg7[%add3A, %dma_wait3A_178] : memref<4x4096xi32, #tpu.memory_space<hbm>> -> memref<1x4096xi32, #tpu.memory_space<hbm>>
      %dma_wait3A_180 = tpu.memref_squeeze %dma_wait3A_179 : memref<1x4096xi32, #tpu.memory_space<hbm>> -> memref<4096xi32, #tpu.memory_space<hbm>>
      tpu.wait_dma2 semaphore(%arg16 : memref<!tpu.dma_semaphore, #tpu.memory_space<semaphore_mem>>) src(%arg13 : memref<4096xi32, #tpu.memory_space<vmem>>) dst(%dma_wait3A_180 : memref<4096xi32, #tpu.memory_space<hbm>>)
    } else {
    }
    %barrier3A = arith.constant 0 : index
    tpu.barrier barrier_id(%barrier3A)
    %dma_start3A_75 = arith.constant 0 : i32
    %dma_start3A_76 = tpu.memref_slice %arg6[%add3A, %dma_start3A_75] : memref<4x4112xi32, #tpu.memory_space<hbm>> -> memref<1x4112xi32, #tpu.memory_space<hbm>>
    %dma_start3A_77 = tpu.memref_squeeze %dma_start3A_76 : memref<1x4112xi32, #tpu.memory_space<hbm>> -> memref<4112xi32, #tpu.memory_space<hbm>>
    %dma_start3A_78 = arith.constant 0 : i32
    %dma_start3A_79 = tpu.memref_slice %arg6[%add3A, %dma_start3A_78] : memref<4x4112xi32, #tpu.memory_space<hbm>> -> memref<1x4112xi32, #tpu.memory_space<hbm>>
    %dma_start3A_80 = tpu.memref_squeeze %dma_start3A_79 : memref<1x4112xi32, #tpu.memory_space<hbm>> -> memref<4112xi32, #tpu.memory_space<hbm>>
    tpu.enqueue_dma source(%dma_start3A_80 : memref<4112xi32, #tpu.memory_space<hbm>>) target(%arg12 : memref<4112xi32, #tpu.memory_space<vmem>>) target_semaphore(%arg15 : memref<!tpu.dma_semaphore, #tpu.memory_space<semaphore_mem>>)
    %dma_start3A_81 = arith.constant 0 : i32
    %dma_start3A_82 = tpu.memref_slice %arg7[%add3A, %dma_start3A_81] : memref<4x4096xi32, #tpu.memory_space<hbm>> -> memref<1x4096xi32, #tpu.memory_space<hbm>>
    %dma_start3A_83 = tpu.memref_squeeze %dma_start3A_82 : memref<1x4096xi32, #tpu.memory_space<hbm>> -> memref<4096xi32, #tpu.memory_space<hbm>>
    %dma_start3A_84 = arith.constant 0 : i32
    %dma_start3A_85 = tpu.memref_slice %arg7[%add3A, %dma_start3A_84] : memref<4x4096xi32, #tpu.memory_space<hbm>> -> memref<1x4096xi32, #tpu.memory_space<hbm>>
    %dma_start3A_86 = tpu.memref_squeeze %dma_start3A_85 : memref<1x4096xi32, #tpu.memory_space<hbm>> -> memref<4096xi32, #tpu.memory_space<hbm>>
    tpu.enqueue_dma source(%dma_start3A_86 : memref<4096xi32, #tpu.memory_space<hbm>>) target(%arg13 : memref<4096xi32, #tpu.memory_space<vmem>>) target_semaphore(%arg16 : memref<!tpu.dma_semaphore, #tpu.memory_space<semaphore_mem>>)
    %dma_wait3A_87 = arith.constant 0 : i32
    %dma_wait3A_88 = tpu.memref_slice %arg6[%add3A, %dma_wait3A_87] : memref<4x4112xi32, #tpu.memory_space<hbm>> -> memref<1x4112xi32, #tpu.memory_space<hbm>>
    %dma_wait3A_89 = tpu.memref_squeeze %dma_wait3A_88 : memref<1x4112xi32, #tpu.memory_space<hbm>> -> memref<4112xi32, #tpu.memory_space<hbm>>
    %dma_wait3A_90 = arith.constant 0 : i32
    %dma_wait3A_91 = tpu.memref_slice %arg6[%add3A, %dma_wait3A_90] : memref<4x4112xi32, #tpu.memory_space<hbm>> -> memref<1x4112xi32, #tpu.memory_space<hbm>>
    %dma_wait3A_92 = tpu.memref_squeeze %dma_wait3A_91 : memref<1x4112xi32, #tpu.memory_space<hbm>> -> memref<4112xi32, #tpu.memory_space<hbm>>
    tpu.wait_dma2 semaphore(%arg15 : memref<!tpu.dma_semaphore, #tpu.memory_space<semaphore_mem>>) src(%dma_wait3A_92 : memref<4112xi32, #tpu.memory_space<hbm>>) dst(%arg12 : memref<4112xi32, #tpu.memory_space<vmem>>)
    %dma_wait3A_93 = arith.constant 0 : i32
    %dma_wait3A_94 = tpu.memref_slice %arg7[%add3A, %dma_wait3A_93] : memref<4x4096xi32, #tpu.memory_space<hbm>> -> memref<1x4096xi32, #tpu.memory_space<hbm>>
    %dma_wait3A_95 = tpu.memref_squeeze %dma_wait3A_94 : memref<1x4096xi32, #tpu.memory_space<hbm>> -> memref<4096xi32, #tpu.memory_space<hbm>>
    %dma_wait3A_96 = arith.constant 0 : i32
    %dma_wait3A_97 = tpu.memref_slice %arg7[%add3A, %dma_wait3A_96] : memref<4x4096xi32, #tpu.memory_space<hbm>> -> memref<1x4096xi32, #tpu.memory_space<hbm>>
    %dma_wait3A_98 = tpu.memref_squeeze %dma_wait3A_97 : memref<1x4096xi32, #tpu.memory_space<hbm>> -> memref<4096xi32, #tpu.memory_space<hbm>>
    tpu.wait_dma2 semaphore(%arg16 : memref<!tpu.dma_semaphore, #tpu.memory_space<semaphore_mem>>) src(%dma_wait3A_98 : memref<4096xi32, #tpu.memory_space<hbm>>) dst(%arg13 : memref<4096xi32, #tpu.memory_space<vmem>>)
    %scan3A = arith.constant 0 : i32
    %scan3A_99 = arith.constant 32 : i32
    %scan3A_100 = arith.addi %scan3A, %scan3A_99 : i32
    %scan3A_101 = arith.constant 1 : i32
    scf.for %scan3A_103 = %scan3A to %scan3A_100 step %scan3A_101  : i32 {
      %mul3A_104 = arith.constant 1 : i32
      %mul3A_105 = arith.muli %scan3A_103, %mul3A_104 : i32
      %add3A_106 = arith.constant 0 : i32
      %add3A_107 = arith.addi %add3A_106, %mul3A_105 : i32
      %mul3A_108 = arith.constant 16 : i32
      %mul3A_109 = arith.muli %add3A_107, %mul3A_108 : i32
      %add3A_110 = arith.addi %mul3A_32, %mul3A_109 : i32
      %add3A_111 = vector.broadcast %add3A_110 : i32 to vector<16xi32>
      %add3A_112 = arith.addi %add3A_111, %iota3A : vector<16xi32>
      %get3A = arith.index_cast %add3A_110 : i32 to index
      %get3A_113 = tpu.vector_load %arg8[%get3A] {strides = array<i32>} : memref<4096xf32, #tpu.memory_space<vmem>>, vector<16xf32>,
      %get3A_114 = arith.index_cast %add3A_110 : i32 to index
      %get3A_115 = tpu.vector_load %arg9[%get3A_114] {strides = array<i32>} : memref<4096xf32, #tpu.memory_space<vmem>>, vector<16xf32>,
      %mul3A_116 = arith.constant 6.400000e+01 : f32
      %mul3A_117 = vector.broadcast %mul3A_116 : f32 to vector<16xf32>
      %mul3A_118 = arith.mulf %get3A_113, %mul3A_117 : vector<16xf32>
      %convert_element_type3A_119 = arith.fptosi %mul3A_118 : vector<16xf32> to vector<16xi32>
      %min3A = arith.constant 63 : i32
      %min3A_120 = vector.broadcast %min3A : i32 to vector<16xi32>
      %min3A_121 = arith.minsi %convert_element_type3A_119, %min3A_120 : vector<16xi32>
      %mul3A_122 = arith.constant 6.400000e+01 : f32
      %mul3A_123 = vector.broadcast %mul3A_122 : f32 to vector<16xf32>
      %mul3A_124 = arith.mulf %get3A_115, %mul3A_123 : vector<16xf32>
      %convert_element_type3A_125 = arith.fptosi %mul3A_124 : vector<16xf32> to vector<16xi32>
      %min3A_126 = arith.constant 63 : i32
      %min3A_127 = vector.broadcast %min3A_126 : i32 to vector<16xi32>
      %min3A_128 = arith.minsi %convert_element_type3A_125, %min3A_127 : vector<16xi32>
      %sub3A_129 = arith.constant 1 : i32
      %sub3A_130 = vector.broadcast %sub3A_129 : i32 to vector<16xi32>
      %sub3A_131 = arith.subi %min3A_121, %sub3A_130 : vector<16xi32>
      %max3A = arith.constant 0 : i32
      %max3A_132 = vector.broadcast %max3A : i32 to vector<16xi32>
      %max3A_133 = arith.maxsi %sub3A_131, %max3A_132 : vector<16xi32>
      %add3A_134 = arith.constant 1 : i32
      %add3A_135 = vector.broadcast %add3A_134 : i32 to vector<16xi32>
      %add3A_136 = arith.addi %min3A_121, %add3A_135 : vector<16xi32>
      %min3A_137 = arith.constant 63 : i32
      %min3A_138 = vector.broadcast %min3A_137 : i32 to vector<16xi32>
      %min3A_139 = arith.minsi %add3A_136, %min3A_138 : vector<16xi32>
      %broadcast_in_dim3A_140 = arith.constant 1073741824 : i32
      %broadcast_in_dim3A_141 = vector.broadcast %broadcast_in_dim3A_140 : i32 to vector<16xi32>
      %broadcast_in_dim3A_142 = arith.constant 1073741824 : i32
      %broadcast_in_dim3A_143 = vector.broadcast %broadcast_in_dim3A_142 : i32 to vector<16xi32>
      %broadcast_in_dim3A_144 = arith.constant 1073741824 : i32
      %broadcast_in_dim3A_145 = vector.broadcast %broadcast_in_dim3A_144 : i32 to vector<16xi32>
      %broadcast_in_dim3A_146 = arith.constant 1073741824 : i32
      %broadcast_in_dim3A_147 = vector.broadcast %broadcast_in_dim3A_146 : i32 to vector<16xi32>
      %broadcast_in_dim3A_148 = arith.constant 1073741824 : i32
      %broadcast_in_dim3A_149 = vector.broadcast %broadcast_in_dim3A_148 : i32 to vector<16xi32>
      %broadcast_in_dim3A_150 = arith.constant 1073741824 : i32
      %broadcast_in_dim3A_151 = vector.broadcast %broadcast_in_dim3A_150 : i32 to vector<16xi32>
      %broadcast_in_dim3A_152 = arith.constant 1073741824 : i32
      %broadcast_in_dim3A_153 = vector.broadcast %broadcast_in_dim3A_152 : i32 to vector<16xi32>
      %broadcast_in_dim3A_154 = arith.constant 1073741824 : i32
      %broadcast_in_dim3A_155 = vector.broadcast %broadcast_in_dim3A_154 : i32 to vector<16xi32>
      %broadcast_in_dim3A_156 = arith.constant 1073741824 : i32
      %broadcast_in_dim3A_157 = vector.broadcast %broadcast_in_dim3A_156 : i32 to vector<16xi32>
      %broadcast_in_dim3A_158 = arith.constant 1073741824 : i32
      %broadcast_in_dim3A_159 = vector.broadcast %broadcast_in_dim3A_158 : i32 to vector<16xi32>
      %broadcast_in_dim3A_160 = arith.constant 1073741824 : i32
      %broadcast_in_dim3A_161 = vector.broadcast %broadcast_in_dim3A_160 : i32 to vector<16xi32>
      %broadcast_in_dim3A_162 = arith.constant 1073741824 : i32
      %broadcast_in_dim3A_163 = vector.broadcast %broadcast_in_dim3A_162 : i32 to vector<16xi32>
      %broadcast_in_dim3A_164 = arith.constant 1073741824 : i32
      %broadcast_in_dim3A_165 = vector.broadcast %broadcast_in_dim3A_164 : i32 to vector<16xi32>
      %broadcast_in_dim3A_166 = arith.constant 1073741824 : i32
      %broadcast_in_dim3A_167 = vector.broadcast %broadcast_in_dim3A_166 : i32 to vector<16xi32>
      %broadcast_in_dim3A_168 = arith.constant 1073741824 : i32
      %broadcast_in_dim3A_169 = vector.broadcast %broadcast_in_dim3A_168 : i32 to vector<16xi32>
      %broadcast_in_dim3A_170 = arith.constant 1073741824 : i32
      %broadcast_in_dim3A_171 = vector.broadcast %broadcast_in_dim3A_170 : i32 to vector<16xi32>
      %add3A_172 = arith.constant -1 : i32
      %add3A_173 = vector.broadcast %add3A_172 : i32 to vector<16xi32>
      %add3A_174 = arith.addi %min3A_128, %add3A_173 : vector<16xi32>
      %ge3A = arith.constant 0 : i32
      %ge3A_175 = vector.broadcast %ge3A : i32 to vector<16xi32>
      %ge3A_176 = arith.cmpi sge, %add3A_174, %ge3A_175 : vector<16xi32>
      %lt3A_177 = arith.constant 64 : i32
      %lt3A_178 = vector.broadcast %lt3A_177 : i32 to vector<16xi32>
      %lt3A_179 = arith.cmpi slt, %add3A_174, %lt3A_178 : vector<16xi32>
      %and3A_180 = arith.andi %ge3A_176, %lt3A_179 : vector<16xi1>
      %jit3A_181 = arith.constant 0 : i32
      %jit3A_182 = arith.constant 63 : i32
      %max3A_183 = vector.broadcast %jit3A_181 : i32 to vector<16xi32>
      %max3A_184 = arith.maxsi %max3A_183, %add3A_174 : vector<16xi32>
      %min3A_185 = vector.broadcast %jit3A_182 : i32 to vector<16xi32>
      %min3A_186 = arith.minsi %min3A_185, %max3A_184 : vector<16xi32>
      %mul3A_187 = arith.constant 64 : i32
      %mul3A_188 = vector.broadcast %mul3A_187 : i32 to vector<16xi32>
      %mul3A_189 = arith.muli %min3A_186, %mul3A_188 : vector<16xi32>
      %add3A_190 = arith.addi %mul3A_189, %max3A_133 : vector<16xi32>
      %gather3A = tpu.vector_load_idx %arg12[%add3A_190] : memref<4112xi32, #tpu.memory_space<vmem>>[vector<16xi32>], vector<16xi32>,
      %mul3A_191 = arith.constant 64 : i32
      %mul3A_192 = vector.broadcast %mul3A_191 : i32 to vector<16xi32>
      %mul3A_193 = arith.muli %min3A_186, %mul3A_192 : vector<16xi32>
      %add3A_194 = arith.addi %mul3A_193, %min3A_139 : vector<16xi32>
      %add3A_195 = arith.constant 1 : i32
      %add3A_196 = vector.broadcast %add3A_195 : i32 to vector<16xi32>
      %add3A_197 = arith.addi %add3A_194, %add3A_196 : vector<16xi32>
      %gather3A_198 = tpu.vector_load_idx %arg12[%add3A_197] : memref<4112xi32, #tpu.memory_space<vmem>>[vector<16xi32>], vector<16xi32>,
      %jit3A_199 = arith.constant 0 : i32
      %broadcast_in_dim3A_200 = vector.broadcast %jit3A_199 : i32 to vector<16xi32>
      %select_n3A_201 = arith.select %and3A_180, %gather3A, %broadcast_in_dim3A_200 : vector<16xi1>, vector<16xi32>
      %jit3A_202 = arith.constant 0 : i32
      %jit3A_203 = arith.constant 4096 : i32
      %max3A_204 = vector.broadcast %jit3A_202 : i32 to vector<16xi32>
      %max3A_205 = arith.maxsi %max3A_204, %select_n3A_201 : vector<16xi32>
      %min3A_206 = vector.broadcast %jit3A_203 : i32 to vector<16xi32>
      %min3A_207 = arith.minsi %min3A_206, %max3A_205 : vector<16xi32>
      %jit3A_208 = arith.constant 0 : i32
      %broadcast_in_dim3A_209 = vector.broadcast %jit3A_208 : i32 to vector<16xi32>
      %select_n3A_210 = arith.select %and3A_180, %gather3A_198, %broadcast_in_dim3A_209 : vector<16xi1>, vector<16xi32>
      %jit3A_211 = arith.constant 0 : i32
      %jit3A_212 = arith.constant 4096 : i32
      %max3A_213 = vector.broadcast %jit3A_211 : i32 to vector<16xi32>
      %max3A_214 = arith.maxsi %max3A_213, %select_n3A_210 : vector<16xi32>
      %min3A_215 = vector.broadcast %jit3A_212 : i32 to vector<16xi32>
      %min3A_216 = arith.minsi %min3A_215, %max3A_214 : vector<16xi32>
      %sub3A_217 = arith.subi %min3A_216, %min3A_207 : vector<16xi32>
      %max3A_218 = arith.constant 0 : i32
      %max3A_219 = vector.broadcast %max3A_218 : i32 to vector<16xi32>
      %max3A_220 = arith.maxsi %sub3A_217, %max3A_219 : vector<16xi32>
      %reduce_max3A = arith.constant true
      %reduce_max3A_221 = vector.broadcast %reduce_max3A : i1 to vector<16xi1>
      %reduce_max3A_222 = arith.constant -2147483648 : i32
      %reduce_max3A_223 = vector.broadcast %reduce_max3A_222 : i32 to vector<16xi32>
      %reduce_max3A_224 = arith.xori %max3A_220, %reduce_max3A_223 : vector<16xi32>
      %reduce_max3A_225 = tpu.scan <max>, %reduce_max3A_224 masked %reduce_max3A_221 : vector<16xi32>, vector<16xi1> -> vector<16xi32>
      %reduce_max3A_226 = arith.xori %reduce_max3A_225, %reduce_max3A_223 : vector<16xi32>
      %reduce_max3A_227 = vector.extract %reduce_max3A_226[15] : i32 from vector<16xi32>
      %add3A_228 = arith.constant 1 : i32
      %add3A_229 = arith.addi %reduce_max3A_227, %add3A_228 : i32
      %jit3A_230 = arith.constant 2 : i32
      %div3A_231 = arith.divsi %add3A_229, %jit3A_230 : i32
      %sign3A_232 = arith.constant 0 : i32
      %sign3A_233 = arith.cmpi sgt, %add3A_229, %sign3A_232 : i32
      %sign3A_234 = arith.extui %sign3A_233 : i1 to i32
      %sign3A_235 = arith.constant 0 : i32
      %sign3A_236 = arith.cmpi slt, %add3A_229, %sign3A_235 : i32
      %sign3A_237 = arith.extui %sign3A_236 : i1 to i32
      %sign3A_238 = arith.subi %sign3A_234, %sign3A_237 : i32
      %sign3A_239 = arith.constant 0 : i32
      %sign3A_240 = arith.cmpi sgt, %jit3A_230, %sign3A_239 : i32
      %sign3A_241 = arith.extui %sign3A_240 : i1 to i32
      %sign3A_242 = arith.constant 0 : i32
      %sign3A_243 = arith.cmpi slt, %jit3A_230, %sign3A_242 : i32
      %sign3A_244 = arith.extui %sign3A_243 : i1 to i32
      %sign3A_245 = arith.subi %sign3A_241, %sign3A_244 : i32
      %ne3A_246 = arith.cmpi ne, %sign3A_238, %sign3A_245 : i32
      %rem3A_247 = arith.remsi %add3A_229, %jit3A_230 : i32
      %ne3A_248 = arith.constant 0 : i32
      %ne3A_249 = arith.cmpi ne, %rem3A_247, %ne3A_248 : i32
      %and3A_250 = arith.andi %ne3A_246, %ne3A_249 : i1
      %sub3A_251 = arith.constant 1 : i32
      %sub3A_252 = arith.subi %div3A_231, %sub3A_251 : i32
      %select_n3A_253 = arith.select %and3A_250, %sub3A_252, %div3A_231 : i32
      %while3A = arith.constant 0 : i32
      %while3A_254 = arith.subi %select_n3A_253, %while3A : i32
      %while3A_255 = arith.addi %while3A, %while3A_254 : i32
      %while3A_256 = arith.constant 1 : i32
      %while3A_257 = arith.divsi %while3A_254, %while3A_256 : i32
      %while3A_258 = arith.muli %while3A_257, %while3A_256 : i32
      %while3A_259 = arith.addi %while3A, %while3A_258 : i32
      %while3A_260 = arith.constant 1 : i32
      %while3A_261:16 = scf.for %while3A_668 = %while3A to %while3A_259 step %while3A_260 iter_args(%while3A_669 = %broadcast_in_dim3A_141, %while3A_670 = %broadcast_in_dim3A_143, %while3A_671 = %broadcast_in_dim3A_145, %while3A_672 = %broadcast_in_dim3A_147, %while3A_673 = %broadcast_in_dim3A_149, %while3A_674 = %broadcast_in_dim3A_151, %while3A_675 = %broadcast_in_dim3A_153, %while3A_676 = %broadcast_in_dim3A_155, %while3A_677 = %broadcast_in_dim3A_157, %while3A_678 = %broadcast_in_dim3A_159, %while3A_679 = %broadcast_in_dim3A_161, %while3A_680 = %broadcast_in_dim3A_163, %while3A_681 = %broadcast_in_dim3A_165, %while3A_682 = %broadcast_in_dim3A_167, %while3A_683 = %broadcast_in_dim3A_169, %while3A_684 = %broadcast_in_dim3A_171) -> (vector<16xi32>, vector<16xi32>, vector<16xi32>, vector<16xi32>, vector<16xi32>, vector<16xi32>, vector<16xi32>, vector<16xi32>, vector<16xi32>, vector<16xi32>, vector<16xi32>, vector<16xi32>, vector<16xi32>, vector<16xi32>, vector<16xi32>, vector<16xi32>)  : i32 {
        %mul3A_685 = arith.constant 2 : i32
        %mul3A_686 = arith.muli %mul3A_685, %while3A_668 : i32
        %lt3A_687 = vector.broadcast %mul3A_686 : i32 to vector<16xi32>
        %lt3A_688 = arith.cmpi slt, %lt3A_687, %max3A_220 : vector<16xi32>
        %add3A_689 = vector.broadcast %mul3A_686 : i32 to vector<16xi32>
        %add3A_690 = arith.addi %min3A_207, %add3A_689 : vector<16xi32>
        %jit3A_691 = arith.constant 0 : i32
        %broadcast_in_dim3A_692 = vector.broadcast %jit3A_691 : i32 to vector<16xi32>
        %select_n3A_693 = arith.select %lt3A_688, %add3A_690, %broadcast_in_dim3A_692 : vector<16xi1>, vector<16xi32>
        %jit3A_694 = arith.constant 0 : i32
        %jit3A_695 = arith.constant 4095 : i32
        %max3A_696 = vector.broadcast %jit3A_694 : i32 to vector<16xi32>
        %max3A_697 = arith.maxsi %max3A_696, %select_n3A_693 : vector<16xi32>
        %min3A_698 = vector.broadcast %jit3A_695 : i32 to vector<16xi32>
        %min3A_699 = arith.minsi %min3A_698, %max3A_697 : vector<16xi32>
        %gather3A_700 = tpu.vector_load_idx %arg13[%min3A_699] : memref<4096xi32, #tpu.memory_space<vmem>>[vector<16xi32>], vector<16xi32>,
        %jit3A_701 = arith.constant 0 : i32
        %jit3A_702 = arith.constant 4095 : i32
        %max3A_703 = vector.broadcast %jit3A_701 : i32 to vector<16xi32>
        %max3A_704 = arith.maxsi %max3A_703, %gather3A_700 : vector<16xi32>
        %min3A_705 = vector.broadcast %jit3A_702 : i32 to vector<16xi32>
        %min3A_706 = arith.minsi %min3A_705, %max3A_704 : vector<16xi32>
        %gather3A_707 = tpu.vector_load_idx %arg8[%min3A_706] : memref<4096xf32, #tpu.memory_space<vmem>>[vector<16xi32>], vector<16xf32>,
        %gather3A_708 = tpu.vector_load_idx %arg9[%min3A_706] : memref<4096xf32, #tpu.memory_space<vmem>>[vector<16xi32>], vector<16xf32>,
        %sub3A_709 = arith.subf %get3A_113, %gather3A_707 : vector<16xf32>
        %sub3A_710 = arith.subf %get3A_115, %gather3A_708 : vector<16xf32>
        %mul3A_711 = arith.mulf %sub3A_709, %sub3A_709 : vector<16xf32>
        %mul3A_712 = arith.mulf %sub3A_710, %sub3A_710 : vector<16xf32>
        %add3A_713 = arith.addf %mul3A_711, %mul3A_712 : vector<16xf32>
        %lt3A_714 = arith.constant 1.08506945E-4 : f32
        %lt3A_715 = vector.broadcast %lt3A_714 : f32 to vector<16xf32>
        %lt3A_716 = arith.cmpf olt, %add3A_713, %lt3A_715 : vector<16xf32>
        %and3A_717 = arith.andi %lt3A_688, %lt3A_716 : vector<16xi1>
        %jit3A_718 = arith.constant 1073741824 : i32
        %broadcast_in_dim3A_719 = vector.broadcast %jit3A_718 : i32 to vector<16xi32>
        %select_n3A_720 = arith.select %and3A_717, %min3A_706, %broadcast_in_dim3A_719 : vector<16xi1>, vector<16xi32>
        %min3A_721 = arith.minsi %while3A_669, %select_n3A_720 : vector<16xi32>
        %min3A_722 = arith.minsi %while3A_670, %select_n3A_720 : vector<16xi32>
        %max3A_723 = arith.maxsi %while3A_669, %min3A_722 : vector<16xi32>
        %min3A_724 = arith.minsi %while3A_671, %select_n3A_720 : vector<16xi32>
        %max3A_725 = arith.maxsi %while3A_670, %min3A_724 : vector<16xi32>
        %min3A_726 = arith.minsi %while3A_672, %select_n3A_720 : vector<16xi32>
        %max3A_727 = arith.maxsi %while3A_671, %min3A_726 : vector<16xi32>
        %min3A_728 = arith.minsi %while3A_673, %select_n3A_720 : vector<16xi32>
        %max3A_729 = arith.maxsi %while3A_672, %min3A_728 : vector<16xi32>
        %min3A_730 = arith.minsi %while3A_674, %select_n3A_720 : vector<16xi32>
        %max3A_731 = arith.maxsi %while3A_673, %min3A_730 : vector<16xi32>
        %min3A_732 = arith.minsi %while3A_675, %select_n3A_720 : vector<16xi32>
        %max3A_733 = arith.maxsi %while3A_674, %min3A_732 : vector<16xi32>
        %min3A_734 = arith.minsi %while3A_676, %select_n3A_720 : vector<16xi32>
        %max3A_735 = arith.maxsi %while3A_675, %min3A_734 : vector<16xi32>
        %min3A_736 = arith.minsi %while3A_677, %select_n3A_720 : vector<16xi32>
        %max3A_737 = arith.maxsi %while3A_676, %min3A_736 : vector<16xi32>
        %min3A_738 = arith.minsi %while3A_678, %select_n3A_720 : vector<16xi32>
        %max3A_739 = arith.maxsi %while3A_677, %min3A_738 : vector<16xi32>
        %min3A_740 = arith.minsi %while3A_679, %select_n3A_720 : vector<16xi32>
        %max3A_741 = arith.maxsi %while3A_678, %min3A_740 : vector<16xi32>
        %min3A_742 = arith.minsi %while3A_680, %select_n3A_720 : vector<16xi32>
        %max3A_743 = arith.maxsi %while3A_679, %min3A_742 : vector<16xi32>
        %min3A_744 = arith.minsi %while3A_681, %select_n3A_720 : vector<16xi32>
        %max3A_745 = arith.maxsi %while3A_680, %min3A_744 : vector<16xi32>
        %min3A_746 = arith.minsi %while3A_682, %select_n3A_720 : vector<16xi32>
        %max3A_747 = arith.maxsi %while3A_681, %min3A_746 : vector<16xi32>
        %min3A_748 = arith.minsi %while3A_683, %select_n3A_720 : vector<16xi32>
        %max3A_749 = arith.maxsi %while3A_682, %min3A_748 : vector<16xi32>
        %min3A_750 = arith.minsi %while3A_684, %select_n3A_720 : vector<16xi32>
        %max3A_751 = arith.maxsi %while3A_683, %min3A_750 : vector<16xi32>
        %mul3A_752 = arith.constant 2 : i32
        %mul3A_753 = arith.muli %mul3A_752, %while3A_668 : i32
        %add3A_754 = arith.constant 1 : i32
        %add3A_755 = arith.addi %mul3A_753, %add3A_754 : i32
        %lt3A_756 = vector.broadcast %add3A_755 : i32 to vector<16xi32>
        %lt3A_757 = arith.cmpi slt, %lt3A_756, %max3A_220 : vector<16xi32>
        %add3A_758 = vector.broadcast %add3A_755 : i32 to vector<16xi32>
        %add3A_759 = arith.addi %min3A_207, %add3A_758 : vector<16xi32>
        %jit3A_760 = arith.constant 0 : i32
        %broadcast_in_dim3A_761 = vector.broadcast %jit3A_760 : i32 to vector<16xi32>
        %select_n3A_762 = arith.select %lt3A_757, %add3A_759, %broadcast_in_dim3A_761 : vector<16xi1>, vector<16xi32>
        %jit3A_763 = arith.constant 0 : i32
        %jit3A_764 = arith.constant 4095 : i32
        %max3A_765 = vector.broadcast %jit3A_763 : i32 to vector<16xi32>
        %max3A_766 = arith.maxsi %max3A_765, %select_n3A_762 : vector<16xi32>
        %min3A_767 = vector.broadcast %jit3A_764 : i32 to vector<16xi32>
        %min3A_768 = arith.minsi %min3A_767, %max3A_766 : vector<16xi32>
        %gather3A_769 = tpu.vector_load_idx %arg13[%min3A_768] : memref<4096xi32, #tpu.memory_space<vmem>>[vector<16xi32>], vector<16xi32>,
        %jit3A_770 = arith.constant 0 : i32
        %jit3A_771 = arith.constant 4095 : i32
        %max3A_772 = vector.broadcast %jit3A_770 : i32 to vector<16xi32>
        %max3A_773 = arith.maxsi %max3A_772, %gather3A_769 : vector<16xi32>
        %min3A_774 = vector.broadcast %jit3A_771 : i32 to vector<16xi32>
        %min3A_775 = arith.minsi %min3A_774, %max3A_773 : vector<16xi32>
        %gather3A_776 = tpu.vector_load_idx %arg8[%min3A_775] : memref<4096xf32, #tpu.memory_space<vmem>>[vector<16xi32>], vector<16xf32>,
        %gather3A_777 = tpu.vector_load_idx %arg9[%min3A_775] : memref<4096xf32, #tpu.memory_space<vmem>>[vector<16xi32>], vector<16xf32>,
        %sub3A_778 = arith.subf %get3A_113, %gather3A_776 : vector<16xf32>
        %sub3A_779 = arith.subf %get3A_115, %gather3A_777 : vector<16xf32>
        %mul3A_780 = arith.mulf %sub3A_778, %sub3A_778 : vector<16xf32>
        %mul3A_781 = arith.mulf %sub3A_779, %sub3A_779 : vector<16xf32>
        %add3A_782 = arith.addf %mul3A_780, %mul3A_781 : vector<16xf32>
        %lt3A_783 = arith.constant 1.08506945E-4 : f32
        %lt3A_784 = vector.broadcast %lt3A_783 : f32 to vector<16xf32>
        %lt3A_785 = arith.cmpf olt, %add3A_782, %lt3A_784 : vector<16xf32>
        %and3A_786 = arith.andi %lt3A_757, %lt3A_785 : vector<16xi1>
        %jit3A_787 = arith.constant 1073741824 : i32
        %broadcast_in_dim3A_788 = vector.broadcast %jit3A_787 : i32 to vector<16xi32>
        %select_n3A_789 = arith.select %and3A_786, %min3A_775, %broadcast_in_dim3A_788 : vector<16xi1>, vector<16xi32>
        %min3A_790 = arith.minsi %min3A_721, %select_n3A_789 : vector<16xi32>
        %min3A_791 = arith.minsi %max3A_723, %select_n3A_789 : vector<16xi32>
        %max3A_792 = arith.maxsi %min3A_721, %min3A_791 : vector<16xi32>
        %min3A_793 = arith.minsi %max3A_725, %select_n3A_789 : vector<16xi32>
        %max3A_794 = arith.maxsi %max3A_723, %min3A_793 : vector<16xi32>
        %min3A_795 = arith.minsi %max3A_727, %select_n3A_789 : vector<16xi32>
        %max3A_796 = arith.maxsi %max3A_725, %min3A_795 : vector<16xi32>
        %min3A_797 = arith.minsi %max3A_729, %select_n3A_789 : vector<16xi32>
        %max3A_798 = arith.maxsi %max3A_727, %min3A_797 : vector<16xi32>
        %min3A_799 = arith.minsi %max3A_731, %select_n3A_789 : vector<16xi32>
        %max3A_800 = arith.maxsi %max3A_729, %min3A_799 : vector<16xi32>
        %min3A_801 = arith.minsi %max3A_733, %select_n3A_789 : vector<16xi32>
        %max3A_802 = arith.maxsi %max3A_731, %min3A_801 : vector<16xi32>
        %min3A_803 = arith.minsi %max3A_735, %select_n3A_789 : vector<16xi32>
        %max3A_804 = arith.maxsi %max3A_733, %min3A_803 : vector<16xi32>
        %min3A_805 = arith.minsi %max3A_737, %select_n3A_789 : vector<16xi32>
        %max3A_806 = arith.maxsi %max3A_735, %min3A_805 : vector<16xi32>
        %min3A_807 = arith.minsi %max3A_739, %select_n3A_789 : vector<16xi32>
        %max3A_808 = arith.maxsi %max3A_737, %min3A_807 : vector<16xi32>
        %min3A_809 = arith.minsi %max3A_741, %select_n3A_789 : vector<16xi32>
        %max3A_810 = arith.maxsi %max3A_739, %min3A_809 : vector<16xi32>
        %min3A_811 = arith.minsi %max3A_743, %select_n3A_789 : vector<16xi32>
        %max3A_812 = arith.maxsi %max3A_741, %min3A_811 : vector<16xi32>
        %min3A_813 = arith.minsi %max3A_745, %select_n3A_789 : vector<16xi32>
        %max3A_814 = arith.maxsi %max3A_743, %min3A_813 : vector<16xi32>
        %min3A_815 = arith.minsi %max3A_747, %select_n3A_789 : vector<16xi32>
        %max3A_816 = arith.maxsi %max3A_745, %min3A_815 : vector<16xi32>
        %min3A_817 = arith.minsi %max3A_749, %select_n3A_789 : vector<16xi32>
        %max3A_818 = arith.maxsi %max3A_747, %min3A_817 : vector<16xi32>
        %min3A_819 = arith.minsi %max3A_751, %select_n3A_789 : vector<16xi32>
        %max3A_820 = arith.maxsi %max3A_749, %min3A_819 : vector<16xi32>
        scf.yield %min3A_790, %max3A_792, %max3A_794, %max3A_796, %max3A_798, %max3A_800, %max3A_802, %max3A_804, %max3A_806, %max3A_808, %max3A_810, %max3A_812, %max3A_814, %max3A_816, %max3A_818, %max3A_820 : vector<16xi32>, vector<16xi32>, vector<16xi32>, vector<16xi32>, vector<16xi32>, vector<16xi32>, vector<16xi32>, vector<16xi32>, vector<16xi32>, vector<16xi32>, vector<16xi32>, vector<16xi32>, vector<16xi32>, vector<16xi32>, vector<16xi32>, vector<16xi32>
      }
      %while3A_262 = arith.constant 1 : i32
      %while3A_263:16 = scf.for %while3A_668 = %while3A_259 to %while3A_255 step %while3A_262 iter_args(%while3A_669 = %while3A_261#0, %while3A_670 = %while3A_261#1, %while3A_671 = %while3A_261#2, %while3A_672 = %while3A_261#3, %while3A_673 = %while3A_261#4, %while3A_674 = %while3A_261#5, %while3A_675 = %while3A_261#6, %while3A_676 = %while3A_261#7, %while3A_677 = %while3A_261#8, %while3A_678 = %while3A_261#9, %while3A_679 = %while3A_261#10, %while3A_680 = %while3A_261#11, %while3A_681 = %while3A_261#12, %while3A_682 = %while3A_261#13, %while3A_683 = %while3A_261#14, %while3A_684 = %while3A_261#15) -> (vector<16xi32>, vector<16xi32>, vector<16xi32>, vector<16xi32>, vector<16xi32>, vector<16xi32>, vector<16xi32>, vector<16xi32>, vector<16xi32>, vector<16xi32>, vector<16xi32>, vector<16xi32>, vector<16xi32>, vector<16xi32>, vector<16xi32>, vector<16xi32>)  : i32 {
        %mul3A_685 = arith.constant 2 : i32
        %mul3A_686 = arith.muli %mul3A_685, %while3A_668 : i32
        %lt3A_687 = vector.broadcast %mul3A_686 : i32 to vector<16xi32>
        %lt3A_688 = arith.cmpi slt, %lt3A_687, %max3A_220 : vector<16xi32>
        %add3A_689 = vector.broadcast %mul3A_686 : i32 to vector<16xi32>
        %add3A_690 = arith.addi %min3A_207, %add3A_689 : vector<16xi32>
        %jit3A_691 = arith.constant 0 : i32
        %broadcast_in_dim3A_692 = vector.broadcast %jit3A_691 : i32 to vector<16xi32>
        %select_n3A_693 = arith.select %lt3A_688, %add3A_690, %broadcast_in_dim3A_692 : vector<16xi1>, vector<16xi32>
        %jit3A_694 = arith.constant 0 : i32
        %jit3A_695 = arith.constant 4095 : i32
        %max3A_696 = vector.broadcast %jit3A_694 : i32 to vector<16xi32>
        %max3A_697 = arith.maxsi %max3A_696, %select_n3A_693 : vector<16xi32>
        %min3A_698 = vector.broadcast %jit3A_695 : i32 to vector<16xi32>
        %min3A_699 = arith.minsi %min3A_698, %max3A_697 : vector<16xi32>
        %gather3A_700 = tpu.vector_load_idx %arg13[%min3A_699] : memref<4096xi32, #tpu.memory_space<vmem>>[vector<16xi32>], vector<16xi32>,
        %jit3A_701 = arith.constant 0 : i32
        %jit3A_702 = arith.constant 4095 : i32
        %max3A_703 = vector.broadcast %jit3A_701 : i32 to vector<16xi32>
        %max3A_704 = arith.maxsi %max3A_703, %gather3A_700 : vector<16xi32>
        %min3A_705 = vector.broadcast %jit3A_702 : i32 to vector<16xi32>
        %min3A_706 = arith.minsi %min3A_705, %max3A_704 : vector<16xi32>
        %gather3A_707 = tpu.vector_load_idx %arg8[%min3A_706] : memref<4096xf32, #tpu.memory_space<vmem>>[vector<16xi32>], vector<16xf32>,
        %gather3A_708 = tpu.vector_load_idx %arg9[%min3A_706] : memref<4096xf32, #tpu.memory_space<vmem>>[vector<16xi32>], vector<16xf32>,
        %sub3A_709 = arith.subf %get3A_113, %gather3A_707 : vector<16xf32>
        %sub3A_710 = arith.subf %get3A_115, %gather3A_708 : vector<16xf32>
        %mul3A_711 = arith.mulf %sub3A_709, %sub3A_709 : vector<16xf32>
        %mul3A_712 = arith.mulf %sub3A_710, %sub3A_710 : vector<16xf32>
        %add3A_713 = arith.addf %mul3A_711, %mul3A_712 : vector<16xf32>
        %lt3A_714 = arith.constant 1.08506945E-4 : f32
        %lt3A_715 = vector.broadcast %lt3A_714 : f32 to vector<16xf32>
        %lt3A_716 = arith.cmpf olt, %add3A_713, %lt3A_715 : vector<16xf32>
        %and3A_717 = arith.andi %lt3A_688, %lt3A_716 : vector<16xi1>
        %jit3A_718 = arith.constant 1073741824 : i32
        %broadcast_in_dim3A_719 = vector.broadcast %jit3A_718 : i32 to vector<16xi32>
        %select_n3A_720 = arith.select %and3A_717, %min3A_706, %broadcast_in_dim3A_719 : vector<16xi1>, vector<16xi32>
        %min3A_721 = arith.minsi %while3A_669, %select_n3A_720 : vector<16xi32>
        %min3A_722 = arith.minsi %while3A_670, %select_n3A_720 : vector<16xi32>
        %max3A_723 = arith.maxsi %while3A_669, %min3A_722 : vector<16xi32>
        %min3A_724 = arith.minsi %while3A_671, %select_n3A_720 : vector<16xi32>
        %max3A_725 = arith.maxsi %while3A_670, %min3A_724 : vector<16xi32>
        %min3A_726 = arith.minsi %while3A_672, %select_n3A_720 : vector<16xi32>
        %max3A_727 = arith.maxsi %while3A_671, %min3A_726 : vector<16xi32>
        %min3A_728 = arith.minsi %while3A_673, %select_n3A_720 : vector<16xi32>
        %max3A_729 = arith.maxsi %while3A_672, %min3A_728 : vector<16xi32>
        %min3A_730 = arith.minsi %while3A_674, %select_n3A_720 : vector<16xi32>
        %max3A_731 = arith.maxsi %while3A_673, %min3A_730 : vector<16xi32>
        %min3A_732 = arith.minsi %while3A_675, %select_n3A_720 : vector<16xi32>
        %max3A_733 = arith.maxsi %while3A_674, %min3A_732 : vector<16xi32>
        %min3A_734 = arith.minsi %while3A_676, %select_n3A_720 : vector<16xi32>
        %max3A_735 = arith.maxsi %while3A_675, %min3A_734 : vector<16xi32>
        %min3A_736 = arith.minsi %while3A_677, %select_n3A_720 : vector<16xi32>
        %max3A_737 = arith.maxsi %while3A_676, %min3A_736 : vector<16xi32>
        %min3A_738 = arith.minsi %while3A_678, %select_n3A_720 : vector<16xi32>
        %max3A_739 = arith.maxsi %while3A_677, %min3A_738 : vector<16xi32>
        %min3A_740 = arith.minsi %while3A_679, %select_n3A_720 : vector<16xi32>
        %max3A_741 = arith.maxsi %while3A_678, %min3A_740 : vector<16xi32>
        %min3A_742 = arith.minsi %while3A_680, %select_n3A_720 : vector<16xi32>
        %max3A_743 = arith.maxsi %while3A_679, %min3A_742 : vector<16xi32>
        %min3A_744 = arith.minsi %while3A_681, %select_n3A_720 : vector<16xi32>
        %max3A_745 = arith.maxsi %while3A_680, %min3A_744 : vector<16xi32>
        %min3A_746 = arith.minsi %while3A_682, %select_n3A_720 : vector<16xi32>
        %max3A_747 = arith.maxsi %while3A_681, %min3A_746 : vector<16xi32>
        %min3A_748 = arith.minsi %while3A_683, %select_n3A_720 : vector<16xi32>
        %max3A_749 = arith.maxsi %while3A_682, %min3A_748 : vector<16xi32>
        %min3A_750 = arith.minsi %while3A_684, %select_n3A_720 : vector<16xi32>
        %max3A_751 = arith.maxsi %while3A_683, %min3A_750 : vector<16xi32>
        %mul3A_752 = arith.constant 2 : i32
        %mul3A_753 = arith.muli %mul3A_752, %while3A_668 : i32
        %add3A_754 = arith.constant 1 : i32
        %add3A_755 = arith.addi %mul3A_753, %add3A_754 : i32
        %lt3A_756 = vector.broadcast %add3A_755 : i32 to vector<16xi32>
        %lt3A_757 = arith.cmpi slt, %lt3A_756, %max3A_220 : vector<16xi32>
        %add3A_758 = vector.broadcast %add3A_755 : i32 to vector<16xi32>
        %add3A_759 = arith.addi %min3A_207, %add3A_758 : vector<16xi32>
        %jit3A_760 = arith.constant 0 : i32
        %broadcast_in_dim3A_761 = vector.broadcast %jit3A_760 : i32 to vector<16xi32>
        %select_n3A_762 = arith.select %lt3A_757, %add3A_759, %broadcast_in_dim3A_761 : vector<16xi1>, vector<16xi32>
        %jit3A_763 = arith.constant 0 : i32
        %jit3A_764 = arith.constant 4095 : i32
        %max3A_765 = vector.broadcast %jit3A_763 : i32 to vector<16xi32>
        %max3A_766 = arith.maxsi %max3A_765, %select_n3A_762 : vector<16xi32>
        %min3A_767 = vector.broadcast %jit3A_764 : i32 to vector<16xi32>
        %min3A_768 = arith.minsi %min3A_767, %max3A_766 : vector<16xi32>
        %gather3A_769 = tpu.vector_load_idx %arg13[%min3A_768] : memref<4096xi32, #tpu.memory_space<vmem>>[vector<16xi32>], vector<16xi32>,
        %jit3A_770 = arith.constant 0 : i32
        %jit3A_771 = arith.constant 4095 : i32
        %max3A_772 = vector.broadcast %jit3A_770 : i32 to vector<16xi32>
        %max3A_773 = arith.maxsi %max3A_772, %gather3A_769 : vector<16xi32>
        %min3A_774 = vector.broadcast %jit3A_771 : i32 to vector<16xi32>
        %min3A_775 = arith.minsi %min3A_774, %max3A_773 : vector<16xi32>
        %gather3A_776 = tpu.vector_load_idx %arg8[%min3A_775] : memref<4096xf32, #tpu.memory_space<vmem>>[vector<16xi32>], vector<16xf32>,
        %gather3A_777 = tpu.vector_load_idx %arg9[%min3A_775] : memref<4096xf32, #tpu.memory_space<vmem>>[vector<16xi32>], vector<16xf32>,
        %sub3A_778 = arith.subf %get3A_113, %gather3A_776 : vector<16xf32>
        %sub3A_779 = arith.subf %get3A_115, %gather3A_777 : vector<16xf32>
        %mul3A_780 = arith.mulf %sub3A_778, %sub3A_778 : vector<16xf32>
        %mul3A_781 = arith.mulf %sub3A_779, %sub3A_779 : vector<16xf32>
        %add3A_782 = arith.addf %mul3A_780, %mul3A_781 : vector<16xf32>
        %lt3A_783 = arith.constant 1.08506945E-4 : f32
        %lt3A_784 = vector.broadcast %lt3A_783 : f32 to vector<16xf32>
        %lt3A_785 = arith.cmpf olt, %add3A_782, %lt3A_784 : vector<16xf32>
        %and3A_786 = arith.andi %lt3A_757, %lt3A_785 : vector<16xi1>
        %jit3A_787 = arith.constant 1073741824 : i32
        %broadcast_in_dim3A_788 = vector.broadcast %jit3A_787 : i32 to vector<16xi32>
        %select_n3A_789 = arith.select %and3A_786, %min3A_775, %broadcast_in_dim3A_788 : vector<16xi1>, vector<16xi32>
        %min3A_790 = arith.minsi %min3A_721, %select_n3A_789 : vector<16xi32>
        %min3A_791 = arith.minsi %max3A_723, %select_n3A_789 : vector<16xi32>
        %max3A_792 = arith.maxsi %min3A_721, %min3A_791 : vector<16xi32>
        %min3A_793 = arith.minsi %max3A_725, %select_n3A_789 : vector<16xi32>
        %max3A_794 = arith.maxsi %max3A_723, %min3A_793 : vector<16xi32>
        %min3A_795 = arith.minsi %max3A_727, %select_n3A_789 : vector<16xi32>
        %max3A_796 = arith.maxsi %max3A_725, %min3A_795 : vector<16xi32>
        %min3A_797 = arith.minsi %max3A_729, %select_n3A_789 : vector<16xi32>
        %max3A_798 = arith.maxsi %max3A_727, %min3A_797 : vector<16xi32>
        %min3A_799 = arith.minsi %max3A_731, %select_n3A_789 : vector<16xi32>
        %max3A_800 = arith.maxsi %max3A_729, %min3A_799 : vector<16xi32>
        %min3A_801 = arith.minsi %max3A_733, %select_n3A_789 : vector<16xi32>
        %max3A_802 = arith.maxsi %max3A_731, %min3A_801 : vector<16xi32>
        %min3A_803 = arith.minsi %max3A_735, %select_n3A_789 : vector<16xi32>
        %max3A_804 = arith.maxsi %max3A_733, %min3A_803 : vector<16xi32>
        %min3A_805 = arith.minsi %max3A_737, %select_n3A_789 : vector<16xi32>
        %max3A_806 = arith.maxsi %max3A_735, %min3A_805 : vector<16xi32>
        %min3A_807 = arith.minsi %max3A_739, %select_n3A_789 : vector<16xi32>
        %max3A_808 = arith.maxsi %max3A_737, %min3A_807 : vector<16xi32>
        %min3A_809 = arith.minsi %max3A_741, %select_n3A_789 : vector<16xi32>
        %max3A_810 = arith.maxsi %max3A_739, %min3A_809 : vector<16xi32>
        %min3A_811 = arith.minsi %max3A_743, %select_n3A_789 : vector<16xi32>
        %max3A_812 = arith.maxsi %max3A_741, %min3A_811 : vector<16xi32>
        %min3A_813 = arith.minsi %max3A_745, %select_n3A_789 : vector<16xi32>
        %max3A_814 = arith.maxsi %max3A_743, %min3A_813 : vector<16xi32>
        %min3A_815 = arith.minsi %max3A_747, %select_n3A_789 : vector<16xi32>
        %max3A_816 = arith.maxsi %max3A_745, %min3A_815 : vector<16xi32>
        %min3A_817 = arith.minsi %max3A_749, %select_n3A_789 : vector<16xi32>
        %max3A_818 = arith.maxsi %max3A_747, %min3A_817 : vector<16xi32>
        %min3A_819 = arith.minsi %max3A_751, %select_n3A_789 : vector<16xi32>
        %max3A_820 = arith.maxsi %max3A_749, %min3A_819 : vector<16xi32>
        scf.yield %min3A_790, %max3A_792, %max3A_794, %max3A_796, %max3A_798, %max3A_800, %max3A_802, %max3A_804, %max3A_806, %max3A_808, %max3A_810, %max3A_812, %max3A_814, %max3A_816, %max3A_818, %max3A_820 : vector<16xi32>, vector<16xi32>, vector<16xi32>, vector<16xi32>, vector<16xi32>, vector<16xi32>, vector<16xi32>, vector<16xi32>, vector<16xi32>, vector<16xi32>, vector<16xi32>, vector<16xi32>, vector<16xi32>, vector<16xi32>, vector<16xi32>, vector<16xi32>
      }
      %add3A_264 = arith.constant 0 : i32
      %add3A_265 = vector.broadcast %add3A_264 : i32 to vector<16xi32>
      %add3A_266 = arith.addi %min3A_128, %add3A_265 : vector<16xi32>
      %ge3A_267 = arith.constant 0 : i32
      %ge3A_268 = vector.broadcast %ge3A_267 : i32 to vector<16xi32>
      %ge3A_269 = arith.cmpi sge, %add3A_266, %ge3A_268 : vector<16xi32>
      %lt3A_270 = arith.constant 64 : i32
      %lt3A_271 = vector.broadcast %lt3A_270 : i32 to vector<16xi32>
      %lt3A_272 = arith.cmpi slt, %add3A_266, %lt3A_271 : vector<16xi32>
      %and3A_273 = arith.andi %ge3A_269, %lt3A_272 : vector<16xi1>
      %jit3A_274 = arith.constant 0 : i32
      %jit3A_275 = arith.constant 63 : i32
      %max3A_276 = vector.broadcast %jit3A_274 : i32 to vector<16xi32>
      %max3A_277 = arith.maxsi %max3A_276, %add3A_266 : vector<16xi32>
      %min3A_278 = vector.broadcast %jit3A_275 : i32 to vector<16xi32>
      %min3A_279 = arith.minsi %min3A_278, %max3A_277 : vector<16xi32>
      %mul3A_280 = arith.constant 64 : i32
      %mul3A_281 = vector.broadcast %mul3A_280 : i32 to vector<16xi32>
      %mul3A_282 = arith.muli %min3A_279, %mul3A_281 : vector<16xi32>
      %add3A_283 = arith.addi %mul3A_282, %max3A_133 : vector<16xi32>
      %gather3A_284 = tpu.vector_load_idx %arg12[%add3A_283] : memref<4112xi32, #tpu.memory_space<vmem>>[vector<16xi32>], vector<16xi32>,
      %mul3A_285 = arith.constant 64 : i32
      %mul3A_286 = vector.broadcast %mul3A_285 : i32 to vector<16xi32>
      %mul3A_287 = arith.muli %min3A_279, %mul3A_286 : vector<16xi32>
      %add3A_288 = arith.addi %mul3A_287, %min3A_139 : vector<16xi32>
      %add3A_289 = arith.constant 1 : i32
      %add3A_290 = vector.broadcast %add3A_289 : i32 to vector<16xi32>
      %add3A_291 = arith.addi %add3A_288, %add3A_290 : vector<16xi32>
      %gather3A_292 = tpu.vector_load_idx %arg12[%add3A_291] : memref<4112xi32, #tpu.memory_space<vmem>>[vector<16xi32>], vector<16xi32>,
      %jit3A_293 = arith.constant 0 : i32
      %broadcast_in_dim3A_294 = vector.broadcast %jit3A_293 : i32 to vector<16xi32>
      %select_n3A_295 = arith.select %and3A_273, %gather3A_284, %broadcast_in_dim3A_294 : vector<16xi1>, vector<16xi32>
      %jit3A_296 = arith.constant 0 : i32
      %jit3A_297 = arith.constant 4096 : i32
      %max3A_298 = vector.broadcast %jit3A_296 : i32 to vector<16xi32>
      %max3A_299 = arith.maxsi %max3A_298, %select_n3A_295 : vector<16xi32>
      %min3A_300 = vector.broadcast %jit3A_297 : i32 to vector<16xi32>
      %min3A_301 = arith.minsi %min3A_300, %max3A_299 : vector<16xi32>
      %jit3A_302 = arith.constant 0 : i32
      %broadcast_in_dim3A_303 = vector.broadcast %jit3A_302 : i32 to vector<16xi32>
      %select_n3A_304 = arith.select %and3A_273, %gather3A_292, %broadcast_in_dim3A_303 : vector<16xi1>, vector<16xi32>
      %jit3A_305 = arith.constant 0 : i32
      %jit3A_306 = arith.constant 4096 : i32
      %max3A_307 = vector.broadcast %jit3A_305 : i32 to vector<16xi32>
      %max3A_308 = arith.maxsi %max3A_307, %select_n3A_304 : vector<16xi32>
      %min3A_309 = vector.broadcast %jit3A_306 : i32 to vector<16xi32>
      %min3A_310 = arith.minsi %min3A_309, %max3A_308 : vector<16xi32>
      %sub3A_311 = arith.subi %min3A_310, %min3A_301 : vector<16xi32>
      %max3A_312 = arith.constant 0 : i32
      %max3A_313 = vector.broadcast %max3A_312 : i32 to vector<16xi32>
      %max3A_314 = arith.maxsi %sub3A_311, %max3A_313 : vector<16xi32>
      %reduce_max3A_315 = arith.constant true
      %reduce_max3A_316 = vector.broadcast %reduce_max3A_315 : i1 to vector<16xi1>
      %reduce_max3A_317 = arith.constant -2147483648 : i32
      %reduce_max3A_318 = vector.broadcast %reduce_max3A_317 : i32 to vector<16xi32>
      %reduce_max3A_319 = arith.xori %max3A_314, %reduce_max3A_318 : vector<16xi32>
      %reduce_max3A_320 = tpu.scan <max>, %reduce_max3A_319 masked %reduce_max3A_316 : vector<16xi32>, vector<16xi1> -> vector<16xi32>
      %reduce_max3A_321 = arith.xori %reduce_max3A_320, %reduce_max3A_318 : vector<16xi32>
      %reduce_max3A_322 = vector.extract %reduce_max3A_321[15] : i32 from vector<16xi32>
      %add3A_323 = arith.constant 1 : i32
      %add3A_324 = arith.addi %reduce_max3A_322, %add3A_323 : i32
      %jit3A_325 = arith.constant 2 : i32
      %div3A_326 = arith.divsi %add3A_324, %jit3A_325 : i32
      %sign3A_327 = arith.constant 0 : i32
      %sign3A_328 = arith.cmpi sgt, %add3A_324, %sign3A_327 : i32
      %sign3A_329 = arith.extui %sign3A_328 : i1 to i32
      %sign3A_330 = arith.constant 0 : i32
      %sign3A_331 = arith.cmpi slt, %add3A_324, %sign3A_330 : i32
      %sign3A_332 = arith.extui %sign3A_331 : i1 to i32
      %sign3A_333 = arith.subi %sign3A_329, %sign3A_332 : i32
      %sign3A_334 = arith.constant 0 : i32
      %sign3A_335 = arith.cmpi sgt, %jit3A_325, %sign3A_334 : i32
      %sign3A_336 = arith.extui %sign3A_335 : i1 to i32
      %sign3A_337 = arith.constant 0 : i32
      %sign3A_338 = arith.cmpi slt, %jit3A_325, %sign3A_337 : i32
      %sign3A_339 = arith.extui %sign3A_338 : i1 to i32
      %sign3A_340 = arith.subi %sign3A_336, %sign3A_339 : i32
      %ne3A_341 = arith.cmpi ne, %sign3A_333, %sign3A_340 : i32
      %rem3A_342 = arith.remsi %add3A_324, %jit3A_325 : i32
      %ne3A_343 = arith.constant 0 : i32
      %ne3A_344 = arith.cmpi ne, %rem3A_342, %ne3A_343 : i32
      %and3A_345 = arith.andi %ne3A_341, %ne3A_344 : i1
      %sub3A_346 = arith.constant 1 : i32
      %sub3A_347 = arith.subi %div3A_326, %sub3A_346 : i32
      %select_n3A_348 = arith.select %and3A_345, %sub3A_347, %div3A_326 : i32
      %while3A_349 = arith.constant 0 : i32
      %while3A_350 = arith.subi %select_n3A_348, %while3A_349 : i32
      %while3A_351 = arith.addi %while3A_349, %while3A_350 : i32
      %while3A_352 = arith.constant 1 : i32
      %while3A_353 = arith.divsi %while3A_350, %while3A_352 : i32
      %while3A_354 = arith.muli %while3A_353, %while3A_352 : i32
      %while3A_355 = arith.addi %while3A_349, %while3A_354 : i32
      %while3A_356 = arith.constant 1 : i32
      %while3A_357:16 = scf.for %while3A_668 = %while3A_349 to %while3A_355 step %while3A_356 iter_args(%while3A_669 = %while3A_263#0, %while3A_670 = %while3A_263#1, %while3A_671 = %while3A_263#2, %while3A_672 = %while3A_263#3, %while3A_673 = %while3A_263#4, %while3A_674 = %while3A_263#5, %while3A_675 = %while3A_263#6, %while3A_676 = %while3A_263#7, %while3A_677 = %while3A_263#8, %while3A_678 = %while3A_263#9, %while3A_679 = %while3A_263#10, %while3A_680 = %while3A_263#11, %while3A_681 = %while3A_263#12, %while3A_682 = %while3A_263#13, %while3A_683 = %while3A_263#14, %while3A_684 = %while3A_263#15) -> (vector<16xi32>, vector<16xi32>, vector<16xi32>, vector<16xi32>, vector<16xi32>, vector<16xi32>, vector<16xi32>, vector<16xi32>, vector<16xi32>, vector<16xi32>, vector<16xi32>, vector<16xi32>, vector<16xi32>, vector<16xi32>, vector<16xi32>, vector<16xi32>)  : i32 {
        %mul3A_685 = arith.constant 2 : i32
        %mul3A_686 = arith.muli %mul3A_685, %while3A_668 : i32
        %lt3A_687 = vector.broadcast %mul3A_686 : i32 to vector<16xi32>
        %lt3A_688 = arith.cmpi slt, %lt3A_687, %max3A_314 : vector<16xi32>
        %add3A_689 = vector.broadcast %mul3A_686 : i32 to vector<16xi32>
        %add3A_690 = arith.addi %min3A_301, %add3A_689 : vector<16xi32>
        %jit3A_691 = arith.constant 0 : i32
        %broadcast_in_dim3A_692 = vector.broadcast %jit3A_691 : i32 to vector<16xi32>
        %select_n3A_693 = arith.select %lt3A_688, %add3A_690, %broadcast_in_dim3A_692 : vector<16xi1>, vector<16xi32>
        %jit3A_694 = arith.constant 0 : i32
        %jit3A_695 = arith.constant 4095 : i32
        %max3A_696 = vector.broadcast %jit3A_694 : i32 to vector<16xi32>
        %max3A_697 = arith.maxsi %max3A_696, %select_n3A_693 : vector<16xi32>
        %min3A_698 = vector.broadcast %jit3A_695 : i32 to vector<16xi32>
        %min3A_699 = arith.minsi %min3A_698, %max3A_697 : vector<16xi32>
        %gather3A_700 = tpu.vector_load_idx %arg13[%min3A_699] : memref<4096xi32, #tpu.memory_space<vmem>>[vector<16xi32>], vector<16xi32>,
        %jit3A_701 = arith.constant 0 : i32
        %jit3A_702 = arith.constant 4095 : i32
        %max3A_703 = vector.broadcast %jit3A_701 : i32 to vector<16xi32>
        %max3A_704 = arith.maxsi %max3A_703, %gather3A_700 : vector<16xi32>
        %min3A_705 = vector.broadcast %jit3A_702 : i32 to vector<16xi32>
        %min3A_706 = arith.minsi %min3A_705, %max3A_704 : vector<16xi32>
        %gather3A_707 = tpu.vector_load_idx %arg8[%min3A_706] : memref<4096xf32, #tpu.memory_space<vmem>>[vector<16xi32>], vector<16xf32>,
        %gather3A_708 = tpu.vector_load_idx %arg9[%min3A_706] : memref<4096xf32, #tpu.memory_space<vmem>>[vector<16xi32>], vector<16xf32>,
        %sub3A_709 = arith.subf %get3A_113, %gather3A_707 : vector<16xf32>
        %sub3A_710 = arith.subf %get3A_115, %gather3A_708 : vector<16xf32>
        %mul3A_711 = arith.mulf %sub3A_709, %sub3A_709 : vector<16xf32>
        %mul3A_712 = arith.mulf %sub3A_710, %sub3A_710 : vector<16xf32>
        %add3A_713 = arith.addf %mul3A_711, %mul3A_712 : vector<16xf32>
        %lt3A_714 = arith.constant 1.08506945E-4 : f32
        %lt3A_715 = vector.broadcast %lt3A_714 : f32 to vector<16xf32>
        %lt3A_716 = arith.cmpf olt, %add3A_713, %lt3A_715 : vector<16xf32>
        %and3A_717 = arith.andi %lt3A_688, %lt3A_716 : vector<16xi1>
        %jit3A_718 = arith.constant 1073741824 : i32
        %broadcast_in_dim3A_719 = vector.broadcast %jit3A_718 : i32 to vector<16xi32>
        %select_n3A_720 = arith.select %and3A_717, %min3A_706, %broadcast_in_dim3A_719 : vector<16xi1>, vector<16xi32>
        %min3A_721 = arith.minsi %while3A_669, %select_n3A_720 : vector<16xi32>
        %min3A_722 = arith.minsi %while3A_670, %select_n3A_720 : vector<16xi32>
        %max3A_723 = arith.maxsi %while3A_669, %min3A_722 : vector<16xi32>
        %min3A_724 = arith.minsi %while3A_671, %select_n3A_720 : vector<16xi32>
        %max3A_725 = arith.maxsi %while3A_670, %min3A_724 : vector<16xi32>
        %min3A_726 = arith.minsi %while3A_672, %select_n3A_720 : vector<16xi32>
        %max3A_727 = arith.maxsi %while3A_671, %min3A_726 : vector<16xi32>
        %min3A_728 = arith.minsi %while3A_673, %select_n3A_720 : vector<16xi32>
        %max3A_729 = arith.maxsi %while3A_672, %min3A_728 : vector<16xi32>
        %min3A_730 = arith.minsi %while3A_674, %select_n3A_720 : vector<16xi32>
        %max3A_731 = arith.maxsi %while3A_673, %min3A_730 : vector<16xi32>
        %min3A_732 = arith.minsi %while3A_675, %select_n3A_720 : vector<16xi32>
        %max3A_733 = arith.maxsi %while3A_674, %min3A_732 : vector<16xi32>
        %min3A_734 = arith.minsi %while3A_676, %select_n3A_720 : vector<16xi32>
        %max3A_735 = arith.maxsi %while3A_675, %min3A_734 : vector<16xi32>
        %min3A_736 = arith.minsi %while3A_677, %select_n3A_720 : vector<16xi32>
        %max3A_737 = arith.maxsi %while3A_676, %min3A_736 : vector<16xi32>
        %min3A_738 = arith.minsi %while3A_678, %select_n3A_720 : vector<16xi32>
        %max3A_739 = arith.maxsi %while3A_677, %min3A_738 : vector<16xi32>
        %min3A_740 = arith.minsi %while3A_679, %select_n3A_720 : vector<16xi32>
        %max3A_741 = arith.maxsi %while3A_678, %min3A_740 : vector<16xi32>
        %min3A_742 = arith.minsi %while3A_680, %select_n3A_720 : vector<16xi32>
        %max3A_743 = arith.maxsi %while3A_679, %min3A_742 : vector<16xi32>
        %min3A_744 = arith.minsi %while3A_681, %select_n3A_720 : vector<16xi32>
        %max3A_745 = arith.maxsi %while3A_680, %min3A_744 : vector<16xi32>
        %min3A_746 = arith.minsi %while3A_682, %select_n3A_720 : vector<16xi32>
        %max3A_747 = arith.maxsi %while3A_681, %min3A_746 : vector<16xi32>
        %min3A_748 = arith.minsi %while3A_683, %select_n3A_720 : vector<16xi32>
        %max3A_749 = arith.maxsi %while3A_682, %min3A_748 : vector<16xi32>
        %min3A_750 = arith.minsi %while3A_684, %select_n3A_720 : vector<16xi32>
        %max3A_751 = arith.maxsi %while3A_683, %min3A_750 : vector<16xi32>
        %mul3A_752 = arith.constant 2 : i32
        %mul3A_753 = arith.muli %mul3A_752, %while3A_668 : i32
        %add3A_754 = arith.constant 1 : i32
        %add3A_755 = arith.addi %mul3A_753, %add3A_754 : i32
        %lt3A_756 = vector.broadcast %add3A_755 : i32 to vector<16xi32>
        %lt3A_757 = arith.cmpi slt, %lt3A_756, %max3A_314 : vector<16xi32>
        %add3A_758 = vector.broadcast %add3A_755 : i32 to vector<16xi32>
        %add3A_759 = arith.addi %min3A_301, %add3A_758 : vector<16xi32>
        %jit3A_760 = arith.constant 0 : i32
        %broadcast_in_dim3A_761 = vector.broadcast %jit3A_760 : i32 to vector<16xi32>
        %select_n3A_762 = arith.select %lt3A_757, %add3A_759, %broadcast_in_dim3A_761 : vector<16xi1>, vector<16xi32>
        %jit3A_763 = arith.constant 0 : i32
        %jit3A_764 = arith.constant 4095 : i32
        %max3A_765 = vector.broadcast %jit3A_763 : i32 to vector<16xi32>
        %max3A_766 = arith.maxsi %max3A_765, %select_n3A_762 : vector<16xi32>
        %min3A_767 = vector.broadcast %jit3A_764 : i32 to vector<16xi32>
        %min3A_768 = arith.minsi %min3A_767, %max3A_766 : vector<16xi32>
        %gather3A_769 = tpu.vector_load_idx %arg13[%min3A_768] : memref<4096xi32, #tpu.memory_space<vmem>>[vector<16xi32>], vector<16xi32>,
        %jit3A_770 = arith.constant 0 : i32
        %jit3A_771 = arith.constant 4095 : i32
        %max3A_772 = vector.broadcast %jit3A_770 : i32 to vector<16xi32>
        %max3A_773 = arith.maxsi %max3A_772, %gather3A_769 : vector<16xi32>
        %min3A_774 = vector.broadcast %jit3A_771 : i32 to vector<16xi32>
        %min3A_775 = arith.minsi %min3A_774, %max3A_773 : vector<16xi32>
        %gather3A_776 = tpu.vector_load_idx %arg8[%min3A_775] : memref<4096xf32, #tpu.memory_space<vmem>>[vector<16xi32>], vector<16xf32>,
        %gather3A_777 = tpu.vector_load_idx %arg9[%min3A_775] : memref<4096xf32, #tpu.memory_space<vmem>>[vector<16xi32>], vector<16xf32>,
        %sub3A_778 = arith.subf %get3A_113, %gather3A_776 : vector<16xf32>
        %sub3A_779 = arith.subf %get3A_115, %gather3A_777 : vector<16xf32>
        %mul3A_780 = arith.mulf %sub3A_778, %sub3A_778 : vector<16xf32>
        %mul3A_781 = arith.mulf %sub3A_779, %sub3A_779 : vector<16xf32>
        %add3A_782 = arith.addf %mul3A_780, %mul3A_781 : vector<16xf32>
        %lt3A_783 = arith.constant 1.08506945E-4 : f32
        %lt3A_784 = vector.broadcast %lt3A_783 : f32 to vector<16xf32>
        %lt3A_785 = arith.cmpf olt, %add3A_782, %lt3A_784 : vector<16xf32>
        %and3A_786 = arith.andi %lt3A_757, %lt3A_785 : vector<16xi1>
        %jit3A_787 = arith.constant 1073741824 : i32
        %broadcast_in_dim3A_788 = vector.broadcast %jit3A_787 : i32 to vector<16xi32>
        %select_n3A_789 = arith.select %and3A_786, %min3A_775, %broadcast_in_dim3A_788 : vector<16xi1>, vector<16xi32>
        %min3A_790 = arith.minsi %min3A_721, %select_n3A_789 : vector<16xi32>
        %min3A_791 = arith.minsi %max3A_723, %select_n3A_789 : vector<16xi32>
        %max3A_792 = arith.maxsi %min3A_721, %min3A_791 : vector<16xi32>
        %min3A_793 = arith.minsi %max3A_725, %select_n3A_789 : vector<16xi32>
        %max3A_794 = arith.maxsi %max3A_723, %min3A_793 : vector<16xi32>
        %min3A_795 = arith.minsi %max3A_727, %select_n3A_789 : vector<16xi32>
        %max3A_796 = arith.maxsi %max3A_725, %min3A_795 : vector<16xi32>
        %min3A_797 = arith.minsi %max3A_729, %select_n3A_789 : vector<16xi32>
        %max3A_798 = arith.maxsi %max3A_727, %min3A_797 : vector<16xi32>
        %min3A_799 = arith.minsi %max3A_731, %select_n3A_789 : vector<16xi32>
        %max3A_800 = arith.maxsi %max3A_729, %min3A_799 : vector<16xi32>
        %min3A_801 = arith.minsi %max3A_733, %select_n3A_789 : vector<16xi32>
        %max3A_802 = arith.maxsi %max3A_731, %min3A_801 : vector<16xi32>
        %min3A_803 = arith.minsi %max3A_735, %select_n3A_789 : vector<16xi32>
        %max3A_804 = arith.maxsi %max3A_733, %min3A_803 : vector<16xi32>
        %min3A_805 = arith.minsi %max3A_737, %select_n3A_789 : vector<16xi32>
        %max3A_806 = arith.maxsi %max3A_735, %min3A_805 : vector<16xi32>
        %min3A_807 = arith.minsi %max3A_739, %select_n3A_789 : vector<16xi32>
        %max3A_808 = arith.maxsi %max3A_737, %min3A_807 : vector<16xi32>
        %min3A_809 = arith.minsi %max3A_741, %select_n3A_789 : vector<16xi32>
        %max3A_810 = arith.maxsi %max3A_739, %min3A_809 : vector<16xi32>
        %min3A_811 = arith.minsi %max3A_743, %select_n3A_789 : vector<16xi32>
        %max3A_812 = arith.maxsi %max3A_741, %min3A_811 : vector<16xi32>
        %min3A_813 = arith.minsi %max3A_745, %select_n3A_789 : vector<16xi32>
        %max3A_814 = arith.maxsi %max3A_743, %min3A_813 : vector<16xi32>
        %min3A_815 = arith.minsi %max3A_747, %select_n3A_789 : vector<16xi32>
        %max3A_816 = arith.maxsi %max3A_745, %min3A_815 : vector<16xi32>
        %min3A_817 = arith.minsi %max3A_749, %select_n3A_789 : vector<16xi32>
        %max3A_818 = arith.maxsi %max3A_747, %min3A_817 : vector<16xi32>
        %min3A_819 = arith.minsi %max3A_751, %select_n3A_789 : vector<16xi32>
        %max3A_820 = arith.maxsi %max3A_749, %min3A_819 : vector<16xi32>
        scf.yield %min3A_790, %max3A_792, %max3A_794, %max3A_796, %max3A_798, %max3A_800, %max3A_802, %max3A_804, %max3A_806, %max3A_808, %max3A_810, %max3A_812, %max3A_814, %max3A_816, %max3A_818, %max3A_820 : vector<16xi32>, vector<16xi32>, vector<16xi32>, vector<16xi32>, vector<16xi32>, vector<16xi32>, vector<16xi32>, vector<16xi32>, vector<16xi32>, vector<16xi32>, vector<16xi32>, vector<16xi32>, vector<16xi32>, vector<16xi32>, vector<16xi32>, vector<16xi32>
      }
      %while3A_358 = arith.constant 1 : i32
      %while3A_359:16 = scf.for %while3A_668 = %while3A_355 to %while3A_351 step %while3A_358 iter_args(%while3A_669 = %while3A_357#0, %while3A_670 = %while3A_357#1, %while3A_671 = %while3A_357#2, %while3A_672 = %while3A_357#3, %while3A_673 = %while3A_357#4, %while3A_674 = %while3A_357#5, %while3A_675 = %while3A_357#6, %while3A_676 = %while3A_357#7, %while3A_677 = %while3A_357#8, %while3A_678 = %while3A_357#9, %while3A_679 = %while3A_357#10, %while3A_680 = %while3A_357#11, %while3A_681 = %while3A_357#12, %while3A_682 = %while3A_357#13, %while3A_683 = %while3A_357#14, %while3A_684 = %while3A_357#15) -> (vector<16xi32>, vector<16xi32>, vector<16xi32>, vector<16xi32>, vector<16xi32>, vector<16xi32>, vector<16xi32>, vector<16xi32>, vector<16xi32>, vector<16xi32>, vector<16xi32>, vector<16xi32>, vector<16xi32>, vector<16xi32>, vector<16xi32>, vector<16xi32>)  : i32 {
        %mul3A_685 = arith.constant 2 : i32
        %mul3A_686 = arith.muli %mul3A_685, %while3A_668 : i32
        %lt3A_687 = vector.broadcast %mul3A_686 : i32 to vector<16xi32>
        %lt3A_688 = arith.cmpi slt, %lt3A_687, %max3A_314 : vector<16xi32>
        %add3A_689 = vector.broadcast %mul3A_686 : i32 to vector<16xi32>
        %add3A_690 = arith.addi %min3A_301, %add3A_689 : vector<16xi32>
        %jit3A_691 = arith.constant 0 : i32
        %broadcast_in_dim3A_692 = vector.broadcast %jit3A_691 : i32 to vector<16xi32>
        %select_n3A_693 = arith.select %lt3A_688, %add3A_690, %broadcast_in_dim3A_692 : vector<16xi1>, vector<16xi32>
        %jit3A_694 = arith.constant 0 : i32
        %jit3A_695 = arith.constant 4095 : i32
        %max3A_696 = vector.broadcast %jit3A_694 : i32 to vector<16xi32>
        %max3A_697 = arith.maxsi %max3A_696, %select_n3A_693 : vector<16xi32>
        %min3A_698 = vector.broadcast %jit3A_695 : i32 to vector<16xi32>
        %min3A_699 = arith.minsi %min3A_698, %max3A_697 : vector<16xi32>
        %gather3A_700 = tpu.vector_load_idx %arg13[%min3A_699] : memref<4096xi32, #tpu.memory_space<vmem>>[vector<16xi32>], vector<16xi32>,
        %jit3A_701 = arith.constant 0 : i32
        %jit3A_702 = arith.constant 4095 : i32
        %max3A_703 = vector.broadcast %jit3A_701 : i32 to vector<16xi32>
        %max3A_704 = arith.maxsi %max3A_703, %gather3A_700 : vector<16xi32>
        %min3A_705 = vector.broadcast %jit3A_702 : i32 to vector<16xi32>
        %min3A_706 = arith.minsi %min3A_705, %max3A_704 : vector<16xi32>
        %gather3A_707 = tpu.vector_load_idx %arg8[%min3A_706] : memref<4096xf32, #tpu.memory_space<vmem>>[vector<16xi32>], vector<16xf32>,
        %gather3A_708 = tpu.vector_load_idx %arg9[%min3A_706] : memref<4096xf32, #tpu.memory_space<vmem>>[vector<16xi32>], vector<16xf32>,
        %sub3A_709 = arith.subf %get3A_113, %gather3A_707 : vector<16xf32>
        %sub3A_710 = arith.subf %get3A_115, %gather3A_708 : vector<16xf32>
        %mul3A_711 = arith.mulf %sub3A_709, %sub3A_709 : vector<16xf32>
        %mul3A_712 = arith.mulf %sub3A_710, %sub3A_710 : vector<16xf32>
        %add3A_713 = arith.addf %mul3A_711, %mul3A_712 : vector<16xf32>
        %lt3A_714 = arith.constant 1.08506945E-4 : f32
        %lt3A_715 = vector.broadcast %lt3A_714 : f32 to vector<16xf32>
        %lt3A_716 = arith.cmpf olt, %add3A_713, %lt3A_715 : vector<16xf32>
        %and3A_717 = arith.andi %lt3A_688, %lt3A_716 : vector<16xi1>
        %jit3A_718 = arith.constant 1073741824 : i32
        %broadcast_in_dim3A_719 = vector.broadcast %jit3A_718 : i32 to vector<16xi32>
        %select_n3A_720 = arith.select %and3A_717, %min3A_706, %broadcast_in_dim3A_719 : vector<16xi1>, vector<16xi32>
        %min3A_721 = arith.minsi %while3A_669, %select_n3A_720 : vector<16xi32>
        %min3A_722 = arith.minsi %while3A_670, %select_n3A_720 : vector<16xi32>
        %max3A_723 = arith.maxsi %while3A_669, %min3A_722 : vector<16xi32>
        %min3A_724 = arith.minsi %while3A_671, %select_n3A_720 : vector<16xi32>
        %max3A_725 = arith.maxsi %while3A_670, %min3A_724 : vector<16xi32>
        %min3A_726 = arith.minsi %while3A_672, %select_n3A_720 : vector<16xi32>
        %max3A_727 = arith.maxsi %while3A_671, %min3A_726 : vector<16xi32>
        %min3A_728 = arith.minsi %while3A_673, %select_n3A_720 : vector<16xi32>
        %max3A_729 = arith.maxsi %while3A_672, %min3A_728 : vector<16xi32>
        %min3A_730 = arith.minsi %while3A_674, %select_n3A_720 : vector<16xi32>
        %max3A_731 = arith.maxsi %while3A_673, %min3A_730 : vector<16xi32>
        %min3A_732 = arith.minsi %while3A_675, %select_n3A_720 : vector<16xi32>
        %max3A_733 = arith.maxsi %while3A_674, %min3A_732 : vector<16xi32>
        %min3A_734 = arith.minsi %while3A_676, %select_n3A_720 : vector<16xi32>
        %max3A_735 = arith.maxsi %while3A_675, %min3A_734 : vector<16xi32>
        %min3A_736 = arith.minsi %while3A_677, %select_n3A_720 : vector<16xi32>
        %max3A_737 = arith.maxsi %while3A_676, %min3A_736 : vector<16xi32>
        %min3A_738 = arith.minsi %while3A_678, %select_n3A_720 : vector<16xi32>
        %max3A_739 = arith.maxsi %while3A_677, %min3A_738 : vector<16xi32>
        %min3A_740 = arith.minsi %while3A_679, %select_n3A_720 : vector<16xi32>
        %max3A_741 = arith.maxsi %while3A_678, %min3A_740 : vector<16xi32>
        %min3A_742 = arith.minsi %while3A_680, %select_n3A_720 : vector<16xi32>
        %max3A_743 = arith.maxsi %while3A_679, %min3A_742 : vector<16xi32>
        %min3A_744 = arith.minsi %while3A_681, %select_n3A_720 : vector<16xi32>
        %max3A_745 = arith.maxsi %while3A_680, %min3A_744 : vector<16xi32>
        %min3A_746 = arith.minsi %while3A_682, %select_n3A_720 : vector<16xi32>
        %max3A_747 = arith.maxsi %while3A_681, %min3A_746 : vector<16xi32>
        %min3A_748 = arith.minsi %while3A_683, %select_n3A_720 : vector<16xi32>
        %max3A_749 = arith.maxsi %while3A_682, %min3A_748 : vector<16xi32>
        %min3A_750 = arith.minsi %while3A_684, %select_n3A_720 : vector<16xi32>
        %max3A_751 = arith.maxsi %while3A_683, %min3A_750 : vector<16xi32>
        %mul3A_752 = arith.constant 2 : i32
        %mul3A_753 = arith.muli %mul3A_752, %while3A_668 : i32
        %add3A_754 = arith.constant 1 : i32
        %add3A_755 = arith.addi %mul3A_753, %add3A_754 : i32
        %lt3A_756 = vector.broadcast %add3A_755 : i32 to vector<16xi32>
        %lt3A_757 = arith.cmpi slt, %lt3A_756, %max3A_314 : vector<16xi32>
        %add3A_758 = vector.broadcast %add3A_755 : i32 to vector<16xi32>
        %add3A_759 = arith.addi %min3A_301, %add3A_758 : vector<16xi32>
        %jit3A_760 = arith.constant 0 : i32
        %broadcast_in_dim3A_761 = vector.broadcast %jit3A_760 : i32 to vector<16xi32>
        %select_n3A_762 = arith.select %lt3A_757, %add3A_759, %broadcast_in_dim3A_761 : vector<16xi1>, vector<16xi32>
        %jit3A_763 = arith.constant 0 : i32
        %jit3A_764 = arith.constant 4095 : i32
        %max3A_765 = vector.broadcast %jit3A_763 : i32 to vector<16xi32>
        %max3A_766 = arith.maxsi %max3A_765, %select_n3A_762 : vector<16xi32>
        %min3A_767 = vector.broadcast %jit3A_764 : i32 to vector<16xi32>
        %min3A_768 = arith.minsi %min3A_767, %max3A_766 : vector<16xi32>
        %gather3A_769 = tpu.vector_load_idx %arg13[%min3A_768] : memref<4096xi32, #tpu.memory_space<vmem>>[vector<16xi32>], vector<16xi32>,
        %jit3A_770 = arith.constant 0 : i32
        %jit3A_771 = arith.constant 4095 : i32
        %max3A_772 = vector.broadcast %jit3A_770 : i32 to vector<16xi32>
        %max3A_773 = arith.maxsi %max3A_772, %gather3A_769 : vector<16xi32>
        %min3A_774 = vector.broadcast %jit3A_771 : i32 to vector<16xi32>
        %min3A_775 = arith.minsi %min3A_774, %max3A_773 : vector<16xi32>
        %gather3A_776 = tpu.vector_load_idx %arg8[%min3A_775] : memref<4096xf32, #tpu.memory_space<vmem>>[vector<16xi32>], vector<16xf32>,
        %gather3A_777 = tpu.vector_load_idx %arg9[%min3A_775] : memref<4096xf32, #tpu.memory_space<vmem>>[vector<16xi32>], vector<16xf32>,
        %sub3A_778 = arith.subf %get3A_113, %gather3A_776 : vector<16xf32>
        %sub3A_779 = arith.subf %get3A_115, %gather3A_777 : vector<16xf32>
        %mul3A_780 = arith.mulf %sub3A_778, %sub3A_778 : vector<16xf32>
        %mul3A_781 = arith.mulf %sub3A_779, %sub3A_779 : vector<16xf32>
        %add3A_782 = arith.addf %mul3A_780, %mul3A_781 : vector<16xf32>
        %lt3A_783 = arith.constant 1.08506945E-4 : f32
        %lt3A_784 = vector.broadcast %lt3A_783 : f32 to vector<16xf32>
        %lt3A_785 = arith.cmpf olt, %add3A_782, %lt3A_784 : vector<16xf32>
        %and3A_786 = arith.andi %lt3A_757, %lt3A_785 : vector<16xi1>
        %jit3A_787 = arith.constant 1073741824 : i32
        %broadcast_in_dim3A_788 = vector.broadcast %jit3A_787 : i32 to vector<16xi32>
        %select_n3A_789 = arith.select %and3A_786, %min3A_775, %broadcast_in_dim3A_788 : vector<16xi1>, vector<16xi32>
        %min3A_790 = arith.minsi %min3A_721, %select_n3A_789 : vector<16xi32>
        %min3A_791 = arith.minsi %max3A_723, %select_n3A_789 : vector<16xi32>
        %max3A_792 = arith.maxsi %min3A_721, %min3A_791 : vector<16xi32>
        %min3A_793 = arith.minsi %max3A_725, %select_n3A_789 : vector<16xi32>
        %max3A_794 = arith.maxsi %max3A_723, %min3A_793 : vector<16xi32>
        %min3A_795 = arith.minsi %max3A_727, %select_n3A_789 : vector<16xi32>
        %max3A_796 = arith.maxsi %max3A_725, %min3A_795 : vector<16xi32>
        %min3A_797 = arith.minsi %max3A_729, %select_n3A_789 : vector<16xi32>
        %max3A_798 = arith.maxsi %max3A_727, %min3A_797 : vector<16xi32>
        %min3A_799 = arith.minsi %max3A_731, %select_n3A_789 : vector<16xi32>
        %max3A_800 = arith.maxsi %max3A_729, %min3A_799 : vector<16xi32>
        %min3A_801 = arith.minsi %max3A_733, %select_n3A_789 : vector<16xi32>
        %max3A_802 = arith.maxsi %max3A_731, %min3A_801 : vector<16xi32>
        %min3A_803 = arith.minsi %max3A_735, %select_n3A_789 : vector<16xi32>
        %max3A_804 = arith.maxsi %max3A_733, %min3A_803 : vector<16xi32>
        %min3A_805 = arith.minsi %max3A_737, %select_n3A_789 : vector<16xi32>
        %max3A_806 = arith.maxsi %max3A_735, %min3A_805 : vector<16xi32>
        %min3A_807 = arith.minsi %max3A_739, %select_n3A_789 : vector<16xi32>
        %max3A_808 = arith.maxsi %max3A_737, %min3A_807 : vector<16xi32>
        %min3A_809 = arith.minsi %max3A_741, %select_n3A_789 : vector<16xi32>
        %max3A_810 = arith.maxsi %max3A_739, %min3A_809 : vector<16xi32>
        %min3A_811 = arith.minsi %max3A_743, %select_n3A_789 : vector<16xi32>
        %max3A_812 = arith.maxsi %max3A_741, %min3A_811 : vector<16xi32>
        %min3A_813 = arith.minsi %max3A_745, %select_n3A_789 : vector<16xi32>
        %max3A_814 = arith.maxsi %max3A_743, %min3A_813 : vector<16xi32>
        %min3A_815 = arith.minsi %max3A_747, %select_n3A_789 : vector<16xi32>
        %max3A_816 = arith.maxsi %max3A_745, %min3A_815 : vector<16xi32>
        %min3A_817 = arith.minsi %max3A_749, %select_n3A_789 : vector<16xi32>
        %max3A_818 = arith.maxsi %max3A_747, %min3A_817 : vector<16xi32>
        %min3A_819 = arith.minsi %max3A_751, %select_n3A_789 : vector<16xi32>
        %max3A_820 = arith.maxsi %max3A_749, %min3A_819 : vector<16xi32>
        scf.yield %min3A_790, %max3A_792, %max3A_794, %max3A_796, %max3A_798, %max3A_800, %max3A_802, %max3A_804, %max3A_806, %max3A_808, %max3A_810, %max3A_812, %max3A_814, %max3A_816, %max3A_818, %max3A_820 : vector<16xi32>, vector<16xi32>, vector<16xi32>, vector<16xi32>, vector<16xi32>, vector<16xi32>, vector<16xi32>, vector<16xi32>, vector<16xi32>, vector<16xi32>, vector<16xi32>, vector<16xi32>, vector<16xi32>, vector<16xi32>, vector<16xi32>, vector<16xi32>
      }
      %add3A_360 = arith.constant 1 : i32
      %add3A_361 = vector.broadcast %add3A_360 : i32 to vector<16xi32>
      %add3A_362 = arith.addi %min3A_128, %add3A_361 : vector<16xi32>
      %ge3A_363 = arith.constant 0 : i32
      %ge3A_364 = vector.broadcast %ge3A_363 : i32 to vector<16xi32>
      %ge3A_365 = arith.cmpi sge, %add3A_362, %ge3A_364 : vector<16xi32>
      %lt3A_366 = arith.constant 64 : i32
      %lt3A_367 = vector.broadcast %lt3A_366 : i32 to vector<16xi32>
      %lt3A_368 = arith.cmpi slt, %add3A_362, %lt3A_367 : vector<16xi32>
      %and3A_369 = arith.andi %ge3A_365, %lt3A_368 : vector<16xi1>
      %jit3A_370 = arith.constant 0 : i32
      %jit3A_371 = arith.constant 63 : i32
      %max3A_372 = vector.broadcast %jit3A_370 : i32 to vector<16xi32>
      %max3A_373 = arith.maxsi %max3A_372, %add3A_362 : vector<16xi32>
      %min3A_374 = vector.broadcast %jit3A_371 : i32 to vector<16xi32>
      %min3A_375 = arith.minsi %min3A_374, %max3A_373 : vector<16xi32>
      %mul3A_376 = arith.constant 64 : i32
      %mul3A_377 = vector.broadcast %mul3A_376 : i32 to vector<16xi32>
      %mul3A_378 = arith.muli %min3A_375, %mul3A_377 : vector<16xi32>
      %add3A_379 = arith.addi %mul3A_378, %max3A_133 : vector<16xi32>
      %gather3A_380 = tpu.vector_load_idx %arg12[%add3A_379] : memref<4112xi32, #tpu.memory_space<vmem>>[vector<16xi32>], vector<16xi32>,
      %mul3A_381 = arith.constant 64 : i32
      %mul3A_382 = vector.broadcast %mul3A_381 : i32 to vector<16xi32>
      %mul3A_383 = arith.muli %min3A_375, %mul3A_382 : vector<16xi32>
      %add3A_384 = arith.addi %mul3A_383, %min3A_139 : vector<16xi32>
      %add3A_385 = arith.constant 1 : i32
      %add3A_386 = vector.broadcast %add3A_385 : i32 to vector<16xi32>
      %add3A_387 = arith.addi %add3A_384, %add3A_386 : vector<16xi32>
      %gather3A_388 = tpu.vector_load_idx %arg12[%add3A_387] : memref<4112xi32, #tpu.memory_space<vmem>>[vector<16xi32>], vector<16xi32>,
      %jit3A_389 = arith.constant 0 : i32
      %broadcast_in_dim3A_390 = vector.broadcast %jit3A_389 : i32 to vector<16xi32>
      %select_n3A_391 = arith.select %and3A_369, %gather3A_380, %broadcast_in_dim3A_390 : vector<16xi1>, vector<16xi32>
      %jit3A_392 = arith.constant 0 : i32
      %jit3A_393 = arith.constant 4096 : i32
      %max3A_394 = vector.broadcast %jit3A_392 : i32 to vector<16xi32>
      %max3A_395 = arith.maxsi %max3A_394, %select_n3A_391 : vector<16xi32>
      %min3A_396 = vector.broadcast %jit3A_393 : i32 to vector<16xi32>
      %min3A_397 = arith.minsi %min3A_396, %max3A_395 : vector<16xi32>
      %jit3A_398 = arith.constant 0 : i32
      %broadcast_in_dim3A_399 = vector.broadcast %jit3A_398 : i32 to vector<16xi32>
      %select_n3A_400 = arith.select %and3A_369, %gather3A_388, %broadcast_in_dim3A_399 : vector<16xi1>, vector<16xi32>
      %jit3A_401 = arith.constant 0 : i32
      %jit3A_402 = arith.constant 4096 : i32
      %max3A_403 = vector.broadcast %jit3A_401 : i32 to vector<16xi32>
      %max3A_404 = arith.maxsi %max3A_403, %select_n3A_400 : vector<16xi32>
      %min3A_405 = vector.broadcast %jit3A_402 : i32 to vector<16xi32>
      %min3A_406 = arith.minsi %min3A_405, %max3A_404 : vector<16xi32>
      %sub3A_407 = arith.subi %min3A_406, %min3A_397 : vector<16xi32>
      %max3A_408 = arith.constant 0 : i32
      %max3A_409 = vector.broadcast %max3A_408 : i32 to vector<16xi32>
      %max3A_410 = arith.maxsi %sub3A_407, %max3A_409 : vector<16xi32>
      %reduce_max3A_411 = arith.constant true
      %reduce_max3A_412 = vector.broadcast %reduce_max3A_411 : i1 to vector<16xi1>
      %reduce_max3A_413 = arith.constant -2147483648 : i32
      %reduce_max3A_414 = vector.broadcast %reduce_max3A_413 : i32 to vector<16xi32>
      %reduce_max3A_415 = arith.xori %max3A_410, %reduce_max3A_414 : vector<16xi32>
      %reduce_max3A_416 = tpu.scan <max>, %reduce_max3A_415 masked %reduce_max3A_412 : vector<16xi32>, vector<16xi1> -> vector<16xi32>
      %reduce_max3A_417 = arith.xori %reduce_max3A_416, %reduce_max3A_414 : vector<16xi32>
      %reduce_max3A_418 = vector.extract %reduce_max3A_417[15] : i32 from vector<16xi32>
      %add3A_419 = arith.constant 1 : i32
      %add3A_420 = arith.addi %reduce_max3A_418, %add3A_419 : i32
      %jit3A_421 = arith.constant 2 : i32
      %div3A_422 = arith.divsi %add3A_420, %jit3A_421 : i32
      %sign3A_423 = arith.constant 0 : i32
      %sign3A_424 = arith.cmpi sgt, %add3A_420, %sign3A_423 : i32
      %sign3A_425 = arith.extui %sign3A_424 : i1 to i32
      %sign3A_426 = arith.constant 0 : i32
      %sign3A_427 = arith.cmpi slt, %add3A_420, %sign3A_426 : i32
      %sign3A_428 = arith.extui %sign3A_427 : i1 to i32
      %sign3A_429 = arith.subi %sign3A_425, %sign3A_428 : i32
      %sign3A_430 = arith.constant 0 : i32
      %sign3A_431 = arith.cmpi sgt, %jit3A_421, %sign3A_430 : i32
      %sign3A_432 = arith.extui %sign3A_431 : i1 to i32
      %sign3A_433 = arith.constant 0 : i32
      %sign3A_434 = arith.cmpi slt, %jit3A_421, %sign3A_433 : i32
      %sign3A_435 = arith.extui %sign3A_434 : i1 to i32
      %sign3A_436 = arith.subi %sign3A_432, %sign3A_435 : i32
      %ne3A_437 = arith.cmpi ne, %sign3A_429, %sign3A_436 : i32
      %rem3A_438 = arith.remsi %add3A_420, %jit3A_421 : i32
      %ne3A_439 = arith.constant 0 : i32
      %ne3A_440 = arith.cmpi ne, %rem3A_438, %ne3A_439 : i32
      %and3A_441 = arith.andi %ne3A_437, %ne3A_440 : i1
      %sub3A_442 = arith.constant 1 : i32
      %sub3A_443 = arith.subi %div3A_422, %sub3A_442 : i32
      %select_n3A_444 = arith.select %and3A_441, %sub3A_443, %div3A_422 : i32
      %while3A_445 = arith.constant 0 : i32
      %while3A_446 = arith.subi %select_n3A_444, %while3A_445 : i32
      %while3A_447 = arith.addi %while3A_445, %while3A_446 : i32
      %while3A_448 = arith.constant 1 : i32
      %while3A_449 = arith.divsi %while3A_446, %while3A_448 : i32
      %while3A_450 = arith.muli %while3A_449, %while3A_448 : i32
      %while3A_451 = arith.addi %while3A_445, %while3A_450 : i32
      %while3A_452 = arith.constant 1 : i32
      %while3A_453:16 = scf.for %while3A_668 = %while3A_445 to %while3A_451 step %while3A_452 iter_args(%while3A_669 = %while3A_359#0, %while3A_670 = %while3A_359#1, %while3A_671 = %while3A_359#2, %while3A_672 = %while3A_359#3, %while3A_673 = %while3A_359#4, %while3A_674 = %while3A_359#5, %while3A_675 = %while3A_359#6, %while3A_676 = %while3A_359#7, %while3A_677 = %while3A_359#8, %while3A_678 = %while3A_359#9, %while3A_679 = %while3A_359#10, %while3A_680 = %while3A_359#11, %while3A_681 = %while3A_359#12, %while3A_682 = %while3A_359#13, %while3A_683 = %while3A_359#14, %while3A_684 = %while3A_359#15) -> (vector<16xi32>, vector<16xi32>, vector<16xi32>, vector<16xi32>, vector<16xi32>, vector<16xi32>, vector<16xi32>, vector<16xi32>, vector<16xi32>, vector<16xi32>, vector<16xi32>, vector<16xi32>, vector<16xi32>, vector<16xi32>, vector<16xi32>, vector<16xi32>)  : i32 {
        %mul3A_685 = arith.constant 2 : i32
        %mul3A_686 = arith.muli %mul3A_685, %while3A_668 : i32
        %lt3A_687 = vector.broadcast %mul3A_686 : i32 to vector<16xi32>
        %lt3A_688 = arith.cmpi slt, %lt3A_687, %max3A_410 : vector<16xi32>
        %add3A_689 = vector.broadcast %mul3A_686 : i32 to vector<16xi32>
        %add3A_690 = arith.addi %min3A_397, %add3A_689 : vector<16xi32>
        %jit3A_691 = arith.constant 0 : i32
        %broadcast_in_dim3A_692 = vector.broadcast %jit3A_691 : i32 to vector<16xi32>
        %select_n3A_693 = arith.select %lt3A_688, %add3A_690, %broadcast_in_dim3A_692 : vector<16xi1>, vector<16xi32>
        %jit3A_694 = arith.constant 0 : i32
        %jit3A_695 = arith.constant 4095 : i32
        %max3A_696 = vector.broadcast %jit3A_694 : i32 to vector<16xi32>
        %max3A_697 = arith.maxsi %max3A_696, %select_n3A_693 : vector<16xi32>
        %min3A_698 = vector.broadcast %jit3A_695 : i32 to vector<16xi32>
        %min3A_699 = arith.minsi %min3A_698, %max3A_697 : vector<16xi32>
        %gather3A_700 = tpu.vector_load_idx %arg13[%min3A_699] : memref<4096xi32, #tpu.memory_space<vmem>>[vector<16xi32>], vector<16xi32>,
        %jit3A_701 = arith.constant 0 : i32
        %jit3A_702 = arith.constant 4095 : i32
        %max3A_703 = vector.broadcast %jit3A_701 : i32 to vector<16xi32>
        %max3A_704 = arith.maxsi %max3A_703, %gather3A_700 : vector<16xi32>
        %min3A_705 = vector.broadcast %jit3A_702 : i32 to vector<16xi32>
        %min3A_706 = arith.minsi %min3A_705, %max3A_704 : vector<16xi32>
        %gather3A_707 = tpu.vector_load_idx %arg8[%min3A_706] : memref<4096xf32, #tpu.memory_space<vmem>>[vector<16xi32>], vector<16xf32>,
        %gather3A_708 = tpu.vector_load_idx %arg9[%min3A_706] : memref<4096xf32, #tpu.memory_space<vmem>>[vector<16xi32>], vector<16xf32>,
        %sub3A_709 = arith.subf %get3A_113, %gather3A_707 : vector<16xf32>
        %sub3A_710 = arith.subf %get3A_115, %gather3A_708 : vector<16xf32>
        %mul3A_711 = arith.mulf %sub3A_709, %sub3A_709 : vector<16xf32>
        %mul3A_712 = arith.mulf %sub3A_710, %sub3A_710 : vector<16xf32>
        %add3A_713 = arith.addf %mul3A_711, %mul3A_712 : vector<16xf32>
        %lt3A_714 = arith.constant 1.08506945E-4 : f32
        %lt3A_715 = vector.broadcast %lt3A_714 : f32 to vector<16xf32>
        %lt3A_716 = arith.cmpf olt, %add3A_713, %lt3A_715 : vector<16xf32>
        %and3A_717 = arith.andi %lt3A_688, %lt3A_716 : vector<16xi1>
        %jit3A_718 = arith.constant 1073741824 : i32
        %broadcast_in_dim3A_719 = vector.broadcast %jit3A_718 : i32 to vector<16xi32>
        %select_n3A_720 = arith.select %and3A_717, %min3A_706, %broadcast_in_dim3A_719 : vector<16xi1>, vector<16xi32>
        %min3A_721 = arith.minsi %while3A_669, %select_n3A_720 : vector<16xi32>
        %min3A_722 = arith.minsi %while3A_670, %select_n3A_720 : vector<16xi32>
        %max3A_723 = arith.maxsi %while3A_669, %min3A_722 : vector<16xi32>
        %min3A_724 = arith.minsi %while3A_671, %select_n3A_720 : vector<16xi32>
        %max3A_725 = arith.maxsi %while3A_670, %min3A_724 : vector<16xi32>
        %min3A_726 = arith.minsi %while3A_672, %select_n3A_720 : vector<16xi32>
        %max3A_727 = arith.maxsi %while3A_671, %min3A_726 : vector<16xi32>
        %min3A_728 = arith.minsi %while3A_673, %select_n3A_720 : vector<16xi32>
        %max3A_729 = arith.maxsi %while3A_672, %min3A_728 : vector<16xi32>
        %min3A_730 = arith.minsi %while3A_674, %select_n3A_720 : vector<16xi32>
        %max3A_731 = arith.maxsi %while3A_673, %min3A_730 : vector<16xi32>
        %min3A_732 = arith.minsi %while3A_675, %select_n3A_720 : vector<16xi32>
        %max3A_733 = arith.maxsi %while3A_674, %min3A_732 : vector<16xi32>
        %min3A_734 = arith.minsi %while3A_676, %select_n3A_720 : vector<16xi32>
        %max3A_735 = arith.maxsi %while3A_675, %min3A_734 : vector<16xi32>
        %min3A_736 = arith.minsi %while3A_677, %select_n3A_720 : vector<16xi32>
        %max3A_737 = arith.maxsi %while3A_676, %min3A_736 : vector<16xi32>
        %min3A_738 = arith.minsi %while3A_678, %select_n3A_720 : vector<16xi32>
        %max3A_739 = arith.maxsi %while3A_677, %min3A_738 : vector<16xi32>
        %min3A_740 = arith.minsi %while3A_679, %select_n3A_720 : vector<16xi32>
        %max3A_741 = arith.maxsi %while3A_678, %min3A_740 : vector<16xi32>
        %min3A_742 = arith.minsi %while3A_680, %select_n3A_720 : vector<16xi32>
        %max3A_743 = arith.maxsi %while3A_679, %min3A_742 : vector<16xi32>
        %min3A_744 = arith.minsi %while3A_681, %select_n3A_720 : vector<16xi32>
        %max3A_745 = arith.maxsi %while3A_680, %min3A_744 : vector<16xi32>
        %min3A_746 = arith.minsi %while3A_682, %select_n3A_720 : vector<16xi32>
        %max3A_747 = arith.maxsi %while3A_681, %min3A_746 : vector<16xi32>
        %min3A_748 = arith.minsi %while3A_683, %select_n3A_720 : vector<16xi32>
        %max3A_749 = arith.maxsi %while3A_682, %min3A_748 : vector<16xi32>
        %min3A_750 = arith.minsi %while3A_684, %select_n3A_720 : vector<16xi32>
        %max3A_751 = arith.maxsi %while3A_683, %min3A_750 : vector<16xi32>
        %mul3A_752 = arith.constant 2 : i32
        %mul3A_753 = arith.muli %mul3A_752, %while3A_668 : i32
        %add3A_754 = arith.constant 1 : i32
        %add3A_755 = arith.addi %mul3A_753, %add3A_754 : i32
        %lt3A_756 = vector.broadcast %add3A_755 : i32 to vector<16xi32>
        %lt3A_757 = arith.cmpi slt, %lt3A_756, %max3A_410 : vector<16xi32>
        %add3A_758 = vector.broadcast %add3A_755 : i32 to vector<16xi32>
        %add3A_759 = arith.addi %min3A_397, %add3A_758 : vector<16xi32>
        %jit3A_760 = arith.constant 0 : i32
        %broadcast_in_dim3A_761 = vector.broadcast %jit3A_760 : i32 to vector<16xi32>
        %select_n3A_762 = arith.select %lt3A_757, %add3A_759, %broadcast_in_dim3A_761 : vector<16xi1>, vector<16xi32>
        %jit3A_763 = arith.constant 0 : i32
        %jit3A_764 = arith.constant 4095 : i32
        %max3A_765 = vector.broadcast %jit3A_763 : i32 to vector<16xi32>
        %max3A_766 = arith.maxsi %max3A_765, %select_n3A_762 : vector<16xi32>
        %min3A_767 = vector.broadcast %jit3A_764 : i32 to vector<16xi32>
        %min3A_768 = arith.minsi %min3A_767, %max3A_766 : vector<16xi32>
        %gather3A_769 = tpu.vector_load_idx %arg13[%min3A_768] : memref<4096xi32, #tpu.memory_space<vmem>>[vector<16xi32>], vector<16xi32>,
        %jit3A_770 = arith.constant 0 : i32
        %jit3A_771 = arith.constant 4095 : i32
        %max3A_772 = vector.broadcast %jit3A_770 : i32 to vector<16xi32>
        %max3A_773 = arith.maxsi %max3A_772, %gather3A_769 : vector<16xi32>
        %min3A_774 = vector.broadcast %jit3A_771 : i32 to vector<16xi32>
        %min3A_775 = arith.minsi %min3A_774, %max3A_773 : vector<16xi32>
        %gather3A_776 = tpu.vector_load_idx %arg8[%min3A_775] : memref<4096xf32, #tpu.memory_space<vmem>>[vector<16xi32>], vector<16xf32>,
        %gather3A_777 = tpu.vector_load_idx %arg9[%min3A_775] : memref<4096xf32, #tpu.memory_space<vmem>>[vector<16xi32>], vector<16xf32>,
        %sub3A_778 = arith.subf %get3A_113, %gather3A_776 : vector<16xf32>
        %sub3A_779 = arith.subf %get3A_115, %gather3A_777 : vector<16xf32>
        %mul3A_780 = arith.mulf %sub3A_778, %sub3A_778 : vector<16xf32>
        %mul3A_781 = arith.mulf %sub3A_779, %sub3A_779 : vector<16xf32>
        %add3A_782 = arith.addf %mul3A_780, %mul3A_781 : vector<16xf32>
        %lt3A_783 = arith.constant 1.08506945E-4 : f32
        %lt3A_784 = vector.broadcast %lt3A_783 : f32 to vector<16xf32>
        %lt3A_785 = arith.cmpf olt, %add3A_782, %lt3A_784 : vector<16xf32>
        %and3A_786 = arith.andi %lt3A_757, %lt3A_785 : vector<16xi1>
        %jit3A_787 = arith.constant 1073741824 : i32
        %broadcast_in_dim3A_788 = vector.broadcast %jit3A_787 : i32 to vector<16xi32>
        %select_n3A_789 = arith.select %and3A_786, %min3A_775, %broadcast_in_dim3A_788 : vector<16xi1>, vector<16xi32>
        %min3A_790 = arith.minsi %min3A_721, %select_n3A_789 : vector<16xi32>
        %min3A_791 = arith.minsi %max3A_723, %select_n3A_789 : vector<16xi32>
        %max3A_792 = arith.maxsi %min3A_721, %min3A_791 : vector<16xi32>
        %min3A_793 = arith.minsi %max3A_725, %select_n3A_789 : vector<16xi32>
        %max3A_794 = arith.maxsi %max3A_723, %min3A_793 : vector<16xi32>
        %min3A_795 = arith.minsi %max3A_727, %select_n3A_789 : vector<16xi32>
        %max3A_796 = arith.maxsi %max3A_725, %min3A_795 : vector<16xi32>
        %min3A_797 = arith.minsi %max3A_729, %select_n3A_789 : vector<16xi32>
        %max3A_798 = arith.maxsi %max3A_727, %min3A_797 : vector<16xi32>
        %min3A_799 = arith.minsi %max3A_731, %select_n3A_789 : vector<16xi32>
        %max3A_800 = arith.maxsi %max3A_729, %min3A_799 : vector<16xi32>
        %min3A_801 = arith.minsi %max3A_733, %select_n3A_789 : vector<16xi32>
        %max3A_802 = arith.maxsi %max3A_731, %min3A_801 : vector<16xi32>
        %min3A_803 = arith.minsi %max3A_735, %select_n3A_789 : vector<16xi32>
        %max3A_804 = arith.maxsi %max3A_733, %min3A_803 : vector<16xi32>
        %min3A_805 = arith.minsi %max3A_737, %select_n3A_789 : vector<16xi32>
        %max3A_806 = arith.maxsi %max3A_735, %min3A_805 : vector<16xi32>
        %min3A_807 = arith.minsi %max3A_739, %select_n3A_789 : vector<16xi32>
        %max3A_808 = arith.maxsi %max3A_737, %min3A_807 : vector<16xi32>
        %min3A_809 = arith.minsi %max3A_741, %select_n3A_789 : vector<16xi32>
        %max3A_810 = arith.maxsi %max3A_739, %min3A_809 : vector<16xi32>
        %min3A_811 = arith.minsi %max3A_743, %select_n3A_789 : vector<16xi32>
        %max3A_812 = arith.maxsi %max3A_741, %min3A_811 : vector<16xi32>
        %min3A_813 = arith.minsi %max3A_745, %select_n3A_789 : vector<16xi32>
        %max3A_814 = arith.maxsi %max3A_743, %min3A_813 : vector<16xi32>
        %min3A_815 = arith.minsi %max3A_747, %select_n3A_789 : vector<16xi32>
        %max3A_816 = arith.maxsi %max3A_745, %min3A_815 : vector<16xi32>
        %min3A_817 = arith.minsi %max3A_749, %select_n3A_789 : vector<16xi32>
        %max3A_818 = arith.maxsi %max3A_747, %min3A_817 : vector<16xi32>
        %min3A_819 = arith.minsi %max3A_751, %select_n3A_789 : vector<16xi32>
        %max3A_820 = arith.maxsi %max3A_749, %min3A_819 : vector<16xi32>
        scf.yield %min3A_790, %max3A_792, %max3A_794, %max3A_796, %max3A_798, %max3A_800, %max3A_802, %max3A_804, %max3A_806, %max3A_808, %max3A_810, %max3A_812, %max3A_814, %max3A_816, %max3A_818, %max3A_820 : vector<16xi32>, vector<16xi32>, vector<16xi32>, vector<16xi32>, vector<16xi32>, vector<16xi32>, vector<16xi32>, vector<16xi32>, vector<16xi32>, vector<16xi32>, vector<16xi32>, vector<16xi32>, vector<16xi32>, vector<16xi32>, vector<16xi32>, vector<16xi32>
      }
      %while3A_454 = arith.constant 1 : i32
      %while3A_455:16 = scf.for %while3A_668 = %while3A_451 to %while3A_447 step %while3A_454 iter_args(%while3A_669 = %while3A_453#0, %while3A_670 = %while3A_453#1, %while3A_671 = %while3A_453#2, %while3A_672 = %while3A_453#3, %while3A_673 = %while3A_453#4, %while3A_674 = %while3A_453#5, %while3A_675 = %while3A_453#6, %while3A_676 = %while3A_453#7, %while3A_677 = %while3A_453#8, %while3A_678 = %while3A_453#9, %while3A_679 = %while3A_453#10, %while3A_680 = %while3A_453#11, %while3A_681 = %while3A_453#12, %while3A_682 = %while3A_453#13, %while3A_683 = %while3A_453#14, %while3A_684 = %while3A_453#15) -> (vector<16xi32>, vector<16xi32>, vector<16xi32>, vector<16xi32>, vector<16xi32>, vector<16xi32>, vector<16xi32>, vector<16xi32>, vector<16xi32>, vector<16xi32>, vector<16xi32>, vector<16xi32>, vector<16xi32>, vector<16xi32>, vector<16xi32>, vector<16xi32>)  : i32 {
        %mul3A_685 = arith.constant 2 : i32
        %mul3A_686 = arith.muli %mul3A_685, %while3A_668 : i32
        %lt3A_687 = vector.broadcast %mul3A_686 : i32 to vector<16xi32>
        %lt3A_688 = arith.cmpi slt, %lt3A_687, %max3A_410 : vector<16xi32>
        %add3A_689 = vector.broadcast %mul3A_686 : i32 to vector<16xi32>
        %add3A_690 = arith.addi %min3A_397, %add3A_689 : vector<16xi32>
        %jit3A_691 = arith.constant 0 : i32
        %broadcast_in_dim3A_692 = vector.broadcast %jit3A_691 : i32 to vector<16xi32>
        %select_n3A_693 = arith.select %lt3A_688, %add3A_690, %broadcast_in_dim3A_692 : vector<16xi1>, vector<16xi32>
        %jit3A_694 = arith.constant 0 : i32
        %jit3A_695 = arith.constant 4095 : i32
        %max3A_696 = vector.broadcast %jit3A_694 : i32 to vector<16xi32>
        %max3A_697 = arith.maxsi %max3A_696, %select_n3A_693 : vector<16xi32>
        %min3A_698 = vector.broadcast %jit3A_695 : i32 to vector<16xi32>
        %min3A_699 = arith.minsi %min3A_698, %max3A_697 : vector<16xi32>
        %gather3A_700 = tpu.vector_load_idx %arg13[%min3A_699] : memref<4096xi32, #tpu.memory_space<vmem>>[vector<16xi32>], vector<16xi32>,
        %jit3A_701 = arith.constant 0 : i32
        %jit3A_702 = arith.constant 4095 : i32
        %max3A_703 = vector.broadcast %jit3A_701 : i32 to vector<16xi32>
        %max3A_704 = arith.maxsi %max3A_703, %gather3A_700 : vector<16xi32>
        %min3A_705 = vector.broadcast %jit3A_702 : i32 to vector<16xi32>
        %min3A_706 = arith.minsi %min3A_705, %max3A_704 : vector<16xi32>
        %gather3A_707 = tpu.vector_load_idx %arg8[%min3A_706] : memref<4096xf32, #tpu.memory_space<vmem>>[vector<16xi32>], vector<16xf32>,
        %gather3A_708 = tpu.vector_load_idx %arg9[%min3A_706] : memref<4096xf32, #tpu.memory_space<vmem>>[vector<16xi32>], vector<16xf32>,
        %sub3A_709 = arith.subf %get3A_113, %gather3A_707 : vector<16xf32>
        %sub3A_710 = arith.subf %get3A_115, %gather3A_708 : vector<16xf32>
        %mul3A_711 = arith.mulf %sub3A_709, %sub3A_709 : vector<16xf32>
        %mul3A_712 = arith.mulf %sub3A_710, %sub3A_710 : vector<16xf32>
        %add3A_713 = arith.addf %mul3A_711, %mul3A_712 : vector<16xf32>
        %lt3A_714 = arith.constant 1.08506945E-4 : f32
        %lt3A_715 = vector.broadcast %lt3A_714 : f32 to vector<16xf32>
        %lt3A_716 = arith.cmpf olt, %add3A_713, %lt3A_715 : vector<16xf32>
        %and3A_717 = arith.andi %lt3A_688, %lt3A_716 : vector<16xi1>
        %jit3A_718 = arith.constant 1073741824 : i32
        %broadcast_in_dim3A_719 = vector.broadcast %jit3A_718 : i32 to vector<16xi32>
        %select_n3A_720 = arith.select %and3A_717, %min3A_706, %broadcast_in_dim3A_719 : vector<16xi1>, vector<16xi32>
        %min3A_721 = arith.minsi %while3A_669, %select_n3A_720 : vector<16xi32>
        %min3A_722 = arith.minsi %while3A_670, %select_n3A_720 : vector<16xi32>
        %max3A_723 = arith.maxsi %while3A_669, %min3A_722 : vector<16xi32>
        %min3A_724 = arith.minsi %while3A_671, %select_n3A_720 : vector<16xi32>
        %max3A_725 = arith.maxsi %while3A_670, %min3A_724 : vector<16xi32>
        %min3A_726 = arith.minsi %while3A_672, %select_n3A_720 : vector<16xi32>
        %max3A_727 = arith.maxsi %while3A_671, %min3A_726 : vector<16xi32>
        %min3A_728 = arith.minsi %while3A_673, %select_n3A_720 : vector<16xi32>
        %max3A_729 = arith.maxsi %while3A_672, %min3A_728 : vector<16xi32>
        %min3A_730 = arith.minsi %while3A_674, %select_n3A_720 : vector<16xi32>
        %max3A_731 = arith.maxsi %while3A_673, %min3A_730 : vector<16xi32>
        %min3A_732 = arith.minsi %while3A_675, %select_n3A_720 : vector<16xi32>
        %max3A_733 = arith.maxsi %while3A_674, %min3A_732 : vector<16xi32>
        %min3A_734 = arith.minsi %while3A_676, %select_n3A_720 : vector<16xi32>
        %max3A_735 = arith.maxsi %while3A_675, %min3A_734 : vector<16xi32>
        %min3A_736 = arith.minsi %while3A_677, %select_n3A_720 : vector<16xi32>
        %max3A_737 = arith.maxsi %while3A_676, %min3A_736 : vector<16xi32>
        %min3A_738 = arith.minsi %while3A_678, %select_n3A_720 : vector<16xi32>
        %max3A_739 = arith.maxsi %while3A_677, %min3A_738 : vector<16xi32>
        %min3A_740 = arith.minsi %while3A_679, %select_n3A_720 : vector<16xi32>
        %max3A_741 = arith.maxsi %while3A_678, %min3A_740 : vector<16xi32>
        %min3A_742 = arith.minsi %while3A_680, %select_n3A_720 : vector<16xi32>
        %max3A_743 = arith.maxsi %while3A_679, %min3A_742 : vector<16xi32>
        %min3A_744 = arith.minsi %while3A_681, %select_n3A_720 : vector<16xi32>
        %max3A_745 = arith.maxsi %while3A_680, %min3A_744 : vector<16xi32>
        %min3A_746 = arith.minsi %while3A_682, %select_n3A_720 : vector<16xi32>
        %max3A_747 = arith.maxsi %while3A_681, %min3A_746 : vector<16xi32>
        %min3A_748 = arith.minsi %while3A_683, %select_n3A_720 : vector<16xi32>
        %max3A_749 = arith.maxsi %while3A_682, %min3A_748 : vector<16xi32>
        %min3A_750 = arith.minsi %while3A_684, %select_n3A_720 : vector<16xi32>
        %max3A_751 = arith.maxsi %while3A_683, %min3A_750 : vector<16xi32>
        %mul3A_752 = arith.constant 2 : i32
        %mul3A_753 = arith.muli %mul3A_752, %while3A_668 : i32
        %add3A_754 = arith.constant 1 : i32
        %add3A_755 = arith.addi %mul3A_753, %add3A_754 : i32
        %lt3A_756 = vector.broadcast %add3A_755 : i32 to vector<16xi32>
        %lt3A_757 = arith.cmpi slt, %lt3A_756, %max3A_410 : vector<16xi32>
        %add3A_758 = vector.broadcast %add3A_755 : i32 to vector<16xi32>
        %add3A_759 = arith.addi %min3A_397, %add3A_758 : vector<16xi32>
        %jit3A_760 = arith.constant 0 : i32
        %broadcast_in_dim3A_761 = vector.broadcast %jit3A_760 : i32 to vector<16xi32>
        %select_n3A_762 = arith.select %lt3A_757, %add3A_759, %broadcast_in_dim3A_761 : vector<16xi1>, vector<16xi32>
        %jit3A_763 = arith.constant 0 : i32
        %jit3A_764 = arith.constant 4095 : i32
        %max3A_765 = vector.broadcast %jit3A_763 : i32 to vector<16xi32>
        %max3A_766 = arith.maxsi %max3A_765, %select_n3A_762 : vector<16xi32>
        %min3A_767 = vector.broadcast %jit3A_764 : i32 to vector<16xi32>
        %min3A_768 = arith.minsi %min3A_767, %max3A_766 : vector<16xi32>
        %gather3A_769 = tpu.vector_load_idx %arg13[%min3A_768] : memref<4096xi32, #tpu.memory_space<vmem>>[vector<16xi32>], vector<16xi32>,
        %jit3A_770 = arith.constant 0 : i32
        %jit3A_771 = arith.constant 4095 : i32
        %max3A_772 = vector.broadcast %jit3A_770 : i32 to vector<16xi32>
        %max3A_773 = arith.maxsi %max3A_772, %gather3A_769 : vector<16xi32>
        %min3A_774 = vector.broadcast %jit3A_771 : i32 to vector<16xi32>
        %min3A_775 = arith.minsi %min3A_774, %max3A_773 : vector<16xi32>
        %gather3A_776 = tpu.vector_load_idx %arg8[%min3A_775] : memref<4096xf32, #tpu.memory_space<vmem>>[vector<16xi32>], vector<16xf32>,
        %gather3A_777 = tpu.vector_load_idx %arg9[%min3A_775] : memref<4096xf32, #tpu.memory_space<vmem>>[vector<16xi32>], vector<16xf32>,
        %sub3A_778 = arith.subf %get3A_113, %gather3A_776 : vector<16xf32>
        %sub3A_779 = arith.subf %get3A_115, %gather3A_777 : vector<16xf32>
        %mul3A_780 = arith.mulf %sub3A_778, %sub3A_778 : vector<16xf32>
        %mul3A_781 = arith.mulf %sub3A_779, %sub3A_779 : vector<16xf32>
        %add3A_782 = arith.addf %mul3A_780, %mul3A_781 : vector<16xf32>
        %lt3A_783 = arith.constant 1.08506945E-4 : f32
        %lt3A_784 = vector.broadcast %lt3A_783 : f32 to vector<16xf32>
        %lt3A_785 = arith.cmpf olt, %add3A_782, %lt3A_784 : vector<16xf32>
        %and3A_786 = arith.andi %lt3A_757, %lt3A_785 : vector<16xi1>
        %jit3A_787 = arith.constant 1073741824 : i32
        %broadcast_in_dim3A_788 = vector.broadcast %jit3A_787 : i32 to vector<16xi32>
        %select_n3A_789 = arith.select %and3A_786, %min3A_775, %broadcast_in_dim3A_788 : vector<16xi1>, vector<16xi32>
        %min3A_790 = arith.minsi %min3A_721, %select_n3A_789 : vector<16xi32>
        %min3A_791 = arith.minsi %max3A_723, %select_n3A_789 : vector<16xi32>
        %max3A_792 = arith.maxsi %min3A_721, %min3A_791 : vector<16xi32>
        %min3A_793 = arith.minsi %max3A_725, %select_n3A_789 : vector<16xi32>
        %max3A_794 = arith.maxsi %max3A_723, %min3A_793 : vector<16xi32>
        %min3A_795 = arith.minsi %max3A_727, %select_n3A_789 : vector<16xi32>
        %max3A_796 = arith.maxsi %max3A_725, %min3A_795 : vector<16xi32>
        %min3A_797 = arith.minsi %max3A_729, %select_n3A_789 : vector<16xi32>
        %max3A_798 = arith.maxsi %max3A_727, %min3A_797 : vector<16xi32>
        %min3A_799 = arith.minsi %max3A_731, %select_n3A_789 : vector<16xi32>
        %max3A_800 = arith.maxsi %max3A_729, %min3A_799 : vector<16xi32>
        %min3A_801 = arith.minsi %max3A_733, %select_n3A_789 : vector<16xi32>
        %max3A_802 = arith.maxsi %max3A_731, %min3A_801 : vector<16xi32>
        %min3A_803 = arith.minsi %max3A_735, %select_n3A_789 : vector<16xi32>
        %max3A_804 = arith.maxsi %max3A_733, %min3A_803 : vector<16xi32>
        %min3A_805 = arith.minsi %max3A_737, %select_n3A_789 : vector<16xi32>
        %max3A_806 = arith.maxsi %max3A_735, %min3A_805 : vector<16xi32>
        %min3A_807 = arith.minsi %max3A_739, %select_n3A_789 : vector<16xi32>
        %max3A_808 = arith.maxsi %max3A_737, %min3A_807 : vector<16xi32>
        %min3A_809 = arith.minsi %max3A_741, %select_n3A_789 : vector<16xi32>
        %max3A_810 = arith.maxsi %max3A_739, %min3A_809 : vector<16xi32>
        %min3A_811 = arith.minsi %max3A_743, %select_n3A_789 : vector<16xi32>
        %max3A_812 = arith.maxsi %max3A_741, %min3A_811 : vector<16xi32>
        %min3A_813 = arith.minsi %max3A_745, %select_n3A_789 : vector<16xi32>
        %max3A_814 = arith.maxsi %max3A_743, %min3A_813 : vector<16xi32>
        %min3A_815 = arith.minsi %max3A_747, %select_n3A_789 : vector<16xi32>
        %max3A_816 = arith.maxsi %max3A_745, %min3A_815 : vector<16xi32>
        %min3A_817 = arith.minsi %max3A_749, %select_n3A_789 : vector<16xi32>
        %max3A_818 = arith.maxsi %max3A_747, %min3A_817 : vector<16xi32>
        %min3A_819 = arith.minsi %max3A_751, %select_n3A_789 : vector<16xi32>
        %max3A_820 = arith.maxsi %max3A_749, %min3A_819 : vector<16xi32>
        scf.yield %min3A_790, %max3A_792, %max3A_794, %max3A_796, %max3A_798, %max3A_800, %max3A_802, %max3A_804, %max3A_806, %max3A_808, %max3A_810, %max3A_812, %max3A_814, %max3A_816, %max3A_818, %max3A_820 : vector<16xi32>, vector<16xi32>, vector<16xi32>, vector<16xi32>, vector<16xi32>, vector<16xi32>, vector<16xi32>, vector<16xi32>, vector<16xi32>, vector<16xi32>, vector<16xi32>, vector<16xi32>, vector<16xi32>, vector<16xi32>, vector<16xi32>, vector<16xi32>
      }
      %mul3A_456 = arith.constant 16 : i32
      %mul3A_457 = arith.muli %add3A_107, %mul3A_456 : i32
      %add3A_458 = vector.broadcast %mul3A_457 : i32 to vector<16xi32>
      %add3A_459 = arith.addi %add3A_458, %iota3A : vector<16xi32>
      %lt3A_460 = arith.constant 1073741824 : i32
      %lt3A_461 = vector.broadcast %lt3A_460 : i32 to vector<16xi32>
      %lt3A_462 = arith.cmpi slt, %while3A_455#0, %lt3A_461 : vector<16xi32>
      %select_n3A_463 = arith.select %lt3A_462, %while3A_455#0, %add3A_112 : vector<16xi1>, vector<16xi32>
      %gather3A_464 = tpu.vector_load_idx %arg8[%select_n3A_463] : memref<4096xf32, #tpu.memory_space<vmem>>[vector<16xi32>], vector<16xf32>,
      %gather3A_465 = tpu.vector_load_idx %arg9[%select_n3A_463] : memref<4096xf32, #tpu.memory_space<vmem>>[vector<16xi32>], vector<16xf32>,
      %broadcast_in_dim3A_466 = arith.constant 0 : i32
      %broadcast_in_dim3A_467 = vector.broadcast %broadcast_in_dim3A_466 : i32 to vector<16xi32>
      %sub3A_468 = arith.subf %get3A_113, %gather3A_464 : vector<16xf32>
      tpu.vector_store_idx %arg14[%add3A_459, %broadcast_in_dim3A_467], %sub3A_468 : memref<512x32xf32, #tpu.memory_space<vmem>>[vector<16xi32>, vector<16xi32>], vector<16xf32>,
      %add3A_469 = arith.constant 16 : i32
      %add3A_470 = vector.broadcast %add3A_469 : i32 to vector<16xi32>
      %add3A_471 = arith.addi %broadcast_in_dim3A_467, %add3A_470 : vector<16xi32>
      %sub3A_472 = arith.subf %get3A_115, %gather3A_465 : vector<16xf32>
      tpu.vector_store_idx %arg14[%add3A_459, %add3A_471], %sub3A_472 : memref<512x32xf32, #tpu.memory_space<vmem>>[vector<16xi32>, vector<16xi32>], vector<16xf32>,
      %lt3A_473 = arith.constant 1073741824 : i32
      %lt3A_474 = vector.broadcast %lt3A_473 : i32 to vector<16xi32>
      %lt3A_475 = arith.cmpi slt, %while3A_455#1, %lt3A_474 : vector<16xi32>
      %select_n3A_476 = arith.select %lt3A_475, %while3A_455#1, %add3A_112 : vector<16xi1>, vector<16xi32>
      %gather3A_477 = tpu.vector_load_idx %arg8[%select_n3A_476] : memref<4096xf32, #tpu.memory_space<vmem>>[vector<16xi32>], vector<16xf32>,
      %gather3A_478 = tpu.vector_load_idx %arg9[%select_n3A_476] : memref<4096xf32, #tpu.memory_space<vmem>>[vector<16xi32>], vector<16xf32>,
      %broadcast_in_dim3A_479 = arith.constant 1 : i32
      %broadcast_in_dim3A_480 = vector.broadcast %broadcast_in_dim3A_479 : i32 to vector<16xi32>
      %sub3A_481 = arith.subf %get3A_113, %gather3A_477 : vector<16xf32>
      tpu.vector_store_idx %arg14[%add3A_459, %broadcast_in_dim3A_480], %sub3A_481 : memref<512x32xf32, #tpu.memory_space<vmem>>[vector<16xi32>, vector<16xi32>], vector<16xf32>,
      %add3A_482 = arith.constant 16 : i32
      %add3A_483 = vector.broadcast %add3A_482 : i32 to vector<16xi32>
      %add3A_484 = arith.addi %broadcast_in_dim3A_480, %add3A_483 : vector<16xi32>
      %sub3A_485 = arith.subf %get3A_115, %gather3A_478 : vector<16xf32>
      tpu.vector_store_idx %arg14[%add3A_459, %add3A_484], %sub3A_485 : memref<512x32xf32, #tpu.memory_space<vmem>>[vector<16xi32>, vector<16xi32>], vector<16xf32>,
      %lt3A_486 = arith.constant 1073741824 : i32
      %lt3A_487 = vector.broadcast %lt3A_486 : i32 to vector<16xi32>
      %lt3A_488 = arith.cmpi slt, %while3A_455#2, %lt3A_487 : vector<16xi32>
      %select_n3A_489 = arith.select %lt3A_488, %while3A_455#2, %add3A_112 : vector<16xi1>, vector<16xi32>
      %gather3A_490 = tpu.vector_load_idx %arg8[%select_n3A_489] : memref<4096xf32, #tpu.memory_space<vmem>>[vector<16xi32>], vector<16xf32>,
      %gather3A_491 = tpu.vector_load_idx %arg9[%select_n3A_489] : memref<4096xf32, #tpu.memory_space<vmem>>[vector<16xi32>], vector<16xf32>,
      %broadcast_in_dim3A_492 = arith.constant 2 : i32
      %broadcast_in_dim3A_493 = vector.broadcast %broadcast_in_dim3A_492 : i32 to vector<16xi32>
      %sub3A_494 = arith.subf %get3A_113, %gather3A_490 : vector<16xf32>
      tpu.vector_store_idx %arg14[%add3A_459, %broadcast_in_dim3A_493], %sub3A_494 : memref<512x32xf32, #tpu.memory_space<vmem>>[vector<16xi32>, vector<16xi32>], vector<16xf32>,
      %add3A_495 = arith.constant 16 : i32
      %add3A_496 = vector.broadcast %add3A_495 : i32 to vector<16xi32>
      %add3A_497 = arith.addi %broadcast_in_dim3A_493, %add3A_496 : vector<16xi32>
      %sub3A_498 = arith.subf %get3A_115, %gather3A_491 : vector<16xf32>
      tpu.vector_store_idx %arg14[%add3A_459, %add3A_497], %sub3A_498 : memref<512x32xf32, #tpu.memory_space<vmem>>[vector<16xi32>, vector<16xi32>], vector<16xf32>,
      %lt3A_499 = arith.constant 1073741824 : i32
      %lt3A_500 = vector.broadcast %lt3A_499 : i32 to vector<16xi32>
      %lt3A_501 = arith.cmpi slt, %while3A_455#3, %lt3A_500 : vector<16xi32>
      %select_n3A_502 = arith.select %lt3A_501, %while3A_455#3, %add3A_112 : vector<16xi1>, vector<16xi32>
      %gather3A_503 = tpu.vector_load_idx %arg8[%select_n3A_502] : memref<4096xf32, #tpu.memory_space<vmem>>[vector<16xi32>], vector<16xf32>,
      %gather3A_504 = tpu.vector_load_idx %arg9[%select_n3A_502] : memref<4096xf32, #tpu.memory_space<vmem>>[vector<16xi32>], vector<16xf32>,
      %broadcast_in_dim3A_505 = arith.constant 3 : i32
      %broadcast_in_dim3A_506 = vector.broadcast %broadcast_in_dim3A_505 : i32 to vector<16xi32>
      %sub3A_507 = arith.subf %get3A_113, %gather3A_503 : vector<16xf32>
      tpu.vector_store_idx %arg14[%add3A_459, %broadcast_in_dim3A_506], %sub3A_507 : memref<512x32xf32, #tpu.memory_space<vmem>>[vector<16xi32>, vector<16xi32>], vector<16xf32>,
      %add3A_508 = arith.constant 16 : i32
      %add3A_509 = vector.broadcast %add3A_508 : i32 to vector<16xi32>
      %add3A_510 = arith.addi %broadcast_in_dim3A_506, %add3A_509 : vector<16xi32>
      %sub3A_511 = arith.subf %get3A_115, %gather3A_504 : vector<16xf32>
      tpu.vector_store_idx %arg14[%add3A_459, %add3A_510], %sub3A_511 : memref<512x32xf32, #tpu.memory_space<vmem>>[vector<16xi32>, vector<16xi32>], vector<16xf32>,
      %lt3A_512 = arith.constant 1073741824 : i32
      %lt3A_513 = vector.broadcast %lt3A_512 : i32 to vector<16xi32>
      %lt3A_514 = arith.cmpi slt, %while3A_455#4, %lt3A_513 : vector<16xi32>
      %select_n3A_515 = arith.select %lt3A_514, %while3A_455#4, %add3A_112 : vector<16xi1>, vector<16xi32>
      %gather3A_516 = tpu.vector_load_idx %arg8[%select_n3A_515] : memref<4096xf32, #tpu.memory_space<vmem>>[vector<16xi32>], vector<16xf32>,
      %gather3A_517 = tpu.vector_load_idx %arg9[%select_n3A_515] : memref<4096xf32, #tpu.memory_space<vmem>>[vector<16xi32>], vector<16xf32>,
      %broadcast_in_dim3A_518 = arith.constant 4 : i32
      %broadcast_in_dim3A_519 = vector.broadcast %broadcast_in_dim3A_518 : i32 to vector<16xi32>
      %sub3A_520 = arith.subf %get3A_113, %gather3A_516 : vector<16xf32>
      tpu.vector_store_idx %arg14[%add3A_459, %broadcast_in_dim3A_519], %sub3A_520 : memref<512x32xf32, #tpu.memory_space<vmem>>[vector<16xi32>, vector<16xi32>], vector<16xf32>,
      %add3A_521 = arith.constant 16 : i32
      %add3A_522 = vector.broadcast %add3A_521 : i32 to vector<16xi32>
      %add3A_523 = arith.addi %broadcast_in_dim3A_519, %add3A_522 : vector<16xi32>
      %sub3A_524 = arith.subf %get3A_115, %gather3A_517 : vector<16xf32>
      tpu.vector_store_idx %arg14[%add3A_459, %add3A_523], %sub3A_524 : memref<512x32xf32, #tpu.memory_space<vmem>>[vector<16xi32>, vector<16xi32>], vector<16xf32>,
      %lt3A_525 = arith.constant 1073741824 : i32
      %lt3A_526 = vector.broadcast %lt3A_525 : i32 to vector<16xi32>
      %lt3A_527 = arith.cmpi slt, %while3A_455#5, %lt3A_526 : vector<16xi32>
      %select_n3A_528 = arith.select %lt3A_527, %while3A_455#5, %add3A_112 : vector<16xi1>, vector<16xi32>
      %gather3A_529 = tpu.vector_load_idx %arg8[%select_n3A_528] : memref<4096xf32, #tpu.memory_space<vmem>>[vector<16xi32>], vector<16xf32>,
      %gather3A_530 = tpu.vector_load_idx %arg9[%select_n3A_528] : memref<4096xf32, #tpu.memory_space<vmem>>[vector<16xi32>], vector<16xf32>,
      %broadcast_in_dim3A_531 = arith.constant 5 : i32
      %broadcast_in_dim3A_532 = vector.broadcast %broadcast_in_dim3A_531 : i32 to vector<16xi32>
      %sub3A_533 = arith.subf %get3A_113, %gather3A_529 : vector<16xf32>
      tpu.vector_store_idx %arg14[%add3A_459, %broadcast_in_dim3A_532], %sub3A_533 : memref<512x32xf32, #tpu.memory_space<vmem>>[vector<16xi32>, vector<16xi32>], vector<16xf32>,
      %add3A_534 = arith.constant 16 : i32
      %add3A_535 = vector.broadcast %add3A_534 : i32 to vector<16xi32>
      %add3A_536 = arith.addi %broadcast_in_dim3A_532, %add3A_535 : vector<16xi32>
      %sub3A_537 = arith.subf %get3A_115, %gather3A_530 : vector<16xf32>
      tpu.vector_store_idx %arg14[%add3A_459, %add3A_536], %sub3A_537 : memref<512x32xf32, #tpu.memory_space<vmem>>[vector<16xi32>, vector<16xi32>], vector<16xf32>,
      %lt3A_538 = arith.constant 1073741824 : i32
      %lt3A_539 = vector.broadcast %lt3A_538 : i32 to vector<16xi32>
      %lt3A_540 = arith.cmpi slt, %while3A_455#6, %lt3A_539 : vector<16xi32>
      %select_n3A_541 = arith.select %lt3A_540, %while3A_455#6, %add3A_112 : vector<16xi1>, vector<16xi32>
      %gather3A_542 = tpu.vector_load_idx %arg8[%select_n3A_541] : memref<4096xf32, #tpu.memory_space<vmem>>[vector<16xi32>], vector<16xf32>,
      %gather3A_543 = tpu.vector_load_idx %arg9[%select_n3A_541] : memref<4096xf32, #tpu.memory_space<vmem>>[vector<16xi32>], vector<16xf32>,
      %broadcast_in_dim3A_544 = arith.constant 6 : i32
      %broadcast_in_dim3A_545 = vector.broadcast %broadcast_in_dim3A_544 : i32 to vector<16xi32>
      %sub3A_546 = arith.subf %get3A_113, %gather3A_542 : vector<16xf32>
      tpu.vector_store_idx %arg14[%add3A_459, %broadcast_in_dim3A_545], %sub3A_546 : memref<512x32xf32, #tpu.memory_space<vmem>>[vector<16xi32>, vector<16xi32>], vector<16xf32>,
      %add3A_547 = arith.constant 16 : i32
      %add3A_548 = vector.broadcast %add3A_547 : i32 to vector<16xi32>
      %add3A_549 = arith.addi %broadcast_in_dim3A_545, %add3A_548 : vector<16xi32>
      %sub3A_550 = arith.subf %get3A_115, %gather3A_543 : vector<16xf32>
      tpu.vector_store_idx %arg14[%add3A_459, %add3A_549], %sub3A_550 : memref<512x32xf32, #tpu.memory_space<vmem>>[vector<16xi32>, vector<16xi32>], vector<16xf32>,
      %lt3A_551 = arith.constant 1073741824 : i32
      %lt3A_552 = vector.broadcast %lt3A_551 : i32 to vector<16xi32>
      %lt3A_553 = arith.cmpi slt, %while3A_455#7, %lt3A_552 : vector<16xi32>
      %select_n3A_554 = arith.select %lt3A_553, %while3A_455#7, %add3A_112 : vector<16xi1>, vector<16xi32>
      %gather3A_555 = tpu.vector_load_idx %arg8[%select_n3A_554] : memref<4096xf32, #tpu.memory_space<vmem>>[vector<16xi32>], vector<16xf32>,
      %gather3A_556 = tpu.vector_load_idx %arg9[%select_n3A_554] : memref<4096xf32, #tpu.memory_space<vmem>>[vector<16xi32>], vector<16xf32>,
      %broadcast_in_dim3A_557 = arith.constant 7 : i32
      %broadcast_in_dim3A_558 = vector.broadcast %broadcast_in_dim3A_557 : i32 to vector<16xi32>
      %sub3A_559 = arith.subf %get3A_113, %gather3A_555 : vector<16xf32>
      tpu.vector_store_idx %arg14[%add3A_459, %broadcast_in_dim3A_558], %sub3A_559 : memref<512x32xf32, #tpu.memory_space<vmem>>[vector<16xi32>, vector<16xi32>], vector<16xf32>,
      %add3A_560 = arith.constant 16 : i32
      %add3A_561 = vector.broadcast %add3A_560 : i32 to vector<16xi32>
      %add3A_562 = arith.addi %broadcast_in_dim3A_558, %add3A_561 : vector<16xi32>
      %sub3A_563 = arith.subf %get3A_115, %gather3A_556 : vector<16xf32>
      tpu.vector_store_idx %arg14[%add3A_459, %add3A_562], %sub3A_563 : memref<512x32xf32, #tpu.memory_space<vmem>>[vector<16xi32>, vector<16xi32>], vector<16xf32>,
      %lt3A_564 = arith.constant 1073741824 : i32
      %lt3A_565 = vector.broadcast %lt3A_564 : i32 to vector<16xi32>
      %lt3A_566 = arith.cmpi slt, %while3A_455#8, %lt3A_565 : vector<16xi32>
      %select_n3A_567 = arith.select %lt3A_566, %while3A_455#8, %add3A_112 : vector<16xi1>, vector<16xi32>
      %gather3A_568 = tpu.vector_load_idx %arg8[%select_n3A_567] : memref<4096xf32, #tpu.memory_space<vmem>>[vector<16xi32>], vector<16xf32>,
      %gather3A_569 = tpu.vector_load_idx %arg9[%select_n3A_567] : memref<4096xf32, #tpu.memory_space<vmem>>[vector<16xi32>], vector<16xf32>,
      %broadcast_in_dim3A_570 = arith.constant 8 : i32
      %broadcast_in_dim3A_571 = vector.broadcast %broadcast_in_dim3A_570 : i32 to vector<16xi32>
      %sub3A_572 = arith.subf %get3A_113, %gather3A_568 : vector<16xf32>
      tpu.vector_store_idx %arg14[%add3A_459, %broadcast_in_dim3A_571], %sub3A_572 : memref<512x32xf32, #tpu.memory_space<vmem>>[vector<16xi32>, vector<16xi32>], vector<16xf32>,
      %add3A_573 = arith.constant 16 : i32
      %add3A_574 = vector.broadcast %add3A_573 : i32 to vector<16xi32>
      %add3A_575 = arith.addi %broadcast_in_dim3A_571, %add3A_574 : vector<16xi32>
      %sub3A_576 = arith.subf %get3A_115, %gather3A_569 : vector<16xf32>
      tpu.vector_store_idx %arg14[%add3A_459, %add3A_575], %sub3A_576 : memref<512x32xf32, #tpu.memory_space<vmem>>[vector<16xi32>, vector<16xi32>], vector<16xf32>,
      %lt3A_577 = arith.constant 1073741824 : i32
      %lt3A_578 = vector.broadcast %lt3A_577 : i32 to vector<16xi32>
      %lt3A_579 = arith.cmpi slt, %while3A_455#9, %lt3A_578 : vector<16xi32>
      %select_n3A_580 = arith.select %lt3A_579, %while3A_455#9, %add3A_112 : vector<16xi1>, vector<16xi32>
      %gather3A_581 = tpu.vector_load_idx %arg8[%select_n3A_580] : memref<4096xf32, #tpu.memory_space<vmem>>[vector<16xi32>], vector<16xf32>,
      %gather3A_582 = tpu.vector_load_idx %arg9[%select_n3A_580] : memref<4096xf32, #tpu.memory_space<vmem>>[vector<16xi32>], vector<16xf32>,
      %broadcast_in_dim3A_583 = arith.constant 9 : i32
      %broadcast_in_dim3A_584 = vector.broadcast %broadcast_in_dim3A_583 : i32 to vector<16xi32>
      %sub3A_585 = arith.subf %get3A_113, %gather3A_581 : vector<16xf32>
      tpu.vector_store_idx %arg14[%add3A_459, %broadcast_in_dim3A_584], %sub3A_585 : memref<512x32xf32, #tpu.memory_space<vmem>>[vector<16xi32>, vector<16xi32>], vector<16xf32>,
      %add3A_586 = arith.constant 16 : i32
      %add3A_587 = vector.broadcast %add3A_586 : i32 to vector<16xi32>
      %add3A_588 = arith.addi %broadcast_in_dim3A_584, %add3A_587 : vector<16xi32>
      %sub3A_589 = arith.subf %get3A_115, %gather3A_582 : vector<16xf32>
      tpu.vector_store_idx %arg14[%add3A_459, %add3A_588], %sub3A_589 : memref<512x32xf32, #tpu.memory_space<vmem>>[vector<16xi32>, vector<16xi32>], vector<16xf32>,
      %lt3A_590 = arith.constant 1073741824 : i32
      %lt3A_591 = vector.broadcast %lt3A_590 : i32 to vector<16xi32>
      %lt3A_592 = arith.cmpi slt, %while3A_455#10, %lt3A_591 : vector<16xi32>
      %select_n3A_593 = arith.select %lt3A_592, %while3A_455#10, %add3A_112 : vector<16xi1>, vector<16xi32>
      %gather3A_594 = tpu.vector_load_idx %arg8[%select_n3A_593] : memref<4096xf32, #tpu.memory_space<vmem>>[vector<16xi32>], vector<16xf32>,
      %gather3A_595 = tpu.vector_load_idx %arg9[%select_n3A_593] : memref<4096xf32, #tpu.memory_space<vmem>>[vector<16xi32>], vector<16xf32>,
      %broadcast_in_dim3A_596 = arith.constant 10 : i32
      %broadcast_in_dim3A_597 = vector.broadcast %broadcast_in_dim3A_596 : i32 to vector<16xi32>
      %sub3A_598 = arith.subf %get3A_113, %gather3A_594 : vector<16xf32>
      tpu.vector_store_idx %arg14[%add3A_459, %broadcast_in_dim3A_597], %sub3A_598 : memref<512x32xf32, #tpu.memory_space<vmem>>[vector<16xi32>, vector<16xi32>], vector<16xf32>,
      %add3A_599 = arith.constant 16 : i32
      %add3A_600 = vector.broadcast %add3A_599 : i32 to vector<16xi32>
      %add3A_601 = arith.addi %broadcast_in_dim3A_597, %add3A_600 : vector<16xi32>
      %sub3A_602 = arith.subf %get3A_115, %gather3A_595 : vector<16xf32>
      tpu.vector_store_idx %arg14[%add3A_459, %add3A_601], %sub3A_602 : memref<512x32xf32, #tpu.memory_space<vmem>>[vector<16xi32>, vector<16xi32>], vector<16xf32>,
      %lt3A_603 = arith.constant 1073741824 : i32
      %lt3A_604 = vector.broadcast %lt3A_603 : i32 to vector<16xi32>
      %lt3A_605 = arith.cmpi slt, %while3A_455#11, %lt3A_604 : vector<16xi32>
      %select_n3A_606 = arith.select %lt3A_605, %while3A_455#11, %add3A_112 : vector<16xi1>, vector<16xi32>
      %gather3A_607 = tpu.vector_load_idx %arg8[%select_n3A_606] : memref<4096xf32, #tpu.memory_space<vmem>>[vector<16xi32>], vector<16xf32>,
      %gather3A_608 = tpu.vector_load_idx %arg9[%select_n3A_606] : memref<4096xf32, #tpu.memory_space<vmem>>[vector<16xi32>], vector<16xf32>,
      %broadcast_in_dim3A_609 = arith.constant 11 : i32
      %broadcast_in_dim3A_610 = vector.broadcast %broadcast_in_dim3A_609 : i32 to vector<16xi32>
      %sub3A_611 = arith.subf %get3A_113, %gather3A_607 : vector<16xf32>
      tpu.vector_store_idx %arg14[%add3A_459, %broadcast_in_dim3A_610], %sub3A_611 : memref<512x32xf32, #tpu.memory_space<vmem>>[vector<16xi32>, vector<16xi32>], vector<16xf32>,
      %add3A_612 = arith.constant 16 : i32
      %add3A_613 = vector.broadcast %add3A_612 : i32 to vector<16xi32>
      %add3A_614 = arith.addi %broadcast_in_dim3A_610, %add3A_613 : vector<16xi32>
      %sub3A_615 = arith.subf %get3A_115, %gather3A_608 : vector<16xf32>
      tpu.vector_store_idx %arg14[%add3A_459, %add3A_614], %sub3A_615 : memref<512x32xf32, #tpu.memory_space<vmem>>[vector<16xi32>, vector<16xi32>], vector<16xf32>,
      %lt3A_616 = arith.constant 1073741824 : i32
      %lt3A_617 = vector.broadcast %lt3A_616 : i32 to vector<16xi32>
      %lt3A_618 = arith.cmpi slt, %while3A_455#12, %lt3A_617 : vector<16xi32>
      %select_n3A_619 = arith.select %lt3A_618, %while3A_455#12, %add3A_112 : vector<16xi1>, vector<16xi32>
      %gather3A_620 = tpu.vector_load_idx %arg8[%select_n3A_619] : memref<4096xf32, #tpu.memory_space<vmem>>[vector<16xi32>], vector<16xf32>,
      %gather3A_621 = tpu.vector_load_idx %arg9[%select_n3A_619] : memref<4096xf32, #tpu.memory_space<vmem>>[vector<16xi32>], vector<16xf32>,
      %broadcast_in_dim3A_622 = arith.constant 12 : i32
      %broadcast_in_dim3A_623 = vector.broadcast %broadcast_in_dim3A_622 : i32 to vector<16xi32>
      %sub3A_624 = arith.subf %get3A_113, %gather3A_620 : vector<16xf32>
      tpu.vector_store_idx %arg14[%add3A_459, %broadcast_in_dim3A_623], %sub3A_624 : memref<512x32xf32, #tpu.memory_space<vmem>>[vector<16xi32>, vector<16xi32>], vector<16xf32>,
      %add3A_625 = arith.constant 16 : i32
      %add3A_626 = vector.broadcast %add3A_625 : i32 to vector<16xi32>
      %add3A_627 = arith.addi %broadcast_in_dim3A_623, %add3A_626 : vector<16xi32>
      %sub3A_628 = arith.subf %get3A_115, %gather3A_621 : vector<16xf32>
      tpu.vector_store_idx %arg14[%add3A_459, %add3A_627], %sub3A_628 : memref<512x32xf32, #tpu.memory_space<vmem>>[vector<16xi32>, vector<16xi32>], vector<16xf32>,
      %lt3A_629 = arith.constant 1073741824 : i32
      %lt3A_630 = vector.broadcast %lt3A_629 : i32 to vector<16xi32>
      %lt3A_631 = arith.cmpi slt, %while3A_455#13, %lt3A_630 : vector<16xi32>
      %select_n3A_632 = arith.select %lt3A_631, %while3A_455#13, %add3A_112 : vector<16xi1>, vector<16xi32>
      %gather3A_633 = tpu.vector_load_idx %arg8[%select_n3A_632] : memref<4096xf32, #tpu.memory_space<vmem>>[vector<16xi32>], vector<16xf32>,
      %gather3A_634 = tpu.vector_load_idx %arg9[%select_n3A_632] : memref<4096xf32, #tpu.memory_space<vmem>>[vector<16xi32>], vector<16xf32>,
      %broadcast_in_dim3A_635 = arith.constant 13 : i32
      %broadcast_in_dim3A_636 = vector.broadcast %broadcast_in_dim3A_635 : i32 to vector<16xi32>
      %sub3A_637 = arith.subf %get3A_113, %gather3A_633 : vector<16xf32>
      tpu.vector_store_idx %arg14[%add3A_459, %broadcast_in_dim3A_636], %sub3A_637 : memref<512x32xf32, #tpu.memory_space<vmem>>[vector<16xi32>, vector<16xi32>], vector<16xf32>,
      %add3A_638 = arith.constant 16 : i32
      %add3A_639 = vector.broadcast %add3A_638 : i32 to vector<16xi32>
      %add3A_640 = arith.addi %broadcast_in_dim3A_636, %add3A_639 : vector<16xi32>
      %sub3A_641 = arith.subf %get3A_115, %gather3A_634 : vector<16xf32>
      tpu.vector_store_idx %arg14[%add3A_459, %add3A_640], %sub3A_641 : memref<512x32xf32, #tpu.memory_space<vmem>>[vector<16xi32>, vector<16xi32>], vector<16xf32>,
      %lt3A_642 = arith.constant 1073741824 : i32
      %lt3A_643 = vector.broadcast %lt3A_642 : i32 to vector<16xi32>
      %lt3A_644 = arith.cmpi slt, %while3A_455#14, %lt3A_643 : vector<16xi32>
      %select_n3A_645 = arith.select %lt3A_644, %while3A_455#14, %add3A_112 : vector<16xi1>, vector<16xi32>
      %gather3A_646 = tpu.vector_load_idx %arg8[%select_n3A_645] : memref<4096xf32, #tpu.memory_space<vmem>>[vector<16xi32>], vector<16xf32>,
      %gather3A_647 = tpu.vector_load_idx %arg9[%select_n3A_645] : memref<4096xf32, #tpu.memory_space<vmem>>[vector<16xi32>], vector<16xf32>,
      %broadcast_in_dim3A_648 = arith.constant 14 : i32
      %broadcast_in_dim3A_649 = vector.broadcast %broadcast_in_dim3A_648 : i32 to vector<16xi32>
      %sub3A_650 = arith.subf %get3A_113, %gather3A_646 : vector<16xf32>
      tpu.vector_store_idx %arg14[%add3A_459, %broadcast_in_dim3A_649], %sub3A_650 : memref<512x32xf32, #tpu.memory_space<vmem>>[vector<16xi32>, vector<16xi32>], vector<16xf32>,
      %add3A_651 = arith.constant 16 : i32
      %add3A_652 = vector.broadcast %add3A_651 : i32 to vector<16xi32>
      %add3A_653 = arith.addi %broadcast_in_dim3A_649, %add3A_652 : vector<16xi32>
      %sub3A_654 = arith.subf %get3A_115, %gather3A_647 : vector<16xf32>
      tpu.vector_store_idx %arg14[%add3A_459, %add3A_653], %sub3A_654 : memref<512x32xf32, #tpu.memory_space<vmem>>[vector<16xi32>, vector<16xi32>], vector<16xf32>,
      %lt3A_655 = arith.constant 1073741824 : i32
      %lt3A_656 = vector.broadcast %lt3A_655 : i32 to vector<16xi32>
      %lt3A_657 = arith.cmpi slt, %while3A_455#15, %lt3A_656 : vector<16xi32>
      %select_n3A_658 = arith.select %lt3A_657, %while3A_455#15, %add3A_112 : vector<16xi1>, vector<16xi32>
      %gather3A_659 = tpu.vector_load_idx %arg8[%select_n3A_658] : memref<4096xf32, #tpu.memory_space<vmem>>[vector<16xi32>], vector<16xf32>,
      %gather3A_660 = tpu.vector_load_idx %arg9[%select_n3A_658] : memref<4096xf32, #tpu.memory_space<vmem>>[vector<16xi32>], vector<16xf32>,
      %broadcast_in_dim3A_661 = arith.constant 15 : i32
      %broadcast_in_dim3A_662 = vector.broadcast %broadcast_in_dim3A_661 : i32 to vector<16xi32>
      %sub3A_663 = arith.subf %get3A_113, %gather3A_659 : vector<16xf32>
      tpu.vector_store_idx %arg14[%add3A_459, %broadcast_in_dim3A_662], %sub3A_663 : memref<512x32xf32, #tpu.memory_space<vmem>>[vector<16xi32>, vector<16xi32>], vector<16xf32>,
      %add3A_664 = arith.constant 16 : i32
      %add3A_665 = vector.broadcast %add3A_664 : i32 to vector<16xi32>
      %add3A_666 = arith.addi %broadcast_in_dim3A_662, %add3A_665 : vector<16xi32>
      %sub3A_667 = arith.subf %get3A_115, %gather3A_660 : vector<16xf32>
      tpu.vector_store_idx %arg14[%add3A_459, %add3A_666], %sub3A_667 : memref<512x32xf32, #tpu.memory_space<vmem>>[vector<16xi32>, vector<16xi32>], vector<16xf32>,
    }
    %scan3A_102 = arith.constant 32 : i32
    "tpu.region"() ({
      %run_scoped3A = tpu.sem_alloc : memref<!tpu.dma_semaphore, #tpu.memory_space<semaphore_mem>>
      %dma_start3A_103 = arith.constant 0 : i32
      %dma_start3A_104 = tpu.memref_slice %arg5[%add3A, %mul3A_32, %dma_start3A_103] : memref<4x4096x32xf32, #tpu.memory_space<hbm>> -> memref<1x512x32xf32, #tpu.memory_space<hbm>>
      %dma_start3A_105 = tpu.memref_squeeze %dma_start3A_104 : memref<1x512x32xf32, #tpu.memory_space<hbm>> -> memref<512x32xf32, #tpu.memory_space<hbm>>
      %dma_start3A_106 = arith.constant 0 : i32
      %dma_start3A_107 = tpu.memref_slice %arg5[%add3A, %mul3A_32, %dma_start3A_106] : memref<4x4096x32xf32, #tpu.memory_space<hbm>> -> memref<1x512x32xf32, #tpu.memory_space<hbm>>
      %dma_start3A_108 = tpu.memref_squeeze %dma_start3A_107 : memref<1x512x32xf32, #tpu.memory_space<hbm>> -> memref<512x32xf32, #tpu.memory_space<hbm>>
      tpu.enqueue_dma source(%arg14 : memref<512x32xf32, #tpu.memory_space<vmem>>) target(%dma_start3A_108 : memref<512x32xf32, #tpu.memory_space<hbm>>) target_semaphore(%run_scoped3A : memref<!tpu.dma_semaphore, #tpu.memory_space<semaphore_mem>>)
      %dma_wait3A_109 = arith.constant 0 : i32
      %dma_wait3A_110 = tpu.memref_slice %arg5[%add3A, %mul3A_32, %dma_wait3A_109] : memref<4x4096x32xf32, #tpu.memory_space<hbm>> -> memref<1x512x32xf32, #tpu.memory_space<hbm>>
      %dma_wait3A_111 = tpu.memref_squeeze %dma_wait3A_110 : memref<1x512x32xf32, #tpu.memory_space<hbm>> -> memref<512x32xf32, #tpu.memory_space<hbm>>
      %dma_wait3A_112 = arith.constant 0 : i32
      %dma_wait3A_113 = tpu.memref_slice %arg5[%add3A, %mul3A_32, %dma_wait3A_112] : memref<4x4096x32xf32, #tpu.memory_space<hbm>> -> memref<1x512x32xf32, #tpu.memory_space<hbm>>
      %dma_wait3A_114 = tpu.memref_squeeze %dma_wait3A_113 : memref<1x512x32xf32, #tpu.memory_space<hbm>> -> memref<512x32xf32, #tpu.memory_space<hbm>>
      tpu.wait_dma2 semaphore(%run_scoped3A : memref<!tpu.dma_semaphore, #tpu.memory_space<semaphore_mem>>) src(%arg14 : memref<512x32xf32, #tpu.memory_space<vmem>>) dst(%dma_wait3A_114 : memref<512x32xf32, #tpu.memory_space<hbm>>)
      tpu.yield
    }) : () -> ()
    return
  }
}

module attributes {stable_mosaic.version = 14 : i64} {
  func.func @_mlp_kernel(%arg0: i32, %arg1: memref<4096x32xf32, #tpu.memory_space<vmem>>, %arg2: memref<32x128xf32, #tpu.memory_space<vmem>>, %arg3: memref<1x128xf32, #tpu.memory_space<vmem>>, %arg4: memref<128x64xf32, #tpu.memory_space<vmem>>, %arg5: memref<1x64xf32, #tpu.memory_space<vmem>>, %arg6: memref<4096x64xf32, #tpu.memory_space<vmem>>) attributes {dimension_semantics = [#tpu.dimension_semantics<arbitrary>], iteration_bounds = array<i64: 4>, scalar_prefetch = 0 : i64, scratch_operands = 0 : i64, tpu.core_type = #tpu.core_type<tc>, window_params = [{transform_indices = @transform_0, window_bounds = array<i64: 4096, 32>}, {pipeline_mode = #tpu.pipeline_mode<synchronous>, transform_indices = @transform_1, window_bounds = array<i64: 32, 128>}, {pipeline_mode = #tpu.pipeline_mode<synchronous>, transform_indices = @transform_2, window_bounds = array<i64: 1, 128>}, {pipeline_mode = #tpu.pipeline_mode<synchronous>, transform_indices = @transform_3, window_bounds = array<i64: 128, 64>}, {pipeline_mode = #tpu.pipeline_mode<synchronous>, transform_indices = @transform_4, window_bounds = array<i64: 1, 64>}, {transform_indices = @transform_5, window_bounds = array<i64: 4096, 64>}]} {
    %get3A = arith.constant 0 : index
    %get3A_0 = arith.constant 0 : index
    %get3A_1 = vector.load %arg1[%get3A, %get3A_0] : memref<4096x32xf32, #tpu.memory_space<vmem>>, vector<4096x32xf32>
    %get3A_2 = arith.constant 0 : index
    %get3A_3 = arith.constant 0 : index
    %get3A_4 = vector.load %arg2[%get3A_2, %get3A_3] : memref<32x128xf32, #tpu.memory_space<vmem>>, vector<32x128xf32>
    %dot_general3A = arith.constant dense<0.000000e+00> : vector<4096x128xf32>
    %dot_general3A_5 = tpu.matmul %get3A_1, %get3A_4, %dot_general3A {dimension_numbers = #tpu.dot_dimension_numbers<[1], [0], [0], [1], [0, 0, 1, 1], [], []>, transpose_lhs_hint = false} : vector<4096x32xf32>, vector<32x128xf32>, vector<4096x128xf32> -> vector<4096x128xf32>
    %get3A_6 = arith.constant 0 : index
    %get3A_7 = arith.constant 0 : index
    %get3A_8 = vector.load %arg3[%get3A_6, %get3A_7] : memref<1x128xf32, #tpu.memory_space<vmem>>, vector<1x128xf32>
    %add3A = vector.broadcast %get3A_8 : vector<1x128xf32> to vector<4096x128xf32>
    %add3A_9 = arith.addf %dot_general3A_5, %add3A : vector<4096x128xf32>
    %max3A = arith.constant 0.000000e+00 : f32
    %max3A_10 = vector.broadcast %max3A : f32 to vector<4096x128xf32>
    %max3A_11 = arith.maximumf %add3A_9, %max3A_10 : vector<4096x128xf32>
    %get3A_12 = arith.constant 0 : index
    %get3A_13 = arith.constant 0 : index
    %get3A_14 = vector.load %arg4[%get3A_12, %get3A_13] : memref<128x64xf32, #tpu.memory_space<vmem>>, vector<128x64xf32>
    %dot_general3A_15 = arith.constant dense<0.000000e+00> : vector<4096x64xf32>
    %dot_general3A_16 = tpu.matmul %max3A_11, %get3A_14, %dot_general3A_15 {dimension_numbers = #tpu.dot_dimension_numbers<[1], [0], [0], [1], [0, 0, 1, 1], [], []>, transpose_lhs_hint = false} : vector<4096x128xf32>, vector<128x64xf32>, vector<4096x64xf32> -> vector<4096x64xf32>
    %get3A_17 = arith.constant 0 : index
    %get3A_18 = arith.constant 0 : index
    %get3A_19 = vector.load %arg5[%get3A_17, %get3A_18] : memref<1x64xf32, #tpu.memory_space<vmem>>, vector<1x64xf32>
    %add3A_20 = vector.broadcast %get3A_19 : vector<1x64xf32> to vector<4096x64xf32>
    %add3A_21 = arith.addf %dot_general3A_16, %add3A_20 : vector<4096x64xf32>
    %swap3A = arith.constant 0 : index
    %swap3A_22 = arith.constant 0 : index
    %swap3A_23 = vector.load %arg6[%swap3A, %swap3A_22] : memref<4096x64xf32, #tpu.memory_space<vmem>>, vector<4096x64xf32>
    tpu.vector_store %arg6[%swap3A, %swap3A_22], %add3A_21 {strides = array<i32>} : memref<4096x64xf32, #tpu.memory_space<vmem>>, vector<4096x64xf32>,
    return
  }
  func.func @transform_0(%arg0: i32) -> (i32, i32) {
    %c0_i32 = arith.constant 0 : i32
    %c0_i32_0 = arith.constant 0 : i32
    return %arg0, %c0_i32 : i32, i32
  }
  func.func @transform_1(%arg0: i32) -> (i32, i32) {
    %c0_i32 = arith.constant 0 : i32
    %c0_i32_0 = arith.constant 0 : i32
    %c0_i32_1 = arith.constant 0 : i32
    return %c0_i32, %c0_i32_0 : i32, i32
  }
  func.func @transform_2(%arg0: i32) -> (i32, i32) {
    %c0_i32 = arith.constant 0 : i32
    %c0_i32_0 = arith.constant 0 : i32
    %c0_i32_1 = arith.constant 0 : i32
    return %c0_i32, %c0_i32_0 : i32, i32
  }
  func.func @transform_3(%arg0: i32) -> (i32, i32) {
    %c0_i32 = arith.constant 0 : i32
    %c0_i32_0 = arith.constant 0 : i32
    %c0_i32_1 = arith.constant 0 : i32
    return %c0_i32, %c0_i32_0 : i32, i32
  }
  func.func @transform_4(%arg0: i32) -> (i32, i32) {
    %c0_i32 = arith.constant 0 : i32
    %c0_i32_0 = arith.constant 0 : i32
    %c0_i32_1 = arith.constant 0 : i32
    return %c0_i32, %c0_i32_0 : i32, i32
  }
  func.func @transform_5(%arg0: i32) -> (i32, i32) {
    %c0_i32 = arith.constant 0 : i32
    %c0_i32_0 = arith.constant 0 : i32
    return %arg0, %c0_i32 : i32, i32
  }
}

</mosaic_0001>

<sc_bundles>
// kernel: kernel.4.cloned.1.call-start
scs
__scs_entry_jumppad:
0x0: {  	(pc) =	sbr.rel $0x88, $3  }
0x1: {  	(tag) =	ssettag $0x0;
	lr =	simm.s32 $0x1  }
0x2: {  	[smem:$0x3F9C] =	sst lr;
	_ =	strace $0xD0000000  }
0x3: {  	_ = 	snop  }
0x4: {  	_ = 	snop  }
0x5: {  	_ = 	snop  }
0x6: {  	_ = 	snop  }
0x7: {  	_ = 	snop  }
__scs_overlays_trampoline_lowered:
0x8: {  	[smem:$0x3FAB] =	sst s0  }
0x9: {  	[smem:$0x3FAC] =	sst s1  }
0xa: {  	[smem:$0x3FAD] =	sst s2  }
0xb: {  	[smem:$0x3FAE] =	sst s3  }
0xc: {  	[smem:$0x3FAF] =	sst s4  }
0xd: {  	[smem:$0x3FB0] =	sst s5  }
0xe: {  	[smem:$0x3FB1] =	sst s6  }
0xf: {  	[smem:$0x3FB2] =	sst s7  }
0x10: {  	[smem:$0x3FB3] =	sst s8  }
0x11: {  	[smem:$0x3FB4] =	sst s9;
	s0 =	simm.s32 @!p0 $0x0  }
0x12: {  	s1 =	sld [smem:$0x3F9A];
	s0 =	simm.s32 @p0 $0x1  }
0x13: {  	[smem:$0x3FB5] =	sst s0;
	s0 =	simm.s32 @!p1 $0x0  }
0x14: {  	s2 =	sld [smem:$0x3F99];
	s0 =	simm.s32 @p1 $0x1  }
0x15: {  	[smem:$0x3FB6] =	sst s0;
	s0 =	simm.s32 @!p2 $0x0  }
0x16: {  	s3 =	sld [smem:$0x3FDB];
	s0 =	simm.s32 @p2 $0x1  }
0x17: {  	s4 =	simm.s32 $0x1BF5;
	[smem:$0x3FB8] =	sst s0  }
0x18: {  	s0 =	sld [smem:$0x3F9B];
	_ =	swait.ge [sflag:s4], $0x0  }
0x19: {  	s7 =	sld [smem:$0x3F9C]  }
0x1a: {  	s8 =	sadd.s32 $0xFFFFE003, lr  }
0x1b: {  	s9 =	sadd.s32 $0xFFFFFEF7, lr;
	s5 =	simm.s32 $0xFFFFFFFF;
	p2 =	slt.u32 s8, $0xFFFFF086  }
0x1c: {  	p1 =	slt.u32 s9, $0xF7A;
	s5 =	simm.s32 @!p2 $0x0  }
0x1d: {  	s5 =	simm.s32 @p1 $0x1;
	p0 =	seq.s32 s7, s2  }
0x1e: {  	s7 =	smul.u32 @!p0 $0xF7A, s2;
	p2 =	seq.s32 @!p0 s5, $0x0  }
0x1f: {  	s9 =	smul.u32 $0xF7A, s1;
	s8 =	simm.s32 @!p0 $0x1BF5;
	p2 =	por !p2, p0  }
0x20: {  	[sflag:s8] =	ssyncset.s32 @!p0 $0xFFFFF086;
	s6 =	sadd.s32 @!p0 s3, s7;
	s7 =	simm.s32 @!p0 $0x108  }
0x21: {  	s3 =	sadd.s32 s3, s9;
	s6 =	sadd.s32 @!p0 $0x88, s6;
	s7 =	simm.s32 @p2 $0x1082  }
0x22: {  	[simem:s7], [sflag:s8] =	dma.local @!p0 [hbm:s6], $0xF7A  }
0x23: {  	s9 =	sor.u32 $0xD0000000, s2;
	s6 =	simm.s32 $0x108;
	_ =	swait.ge @!p0 [sflag:s8], $0x0  }
0x24: {  	s3 =	sadd.s32 $0x88, s3;
	s6 =	simm.s32 @!p1 $0x1082;
	[sflag:s4] =	ssyncset.s32 $0xFFFFF086  }
0x25: {  	[simem:s6], [sflag:s4] =	dma.local [hbm:s3], $0xF7A  }
0x26: {  	[smem:$0x3F9C] =	sst s1;
	(tag) =	ssettag s2;
	_ =	strace s9  }
0x27: {  	s1 =	sld [smem:$0x3FAC]  }
0x28: {  	s2 =	sld [smem:$0x3FAD]  }
0x29: {  	s4 =	sld [smem:$0x3FAF]  }
0x2a: {  	p0 =	seq.s32 s5, $0x0;
	s5 =	sld [smem:$0x3FB0]  }
0x2b: {  	s6 =	sld [smem:$0x3FB1]  }
0x2c: {  	s7 =	sld [smem:$0x3FB2]  }
0x2d: {  	s3 =	simm.s32 $0x108;
	s8 =	sld [smem:$0x3FB3]  }
0x2e: {  	s3 =	simm.s32 @!p0 $0x1082;
	s9 =	sld [smem:$0x3FB4]  }
0x2f: {  	lr =	sadd.s32 s0, s3;
	s0 =	sld [smem:$0x3FAB]  }
0x30: {  	s3 =	sld [smem:$0x3FAE]  }
0x31: {  	[smem:$0x3FB7] =	sst s10  }
0x32: {  	s10 =	sld [smem:$0x3FB5];
	_ =	sdelay $0x3  }
0x33: {  	p0 =	seq.s32 s10, $0x1;
	s10 =	sld [smem:$0x3FB7];
	_ =	sdelay $0x3  }
0x34: {  	[smem:$0x3FB7] =	sst s10  }
0x35: {  	s10 =	sld [smem:$0x3FB6];
	_ =	sdelay $0x3  }
0x36: {  	p1 =	seq.s32 s10, $0x1;
	s10 =	sld [smem:$0x3FB7];
	_ =	sdelay $0x3  }
0x37: {  	[smem:$0x3FB7] =	sst s10  }
0x38: {  	s10 =	sld [smem:$0x3FB8]  }
0x39: {  	_ = 	snop;
	(pc) =	sbr.ind lr, $3  }
0x3a: {  	_ = 	snop  }
0x3b: {  	_ = 	snop  }
0x3c: {  	p2 =	seq.s32 s10, $0x1;
	s10 =	sld [smem:$0x3FB7]  }
0x3d: {  	_ =	shalt  }
0x3e: {  	_ =	shalt  }
0x3f: {  	_ =	shalt  }
0x40: {  	_ =	shalt  }
0x41: {  	_ =	shalt  }
0x42: {  	_ =	shalt  }
0x43: {  	_ =	shalt  }
0x44: {  	_ =	shalt  }
0x45: {  	_ =	shalt  }
0x46: {  	_ =	shalt  }
0x47: {  	_ =	shalt  }
0x48: {  	_ =	shalt  }
0x49: {  	_ =	shalt  }
0x4a: {  	_ =	shalt  }
0x4b: {  	_ =	shalt  }
0x4c: {  	_ =	shalt  }
0x4d: {  	_ =	shalt  }
0x4e: {  	_ =	shalt  }
0x4f: {  	_ =	shalt  }
0x50: {  	_ =	shalt  }
0x51: {  	_ =	shalt  }
0x52: {  	_ =	shalt  }
0x53: {  	_ =	shalt  }
0x54: {  	_ =	shalt  }
0x55: {  	_ =	shalt  }
0x56: {  	_ =	shalt  }
0x57: {  	_ =	shalt  }
0x58: {  	_ =	shalt  }
0x59: {  	_ =	shalt  }
0x5a: {  	_ =	shalt  }
0x5b: {  	_ =	shalt  }
0x5c: {  	_ =	shalt  }
0x5d: {  	_ =	shalt  }
0x5e: {  	_ =	shalt  }
0x5f: {  	_ =	shalt  }
0x60: {  	_ =	shalt  }
0x61: {  	_ =	shalt  }
0x62: {  	_ =	shalt  }
0x63: {  	_ =	shalt  }
0x64: {  	_ =	shalt  }
0x65: {  	_ =	shalt  }
0x66: {  	_ =	shalt  }
0x67: {  	_ =	shalt  }
0x68: {  	_ =	shalt  }
0x69: {  	_ =	shalt  }
0x6a: {  	_ =	shalt  }
0x6b: {  	_ =	shalt  }
0x6c: {  	_ =	shalt  }
0x6d: {  	_ =	shalt  }
0x6e: {  	_ =	shalt  }
0x6f: {  	_ =	shalt  }
0x70: {  	_ =	shalt  }
0x71: {  	_ =	shalt  }
0x72: {  	_ =	shalt  }
0x73: {  	_ =	shalt  }
0x74: {  	_ =	shalt  }
0x75: {  	_ =	shalt  }
0x76: {  	_ =	shalt  }
0x77: {  	_ =	shalt  }
0x78: {  	_ =	shalt  }
0x79: {  	_ =	shalt  }
0x7a: {  	_ =	shalt  }
0x7b: {  	_ =	shalt  }
0x7c: {  	_ =	shalt  }
0x7d: {  	_ =	shalt  }
0x7e: {  	_ =	shalt  }
0x7f: {  	_ =	shalt  }
0x80: {  	_ =	shalt  }
0x81: {  	_ =	shalt  }
0x82: {  	_ =	shalt  }
0x83: {  	_ =	shalt  }
0x84: {  	_ =	shalt  }
0x85: {  	_ =	shalt  }
0x86: {  	_ =	shalt  }
0x87: {  	_ =	shalt  }
.Lfunc_end0:
.L_simem_size_0:
called_computation_lowered:
.L_overlay_start_0:
0x88: {  	s2 =	sld [smem:$0x3FD9]  }
0x89: {  	s3 =	sld [smem:$0x3FFE];
	_ =	sdelay $0x1  }
0x8a: {  	s1 =	srdreg.scid  }
0x8b: {  	s0 =	sand.u32 $0x1, s1  }
0x8c: {  	s17 =	sshll.u32 s0, $0xA;
	s2 =	sadd.s32 s3, s2  }
0x8d: {  	s2 =	sadd.s32 s2, s17  }
0x8e: {  	[smem:$0x3FC3] =	sst s2  }
0x8f: {  	_ = 	snop  }
0x90: {  	s2 =	sld [smem:$0x3FD0];
	(tm) =	ssettm $0x1  }
0x91: {  	s18 =	sld [smem:$0x3FFB];
	_ =	sdelay $0x3  }
0x92: {  	_ =	strace s18  }
0x93: {  	s3 =	sld [smem:$0x3FFC];
	_ =	sdelay $0x3  }
0x94: {  	_ =	strace s3  }
0x95: {  	s3 =	sld [smem:$0x3FFD];
	_ =	sdelay $0x3  }
0x96: {  	_ =	strace s3  }
0x97: {  	_ =	strace $0x8FFFFFFF  }
0x98: {  	s19 =	sld [smem:$0x3FDB];
	_ =	sdelay $0x1  }
0x99: {  	s4 =	simm.s32 $_scs_section_size  }
0x9a: {  	s5 =	simm.s32 $_size__tile_overlayer_lowered;
	s6 =	simm.s32 $_tile_overlayer_lowered  }
0x9b: {  	s22 =	simm.s32 $0x1BFF;
	s21 =	sshll.u32 s6, $0x1;
	s3 =	sadd.s32 s4, s19  }
0x9c: {  	s7 =	simm.s32 $0x0;
	s20 =	sshll.u32 s5, $0x1;
	s5 =	sadd.s32 s21, s3  }
0x9d: {  	[timem:s7], [sflag:s22] =	dma.local [hbm:s5], s20  }
0x9e: {  	_ =	swait.ge [sflag:s22], s20  }
0x9f: {  	s4 =	ssub.s32 $0x0, s20;
	[sflag:s22] =	ssyncset.done $0x0  }
0xa0: {  	[sflag:s22] =	ssyncadd.s32 s4;
	_ =	sdelay $0x1  }
0xa1: {  	s23 =	simm.s32 $0x1B8B  }
0xa2: {  	_ =	swait.ge [sflag:s23], $0x1  }
0xa3: {  	[sflag:s23] =	ssyncset.done $0x0  }
0xa4: {  	s25 =	simm.s32 $0x1B8E;
	s24 =	sld [smem:$0x3FFE];
	[sflag:s23] =	ssyncadd.s32 $0xFFFFFFFF  }
0xa5: {  	s26 =	simm.s32 $execute0_lowered;
	[smem:$0x3FD2] =	sst s25  }
0xa6: {  	s5 =	sshll.u32 s26, $0x1;
	_ =	strace $0x80000046;
	[dreg:$0x1] =	wrdreg $0xFFFFFFFF  }
0xa7: {  	s28 =	simm.s32 $_size_execute0_lowered;
	s3 =	sadd.s32 s3, s5;
	[dreg:$0x0] =	wrdreg $0x0  }
0xa8: {  	s5 =	sshll.u32 s28, $0x1;
	[dreg:$0x2] =	wrdreg s3  }
0xa9: {  	[dreg:$0x3] =	wrdreg s5  }
0xaa: {  	[dreg:$0x4] =	wrdreg $0xC0  }
0xab: {  	_ =	task [dreg:s7], $0x5FFFF  }
0xac: {  	[dreg:$0x1] =	wrdreg $0xFFFFFFFF  }
0xad: {  	[dreg:$0x0] =	wrdreg $0x60  }
0xae: {  	[dreg:$0x2] =	wrdreg s24  }
0xaf: {  	[dreg:$0x3] =	wrdreg s2  }
0xb0: {  	[dreg:$0x4] =	wrdreg $0x9  }
0xb1: {  	_ =	task.clear_ibuf [dreg:s7], $0x5FFFF;
	_ =	strace $0x90000046  }
0xb2: {  	s29 =	simm.s32 $0x9;
	_ =	strace $0x80000048  }
0xb3: {  	_ =	swait.ge [sflag:s29], $0x1  }
0xb4: {  	[sflag:s29] =	ssyncadd.s32 $0xFFFFFFFF  }
0xb5: {  	_ =	strace $0x90000048  }
0xb6: {  	_ =	sfence  }
0xb7: {  	s30 =	sld [smem:$0x0];
	_ =	sdelay $0x2  }
0xb8: {  	s31 =	sshll.u32 s1, $0xD;
	s1 =	sshrl.u32 s1, $0x2  }
0xb9: {  	s3 =	sand.u32 $0x4000, s31;
	s1 =	sadd.s32 s1, s30  }
0xba: {  	s0 =	sor.u32 s3, s0;
	s1 =	sshll.u32 s1, $0x11  }
0xbb: {  	s0 =	sor.u32 s1, s0  }
0xbc: {  	s0 =	sadd.s32 $0x8F2B, s0  }
0xbd: {  	[sflag:s0] =	ssyncadd.remote.s32 $0x1  }
0xbe: {  	_ =	sfence.sel $0xFFFF  }
0xbf: {  	[dreg:$0x0] =	wrdreg $0xFFFFFFFF;
	(pc) =	sbr.abs _section_cstart, $3  }
0xc0: {  	[dreg:$0x1] =	wrdreg $0xFFFFFFFF  }
0xc1: {  	_ =	task.clear_ibuf [dreg:s7], $0x2FFFF;
	_ =	strace $0x9FFFFFFF  }
0xc2: {  	(tm) =	ssettm $0x7FFFFFFF  }
0xc3: {  	_ =	shalt  }
tec
execute0_lowered:
.L_overlay_start_1:
0x0: {  	(tag) =	ssettag $0x1  }
0x1: {  	s4 =	rddreg [dreg:$0x0]  }
0x2: {  	s1 =	rddreg [dreg:$0x1]  }
0x3: {  	s0 =	rddreg [dreg:$0x2]  }
0x4: {  	s3 =	simm.s32 $0x0;
	s5 =	srdreg.scid;
	s2 =	stileid.u32  }
0x5: {  	s13 =	simm.s32 $0x1000;
	s14 =	simm.s32 $0x1;
	s15 =	simm.s32 $0x2  }
0x6: {  	s16 =	simm.s32 $0x3000;
	s17 =	simm.s32 $0x3;
	s18 =	simm.s32 $0xC080  }
0x7: {  	s19 =	simm.s32 $0xB000;
	s20 =	simm.s32 $0xD080;
	s21 =	simm.s32 $0x0  }
0x8: {  	[smem:$0x7FF] =	sst s3;
	s5 =	sand.u32 $0x1, s5;
	s6 =	sshrl.u32 s2, $0x3  }
0x9: {  	s11 =	sand.u32 $0x7, s2;
	_ =	strace $0x80000047;
	s7 =	sshll.u32 s5, $0x1  }
0xa: {  	s5 =	ssub.s32 $0x2, s5;
	s30 =	sshll.u32 s11, $0xD;
	p0 =	sne.s32 s11, $0x0  }
0xb: {  	s6 =	sor.u32 s6, s7;
	s9 =	sshrl.u32 s5, $0x1;
	s10 =	sadd.s32 s30, s4  }
.Ltmp0:
0xc: {  	s8 =	sshll.u32 s6, $0x4;
	s12 =	ssub.s32 s5, s9;
	(pc) =	sbr.rel .LBB2_1-.Ltmp0, $4  }
0xd: {  	s31 =	sshll.u32 s6, $0x10;
	s8 =	sadd.s32 s8, s4;
	s4 =	sshll.u32 s11, $0x9  }
0xe: {  	v0 =	vlaneseq.u32;
	s9 =	sadd.s32 s31, s10;
	s10 =	smax.u32 s12, $0x1;
	s11 =	simm.s32 $0x80  }
0xf: {  	v2 =	vimm.s32 $0x1;
	vm0 =	vcmask $0x3F20;
	v1 =	vand.u32 $0x7, v0;
	s12 =	simm.s32 $0x200;
	s5 =	sadd.s32 $0x1A00, s8;
	s6 =	sadd.s32 $0x1200, s8  }
0x10: {  	v3 =	vimm.s32 $0x1000;
	v1 =	vmul.u32 $0x1000, v1;
	s7 =	sadd.s32 $0x2200, s8;
	s8 =	sadd.s32 $0x2C00, s8;
	s9 =	sadd.s32 $0x3400, s9;
	v4 =	vmov s4  }
.LBB2_26:
0x11: {  	s21 =	sadd.s32 $0x1, s21  }
0x12: {  	p1 =	sne.s32 s21, s10  }
.Ltmp1:
0x13: {  	_ = 	snop;
	(pc) =	sbr.rel @!p1 .LBB2_27-.Ltmp1, $4  }
0x14: {  	[hbm4b:s9+s3] =	stream.linear.scatter [tilespmem:s20], [sflag:$0x3], $0x10000, $0x38;
	[tilespmem:$0x1D080] =	vst v63  }
0x15: {  	_ =	swait.ge [sflag:s17], $0x10000  }
0x16: {  	[sflag:s17] =	ssyncset.done $0x0  }
0x17: {  	[sflag:s17] =	ssyncadd.s32 $0xFFFF0000  }
.LBB2_1:
0x18: {  	[tilespmem:s3], [sflag:$0x1] =	stream.strided.gather [hbm4b:s5+s11], $0x1000, s12, s11, $0x38;
	[tilespmem:$0x1D080] =	vst v63  }
0x19: {  	_ = 	snop  }
0x1a: {  	[tilespmem:s13], [sflag:$0x2] =	stream.strided.gather [hbm4b:s6+s11], $0x1000, s12, s11, $0x38;
	[tilespmem:$0x1D080] =	vst v63  }
0x1b: {  	_ =	swait.ge [sflag:s14], $0x1000  }
.Ltmp2:
0x1c: {  	[sflag:s14] =	ssyncset.done $0x0;
	(pc) =	sbr.rel @p0 .LBB2_11-.Ltmp2, $4  }
0x1d: {  	[sflag:s14] =	ssyncadd.s32 $0xFFFFF000  }
0x1e: {  	_ =	swait.ge [sflag:s15], $0x1000  }
0x1f: {  	[sflag:s15] =	ssyncset.done $0x0  }
0x20: {  	[sflag:s15] =	ssyncadd.s32 $0xFFFFF000  }
0x21: {  	s22 =	simm.s32 $0x0  }
0x22: {  	v5 =	vld [tilespmem:s22+$0x1000];
	_ =	sdelay $0x1  }
0x23: {  	v6 =	vld [tilespmem:s22+$0x0];
	_ =	sdelay $0x2  }
0x24: {  	v5 =	vmul.f32 $6.400000000e+01, v5;
	_ =	sdelay $0x1  }
0x25: {  	s23 =	simm.s32 $0x10;
	v7 =	vmul.f32 $6.400000000e+01, v6;
	v5 =	vtrunc.f32 v5  }
0x26: {  	v6 =	vcvt.f32.s32 v5;
	v5 =	vld [tilespmem:s23+$0x1000]  }
0x27: {  	v8 =	vtrunc.f32 v7;
	v7 =	vld [tilespmem:s23+$0x0];
	_ =	sdelay $0x1  }
0x28: {  	v8 =	vcvt.f32.s32 v8  }
0x29: {  	s24 =	simm.s32 $0x80;
	vm1 =	vlt.s32 v6, $0x3F  }
.LBB2_3:
0x2a: {  	s25 =	sshra.s32 s24, $0x2;
	p1 =	sne.s32 s24, $0x3FC0;
	s24 =	sadd.s32 $0x40, s24;
	v9 =	vmul.f32 $6.400000000e+01, v5;
	vm2 =	vlt.s32 v8, $0x3F;
	v6 =	vnsel vm1, $0x3F, v6  }
.Ltmp3:
0x2b: {  	v5 =	vld [tilespmem:s25+$0x1000];
	v10 =	vmul.f32 $6.400000000e+01, v7;
	v8 =	vnsel vm2, $0x3F, v8;
	v6 =	vshll.u32 v6, $0x6;
	(pc) =	sbr.rel @p1 .LBB2_3-.Ltmp3, $4  }
0x2c: {  	v7 =	vld [tilespmem:s25+$0x0];
	v9 =	vtrunc.f32 v9;
	v8 =	vadd.s32 v8, v6  }
0x2d: {  	v10 =	vtrunc.f32 v10;
	v6 =	vcvt.f32.s32 v9;
	[tilespmem:s22+$0x2000] =	vst v8;
	s22 =	smov.u32 s23;
	s23 =	smov.u32 s25  }
0x2e: {  	v8 =	vcvt.f32.s32 v10  }
0x2f: {  	vm1 =	vlt.s32 v6, $0x3F  }
0x30: {  	v5 =	vmul.f32 $6.400000000e+01, v5  }
0x31: {  	v7 =	vmul.f32 $6.400000000e+01, v7  }
0x32: {  	v5 =	vtrunc.f32 v5  }
0x33: {  	v7 =	vtrunc.f32 v7;
	v5 =	vcvt.f32.s32 v5  }
0x34: {  	vm2 =	vlt.s32 v8, $0x3F;
	v7 =	vcvt.f32.s32 v7  }
0x35: {  	v6 =	vnsel vm1, $0x3F, v6;
	v8 =	vnsel vm2, $0x3F, v8;
	vm1 =	vlt.s32 v5, $0x3F  }
0x36: {  	v6 =	vshll.u32 v6, $0x6;
	vm2 =	vlt.s32 v7, $0x3F;
	v5 =	vnsel vm1, $0x3F, v5  }
0x37: {  	v6 =	vadd.s32 v8, v6;
	v7 =	vnsel vm2, $0x3F, v7;
	v5 =	vshll.u32 v5, $0x6  }
0x38: {  	[tilespmem:s22+$0x2000] =	vst v6;
	v5 =	vadd.s32 v7, v5  }
0x39: {  	s22 =	simm.s32 $0x0;
	[tilespmem:s23+$0x2000] =	vst v5  }
0x3a: {  	[tilespmem:s16], [sflag:$0x3] =	stream.linear.gather [hbm4b:s1+s22], $0x8000, $0x38;
	[tilespmem:$0x1D080] =	vst v63  }
0x3b: {  	_ =	swait.ge [sflag:s17], $0x8000  }
0x3c: {  	[sflag:s17] =	ssyncset.done $0x0  }
0x3d: {  	s24 =	simm.s32 $0x0;
	[sflag:s17] =	ssyncadd.s32 $0xFFFF8000  }
.LBB2_5:
0x3e: {  	s23 =	sshra.s32 s24, $0x2  }
0x3f: {  	v5 =	vld [tilespmem:s23+$0x2000];
	_ =	sdelay $0x4  }
0x40: {  	v5 =	vadd.s32 v1, v5  }
0x41: {  	p1 =	sne.s32 s24, $0x3FC0  }
.Ltmp4:
0x42: {  	_ = 	snop;
	(pc) =	sbr.rel @p1 .LBB2_5-.Ltmp4, $4  }
0x43: {  	_ = 	snop  }
0x44: {  	s23 =	simm.s32 $0x3000  }
0x45: {  	[tilespmem:v5+s23+$0x0] =	vst.idx.add.s32.msk $0xff, v2  }
0x46: {  	s24 =	sadd.s32 $0x40, s24;
	[tilespmem:v5+s23+$0x0] =	vst.idx.add.s32.msk vm0, v2  }
0x47: {  	s26 =	sand.u32 $0xFF0, s22;
	v6 =	vld [tilespmem:s23+$0x0]  }
0x48: {  	v5 =	vld [tilespmem:s26+$0x4000]  }
0x49: {  	v7 =	vld [tilespmem:s26+$0x5000]  }
0x4a: {  	v8 =	vld [tilespmem:s26+$0x6000]  }
0x4b: {  	v9 =	vld [tilespmem:s26+$0x7000]  }
0x4c: {  	v10 =	vld [tilespmem:s26+$0x8000]  }
0x4d: {  	v11 =	vld [tilespmem:s26+$0x9000];
	v12 =	vadd.s32 v6, v5  }
0x4e: {  	v13 =	vld [tilespmem:s26+$0xA000];
	v12 =	vadd.s32 v7, v12  }
0x4f: {  	v12 =	vadd.s32 v8, v12  }
0x50: {  	v12 =	vadd.s32 v9, v12  }
0x51: {  	v12 =	vadd.s32 v10, v12  }
0x52: {  	v12 =	vadd.s32 v11, v12  }
0x53: {  	v12 =	vadd.s32 v13, v12  }
0x54: {  	(xrf0) =	vadd.scan.msk.s32 $0xffff, v12;
	_ =	sdelay $0x5  }
0x55: {  	v13, _, _ =	vpop (xrf0)  }
0x56: {  	v12 =	vsub.s32 v13, v12  }
0x57: {  	s24 =	simm.s32 $0xB000;
	v12 =	vadd.s32 s22, v12  }
0x58: {  	[tilespmem:s24+$0x0] =	vst v12;
	v6 =	vadd.s32 v6, v12  }
0x59: {  	[tilespmem:s23+$0x0] =	vst v12;
	v12 =	vadd.s32 v5, v6  }
0x5a: {  	[tilespmem:s26+$0x4000] =	vst v6;
	v5 =	vadd.s32 v7, v12  }
0x5b: {  	s31 =	simm.s32 $0x10;
	[tilespmem:s26+$0x6000] =	vst v5;
	v5 =	vadd.s32 v8, v5  }
0x5c: {  	s23 =	sand.u32 $0xFF0, s31;
	[tilespmem:s26+$0x7000] =	vst v5;
	v7 =	vadd.s32 v9, v5  }
0x5d: {  	v5 =	vld [tilespmem:s23+$0x7000];
	[tilespmem:s26+$0x8000] =	vst v7;
	v7 =	vadd.s32 v10, v7  }
0x5e: {  	v6 =	vld [tilespmem:s23+$0x6000];
	[tilespmem:s26+$0x5000] =	vst v12;
	v9 =	vadd.s32 v11, v7  }
0x5f: {  	v8 =	vld [tilespmem:s23+$0x5000];
	[tilespmem:s26+$0xA000] =	vst v9  }
0x60: {  	v10 =	vld [tilespmem:s23+$0x4000];
	[tilespmem:s26+$0x9000] =	vst v7;
	v7 =	vxor.u32 $0x80000000, v13  }
0x61: {  	(xrf0) =	vmax.scan.msk.u32 $0xffff, v7;
	_ =	sdelay $0x5  }
0x62: {  	v13, _, _ =	vpop (xrf0)  }
0x63: {  	s25 =	simm.s32 $0x3010;
	(v2sf) =	vpush v13, $0xF  }
0x64: {  	v11 =	vld [tilespmem:s25+$0x0];
	_ =	sdelay $0x4  }
0x65: {  	v9 =	vld [tilespmem:s23+$0x8000];
	v7 =	vadd.s32 v11, v10  }
0x66: {  	v7 =	vadd.s32 v8, v7  }
0x67: {  	v12 =	vadd.s32 v6, v7;
	v7 =	vld [tilespmem:s23+$0x9000]  }
0x68: {  	v14 =	vadd.s32 v5, v12;
	v12 =	vld [tilespmem:s23+$0xA000];
	_ =	sdelay $0x1  }
0x69: {  	s26 =	simm.s32 $0x20;
	v13 =	vadd.s32 v9, v14  }
.LBB2_7:
0x6a: {  	p1 =	sne.s32 s26, $0xFF0  }
0x6b: {  	v13 =	vadd.s32 v7, v13;
	s24 =	sadd.s32 $0x10, s24;
	s28 =	smov.u32 s26;
	s26 =	sadd.s32 $0x10, s26  }
0x6c: {  	v12 =	vadd.s32 v12, v13  }
0x6d: {  	(xrf0) =	vadd.scan.msk.s32 $0xffff, v12;
	s29 =	spop (v2sf)  }
0x6e: {  	s22 =	sadd.s32 s29, s22  }
0x6f: {  	s22 =	sadd.s32 $0x80000000, s22;
	_ =	sdelay $0x3  }
0x70: {  	v13, _, _ =	vpop (xrf0)  }
0x71: {  	v12 =	vsub.s32 v13, v12;
	v13 =	vxor.u32 $0x80000000, v13  }
0x72: {  	v12 =	vadd.s32 s22, v12;
	(xrf0) =	vmax.scan.msk.u32 $0xffff, v13  }
0x73: {  	[tilespmem:s24+$0x0] =	vst v12;
	v11 =	vadd.s32 v11, v12  }
0x74: {  	[tilespmem:s25+$0x0] =	vst v12;
	v10 =	vadd.s32 v10, v11  }
0x75: {  	[tilespmem:s23+$0x4000] =	vst v11;
	v8 =	vadd.s32 v8, v10  }
0x76: {  	s25 =	sadd.s32 $0x10, s25;
	[tilespmem:s23+$0x6000] =	vst v8;
	v6 =	vadd.s32 v6, v8  }
0x77: {  	s28 =	sand.u32 $0xFF0, s28;
	[tilespmem:s23+$0x7000] =	vst v6;
	v6 =	vadd.s32 v5, v6  }
0x78: {  	v5 =	vld [tilespmem:s28+$0x7000];
	[tilespmem:s23+$0x8000] =	vst v6;
	v9 =	vadd.s32 v9, v6;
	v8, _, _ =	vpop (xrf0)  }
0x79: {  	v6 =	vld [tilespmem:s28+$0x6000];
	[tilespmem:s23+$0x5000] =	vst v10;
	v7 =	vadd.s32 v7, v9;
	(v2sf) =	vpush v8, $0xF  }
0x7a: {  	v8 =	vld [tilespmem:s28+$0x5000];
	[tilespmem:s23+$0xA000] =	vst v7  }
0x7b: {  	v10 =	vld [tilespmem:s28+$0x4000];
	[tilespmem:s23+$0x9000] =	vst v9;
	s23 =	smov.u32 s28  }
0x7c: {  	v11 =	vld [tilespmem:s25+$0x0]  }
0x7d: {  	v7 =	vld [tilespmem:s23+$0x9000];
	_ =	sdelay $0x1  }
0x7e: {  	v9 =	vld [tilespmem:s23+$0x8000];
	_ =	sdelay $0x1  }
.Ltmp5:
0x7f: {  	v12 =	vld [tilespmem:s23+$0xA000];
	v13 =	vadd.s32 v11, v10;
	(pc) =	sbr.rel @p1 .LBB2_7-.Ltmp5, $4  }
0x80: {  	v13 =	vadd.s32 v8, v13  }
0x81: {  	v13 =	vadd.s32 v6, v13  }
0x82: {  	v13 =	vadd.s32 v5, v13  }
0x83: {  	v13 =	vadd.s32 v9, v13  }
0x84: {  	v13 =	vadd.s32 v7, v13  }
0x85: {  	v12 =	vadd.s32 v12, v13  }
0x86: {  	(xrf0) =	vadd.scan.msk.s32 $0xffff, v12;
	_ =	sdelay $0x5  }
0x87: {  	v63, _, _ =	vpop (xrf0)  }
0x88: {  	v14 =	vxor.u32 $0x80000000, v63  }
0x89: {  	(xrf0) =	vmax.scan.msk.u32 $0xffff, v14;
	_ =	sdelay $0x5  }
0x8a: {  	v14, _, _ =	vpop (xrf0)  }
0x8b: {  	(v2sf) =	vpush v14, $0xF;
	_ =	sdelay $0x1  }
0x8c: {  	s26 =	spop (v2sf)  }
0x8d: {  	s22 =	sadd.s32 s26, s22  }
0x8e: {  	s22 =	sadd.s32 $0x80000000, s22;
	v12 =	vsub.s32 v63, v12  }
0x8f: {  	s24 =	sadd.s32 $0x10, s24;
	v12 =	vadd.s32 s22, v12  }
0x90: {  	[tilespmem:s24+$0x0] =	vst v12  }
0x91: {  	v11 =	vadd.s32 v11, v12;
	[tilespmem:s25+$0x0] =	vst v12  }
0x92: {  	v10 =	vadd.s32 v10, v11;
	[tilespmem:s23+$0x4000] =	vst v11  }
0x93: {  	v8 =	vadd.s32 v8, v10;
	[tilespmem:s23+$0x5000] =	vst v10  }
0x94: {  	[tilespmem:s23+$0x6000] =	vst v8;
	v6 =	vadd.s32 v6, v8  }
0x95: {  	[tilespmem:s23+$0x7000] =	vst v6;
	v5 =	vadd.s32 v5, v6  }
0x96: {  	[tilespmem:s23+$0x8000] =	vst v5;
	v5 =	vadd.s32 v9, v5  }
0x97: {  	v6 =	vadd.s32 v7, v5;
	[tilespmem:s23+$0x9000] =	vst v5  }
0x98: {  	[tilespmem:s23+$0xA000] =	vst v6  }
0x99: {  	s22 =	simm.s32 $0x0;
	s23 =	simm.s32 $0x2000;
	[tilespmem:$0xC000] =	vst v3;
	s31 =	spop (v2sf)  }
.LBB2_9:
0x9a: {  	v5 =	vld [tilespmem:s23+$0x0];
	_ =	sdelay $0x4  }
0x9b: {  	v5 =	vadd.s32 v1, v5;
	_ =	sdelay $0x4  }
0x9c: {  	v6 =	vld.idx.msk [tilespmem:v5+s16+$0x0], $0xff;
	_ =	sdelay $0x6  }
0x9d: {  	v7 =	vor.u32 s22, v0;
	[tilespmem:v5+s16+$0x0] =	vst.idx.add.s32.msk $0xff, v2  }
0x9e: {  	[tilespmem:v6+s18+$0x0] =	vst.idx.msk $0xff, v7  }
0x9f: {  	v6 =	vld.idx.msk [tilespmem:v5+s16+$0x0], vm0;
	_ =	sdelay $0x2  }
0xa0: {  	p1 =	sne.s32 s22, $0xFF0  }
.Ltmp6:
0xa1: {  	_ = 	snop;
	(pc) =	sbr.rel @p1 .LBB2_9-.Ltmp6, $3  }
0xa2: {  	_ =	sdelay $0x1  }
0xa3: {  	[tilespmem:v5+s16+$0x0] =	vst.idx.add.s32.msk vm0, v2  }
0xa4: {  	s23 =	sadd.s32 $0x10, s23;
	s22 =	sadd.s32 $0x10, s22;
	[tilespmem:v6+s18+$0x0] =	vst.idx.msk vm0, v7  }
0xa5: {  	[hbm4b:s7+s11] =	stream.strided.scatter [tilespmem:s19], [sflag:$0x1], $0x1080, s12, s11, $0x38;
	[tilespmem:$0x1D080] =	vst v63  }
0xa6: {  	_ = 	snop  }
0xa7: {  	[hbm4b:s8+s11] =	stream.strided.scatter [tilespmem:s18], [sflag:$0x2], $0x1000, s12, s11, $0x38;
	[tilespmem:$0x1D080] =	vst v63  }
0xa8: {  	_ =	swait.ge [sflag:s14], $0x1080  }
0xa9: {  	[sflag:s14] =	ssyncset.done $0x0  }
0xaa: {  	[sflag:s14] =	ssyncadd.s32 $0xFFFFEF80  }
0xab: {  	_ =	swait.ge [sflag:s15], $0x1000  }
0xac: {  	[sflag:s15] =	ssyncset.done $0x0  }
0xad: {  	[sflag:s15] =	ssyncadd.s32 $0xFFFFF000  }
.LBB2_11:
0xae: {  	[bflag:$0x0] =	sbarrier.arrive $0xFFFF  }
0xaf: {  	[tilespmem:s19], [sflag:$0x1] =	stream.strided.gather [hbm4b:s7+s11], $0x1080, s12, s11, $0x38;
	[tilespmem:$0x1D080] =	vst v63  }
0xb0: {  	_ = 	snop  }
0xb1: {  	[tilespmem:s18], [sflag:$0x2] =	stream.strided.gather [hbm4b:s8+s11], $0x1000, s12, s11, $0x38;
	[tilespmem:$0x1D080] =	vst v63  }
0xb2: {  	_ =	swait.ge [sflag:s14], $0x1080  }
.Ltmp7:
0xb3: {  	[sflag:s14] =	ssyncset.done $0x0;
	(pc) =	sbr.rel .LBB2_12-.Ltmp7, $4  }
0xb4: {  	[sflag:s14] =	ssyncadd.s32 $0xFFFFEF80  }
0xb5: {  	_ =	swait.ge [sflag:s15], $0x1000  }
0xb6: {  	[sflag:s15] =	ssyncset.done $0x0  }
0xb7: {  	s22 =	simm.s32 $0x0;
	[sflag:s15] =	ssyncadd.s32 $0xFFFFF000  }
.LBB2_24:
0xb8: {  	v8 =	vsel vm3, v19, v30  }
0xb9: {  	v9 =	vsel vm8, v17, v32;
	vm3 =	vgt.s32 v18, v8  }
0xba: {  	v15 =	vsel vm9, v15, v34;
	v8 =	vsel vm3, v18, v8;
	vm3 =	vlt.f32 v36, $1.085069450e-04  }
0xbb: {  	v16 =	vsel vm7, v16, v35;
	v17 =	vsel vm2, v7, v30;
	vm1 =	vmand vm1, vm3  }
0xbc: {  	v13 =	vsel vm4, v13, v28;
	v18 =	vsel vm5, v14, v33;
	v19 =	vnsel vm1, $0x40000000, v26  }
0xbd: {  	v14 =	vsel vm6, v12, v31;
	vm1 =	vlt.s32 v17, v19;
	vm2 =	vlt.s32 v10, v19  }
0xbe: {  	vm3 =	vlt.s32 v18, v19;
	vm4 =	vlt.s32 v13, v19;
	vm5 =	vlt.s32 v9, v19  }
0xbf: {  	vm13 =	vlt.s32 v27, v19;
	vm14 =	vlt.s32 v16, v19;
	vm15 =	vlt.s32 v11, v19  }
0xc0: {  	vm8 =	vlt.s32 v24, v19;
	vm12 =	vlt.s32 v29, v19;
	vm10 =	vlt.s32 v14, v19  }
0xc1: {  	v7 =	vsel vm1, v17, v19;
	vm1 =	vlt.s32 v15, v19;
	v26 =	vsel vm4, v13, v19  }
0xc2: {  	v30 =	vsel vm3, v18, v19;
	vm3 =	vlt.s32 v23, v19;
	v22 =	vsel vm13, v27, v19  }
0xc3: {  	vm13 =	vlt.s32 v8, v19;
	v12 =	vsel vm15, v11, v19;
	v28 =	vsel vm14, v16, v19  }
0xc4: {  	vm15 =	vlt.s32 v21, v19;
	v31 =	vsel vm2, v10, v19;
	v59 =	vsel vm10, v14, v19  }
0xc5: {  	v61 =	vsel vm12, v29, v19;
	vm12 =	vlt.s32 v25, v19;
	v62 =	vsel vm8, v24, v19  }
0xc6: {  	v37 =	vsel vm5, v9, v19;
	vm11 =	vgt.s32 v23, v22;
	vm14 =	vgt.s32 v25, v12  }
0xc7: {  	vm2 =	vgt.s32 v15, v28;
	v20 =	vsel vm15, v21, v19;
	v60 =	vsel vm3, v23, v19  }
0xc8: {  	vm3 =	vgt.s32 v24, v31;
	v63 =	vsel vm13, v8, v19;
	vm15 =	vgt.s32 v10, v30  }
0xc9: {  	v38 =	vsel vm1, v15, v19;
	vm1 =	vgt.s32 v16, v26;
	vm7 =	vgt.s32 v13, v20  }
0xca: {  	v12 =	vsel vm14, v25, v12;
	vm10 =	vgt.s32 v8, v60;
	vm14 =	vgt.s32 v17, v62  }
0xcb: {  	v22 =	vsel vm11, v23, v22;
	v14 =	vsel vm3, v24, v31;
	vm3 =	vgt.s32 v18, v37  }
0xcc: {  	v23 =	vsel vm1, v16, v26;
	vm1 =	vgt.s32 v9, v63;
	v20 =	vsel vm7, v13, v20  }
0xcd: {  	v13 =	vsel vm12, v25, v19;
	v25 =	vsel vm10, v8, v60;
	v19 =	vsel vm1, v9, v63  }
0xce: {  	vm1 =	vgt.s32 v11, v59;
	v18 =	vsel vm3, v18, v37;
	vm13 =	vgt.s32 v21, v13  }
0xcf: {  	v21 =	vsel vm13, v21, v13;
	v13 =	vsel vm2, v15, v28;
	vm2 =	vgt.s32 v27, v61  }
0xd0: {  	v24 =	vsel vm1, v11, v59;
	v15 =	vsel vm2, v27, v61;
	vm2 =	vgt.s32 v29, v38  }
0xd1: {  	v28 =	vsel vm14, v17, v62;
	v17 =	vsel vm15, v10, v30;
	v16 =	vsel vm2, v29, v38  }
.LBB2_25:
0xd2: {  	v8 =	vor.u32 s24, v0;
	vm1 =	vlt.s32 v7, $0x40000000  }
0xd3: {  	v7 =	vsel vm1, v7, v8;
	_ =	sdelay $0x4  }
0xd4: {  	v9 =	vmov s23;
	v11 =	vmul.u32 $0x80, v0;
	v10 =	vld.idx.msk [tilespmem:v7+s3+$0x0], $0xffff  }
0xd5: {  	v9 =	vshll.u32 v9, $0x7;
	v26 =	vld.idx.msk [tilespmem:v7+s13+$0x0], $0xffff  }
0xd6: {  	v7 =	vor.u32 v11, v9  }
0xd7: {  	vm1 =	vlt.s32 v28, $0x40000000;
	v9 =	vor.u32 $0x10, v7  }
0xd8: {  	v62 =	vsel vm1, v28, v8  }
0xd9: {  	v10 =	vsub.f32 v6, v10  }
0xda: {  	v26 =	vsub.f32 v5, v26  }
0xdb: {  	[tilespmem:v7+s20+$0x0] =	vst.idx.msk $0xffff, v10  }
0xdc: {  	[tilespmem:v9+s20+$0x0] =	vst.idx.msk $0xffff, v26  }
0xdd: {  	v9 =	vld.idx.msk [tilespmem:v62+s3+$0x0], $0xffff  }
0xde: {  	v10 =	vld.idx.msk [tilespmem:v62+s13+$0x0], $0xffff  }
0xdf: {  	v63 =	vor.u32 $0x1, v7  }
0xe0: {  	vm1 =	vlt.s32 v14, $0x40000000;
	v28 =	vor.u32 $0x11, v7  }
0xe1: {  	v14 =	vsel vm1, v14, v8  }
0xe2: {  	v9 =	vsub.f32 v6, v9  }
0xe3: {  	v10 =	vsub.f32 v5, v10  }
0xe4: {  	[tilespmem:v63+s20+$0x0] =	vst.idx.msk $0xffff, v9  }
0xe5: {  	[tilespmem:v28+s20+$0x0] =	vst.idx.msk $0xffff, v10  }
0xe6: {  	v9 =	vld.idx.msk [tilespmem:v14+s3+$0x0], $0xffff  }
0xe7: {  	v10 =	vld.idx.msk [tilespmem:v14+s13+$0x0], $0xffff  }
0xe8: {  	v29 =	vor.u32 $0x2, v7  }
0xe9: {  	vm1 =	vlt.s32 v17, $0x40000000;
	v30 =	vor.u32 $0x12, v7  }
0xea: {  	v17 =	vsel vm1, v17, v8  }
0xeb: {  	v9 =	vsub.f32 v6, v9  }
0xec: {  	v10 =	vsub.f32 v5, v10  }
0xed: {  	[tilespmem:v29+s20+$0x0] =	vst.idx.msk $0xffff, v9  }
0xee: {  	[tilespmem:v30+s20+$0x0] =	vst.idx.msk $0xffff, v10  }
0xef: {  	v9 =	vld.idx.msk [tilespmem:v17+s3+$0x0], $0xffff  }
0xf0: {  	v10 =	vld.idx.msk [tilespmem:v17+s13+$0x0], $0xffff  }
0xf1: {  	v31 =	vor.u32 $0x3, v7  }
0xf2: {  	vm1 =	vlt.s32 v18, $0x40000000;
	v32 =	vor.u32 $0x13, v7  }
0xf3: {  	v33 =	vsel vm1, v18, v8  }
0xf4: {  	v9 =	vsub.f32 v6, v9  }
0xf5: {  	v10 =	vsub.f32 v5, v10  }
0xf6: {  	[tilespmem:v31+s20+$0x0] =	vst.idx.msk $0xffff, v9  }
0xf7: {  	[tilespmem:v32+s20+$0x0] =	vst.idx.msk $0xffff, v10  }
0xf8: {  	v9 =	vld.idx.msk [tilespmem:v33+s3+$0x0], $0xffff  }
0xf9: {  	v10 =	vld.idx.msk [tilespmem:v33+s13+$0x0], $0xffff  }
0xfa: {  	v34 =	vor.u32 $0x4, v7  }
0xfb: {  	vm1 =	vlt.s32 v19, $0x40000000;
	v35 =	vor.u32 $0x14, v7  }
0xfc: {  	v36 =	vsel vm1, v19, v8  }
0xfd: {  	v9 =	vsub.f32 v6, v9  }
0xfe: {  	v10 =	vsub.f32 v5, v10  }
0xff: {  	[tilespmem:v34+s20+$0x0] =	vst.idx.msk $0xffff, v9  }
0x100: {  	[tilespmem:v35+s20+$0x0] =	vst.idx.msk $0xffff, v10  }
0x101: {  	v9 =	vld.idx.msk [tilespmem:v36+s3+$0x0], $0xffff  }
0x102: {  	v10 =	vld.idx.msk [tilespmem:v36+s13+$0x0], $0xffff  }
0x103: {  	v37 =	vor.u32 $0x5, v7  }
0x104: {  	vm1 =	vlt.s32 v25, $0x40000000;
	v38 =	vor.u32 $0x15, v7  }
0x105: {  	v39 =	vsel vm1, v25, v8  }
0x106: {  	v9 =	vsub.f32 v6, v9  }
0x107: {  	v10 =	vsub.f32 v5, v10  }
0x108: {  	[tilespmem:v37+s20+$0x0] =	vst.idx.msk $0xffff, v9  }
0x109: {  	[tilespmem:v38+s20+$0x0] =	vst.idx.msk $0xffff, v10  }
0x10a: {  	v9 =	vld.idx.msk [tilespmem:v39+s3+$0x0], $0xffff  }
0x10b: {  	v10 =	vld.idx.msk [tilespmem:v39+s13+$0x0], $0xffff  }
0x10c: {  	v40 =	vor.u32 $0x6, v7  }
0x10d: {  	v41 =	vor.u32 $0x16, v7;
	vm1 =	vlt.s32 v22, $0x40000000  }
0x10e: {  	v42 =	vsel vm1, v22, v8  }
0x10f: {  	v9 =	vsub.f32 v6, v9  }
0x110: {  	v10 =	vsub.f32 v5, v10  }
0x111: {  	[tilespmem:v40+s20+$0x0] =	vst.idx.msk $0xffff, v9  }
0x112: {  	[tilespmem:v41+s20+$0x0] =	vst.idx.msk $0xffff, v10  }
0x113: {  	v9 =	vld.idx.msk [tilespmem:v42+s3+$0x0], $0xffff  }
0x114: {  	v10 =	vld.idx.msk [tilespmem:v42+s13+$0x0], $0xffff  }
0x115: {  	v43 =	vor.u32 $0x7, v7  }
0x116: {  	v44 =	vor.u32 $0x17, v7;
	vm1 =	vlt.s32 v15, $0x40000000  }
0x117: {  	v15 =	vsel vm1, v15, v8  }
0x118: {  	v9 =	vsub.f32 v6, v9  }
0x119: {  	v10 =	vsub.f32 v5, v10  }
0x11a: {  	[tilespmem:v43+s20+$0x0] =	vst.idx.msk $0xffff, v9  }
0x11b: {  	[tilespmem:v44+s20+$0x0] =	vst.idx.msk $0xffff, v10  }
0x11c: {  	v9 =	vld.idx.msk [tilespmem:v15+s3+$0x0], $0xffff  }
0x11d: {  	v10 =	vld.idx.msk [tilespmem:v15+s13+$0x0], $0xffff  }
0x11e: {  	v45 =	vor.u32 $0x8, v7  }
0x11f: {  	v46 =	vor.u32 $0x18, v7;
	vm1 =	vlt.s32 v16, $0x40000000  }
0x120: {  	v47 =	vsel vm1, v16, v8  }
0x121: {  	v9 =	vsub.f32 v6, v9  }
0x122: {  	v10 =	vsub.f32 v5, v10  }
0x123: {  	[tilespmem:v45+s20+$0x0] =	vst.idx.msk $0xffff, v9  }
0x124: {  	[tilespmem:v46+s20+$0x0] =	vst.idx.msk $0xffff, v10  }
0x125: {  	v9 =	vld.idx.msk [tilespmem:v47+s3+$0x0], $0xffff  }
0x126: {  	v10 =	vld.idx.msk [tilespmem:v47+s13+$0x0], $0xffff  }
0x127: {  	v48 =	vor.u32 $0x9, v7  }
0x128: {  	v49 =	vor.u32 $0x19, v7;
	vm1 =	vlt.s32 v13, $0x40000000  }
0x129: {  	v13 =	vsel vm1, v13, v8  }
0x12a: {  	v9 =	vsub.f32 v6, v9  }
0x12b: {  	v10 =	vsub.f32 v5, v10  }
0x12c: {  	[tilespmem:v48+s20+$0x0] =	vst.idx.msk $0xffff, v9  }
0x12d: {  	[tilespmem:v49+s20+$0x0] =	vst.idx.msk $0xffff, v10  }
0x12e: {  	v9 =	vld.idx.msk [tilespmem:v13+s3+$0x0], $0xffff  }
0x12f: {  	v10 =	vld.idx.msk [tilespmem:v13+s13+$0x0], $0xffff  }
0x130: {  	v50 =	vor.u32 $0xA, v7  }
0x131: {  	v51 =	vor.u32 $0x1A, v7;
	vm1 =	vlt.s32 v23, $0x40000000  }
0x132: {  	v52 =	vsel vm1, v23, v8  }
0x133: {  	v9 =	vsub.f32 v6, v9  }
0x134: {  	v10 =	vsub.f32 v5, v10  }
0x135: {  	[tilespmem:v50+s20+$0x0] =	vst.idx.msk $0xffff, v9  }
0x136: {  	[tilespmem:v51+s20+$0x0] =	vst.idx.msk $0xffff, v10  }
0x137: {  	v9 =	vld.idx.msk [tilespmem:v52+s3+$0x0], $0xffff  }
0x138: {  	v10 =	vld.idx.msk [tilespmem:v52+s13+$0x0], $0xffff  }
0x139: {  	v53 =	vor.u32 $0xB, v7  }
0x13a: {  	v54 =	vor.u32 $0x1B, v7;
	vm1 =	vlt.s32 v20, $0x40000000  }
0x13b: {  	v55 =	vsel vm1, v20, v8  }
0x13c: {  	v9 =	vsub.f32 v6, v9  }
0x13d: {  	v10 =	vsub.f32 v5, v10  }
0x13e: {  	[tilespmem:v53+s20+$0x0] =	vst.idx.msk $0xffff, v9  }
0x13f: {  	[tilespmem:v54+s20+$0x0] =	vst.idx.msk $0xffff, v10  }
0x140: {  	v9 =	vld.idx.msk [tilespmem:v55+s3+$0x0], $0xffff  }
0x141: {  	v10 =	vld.idx.msk [tilespmem:v55+s13+$0x0], $0xffff  }
0x142: {  	v56 =	vor.u32 $0xC, v7  }
0x143: {  	v57 =	vor.u32 $0x1C, v7;
	vm1 =	vlt.s32 v21, $0x40000000  }
0x144: {  	v58 =	vsel vm1, v21, v8  }
0x145: {  	v9 =	vsub.f32 v6, v9  }
0x146: {  	v10 =	vsub.f32 v5, v10  }
0x147: {  	[tilespmem:v56+s20+$0x0] =	vst.idx.msk $0xffff, v9  }
0x148: {  	[tilespmem:v57+s20+$0x0] =	vst.idx.msk $0xffff, v10  }
0x149: {  	v9 =	vld.idx.msk [tilespmem:v58+s3+$0x0], $0xffff  }
0x14a: {  	v10 =	vld.idx.msk [tilespmem:v58+s13+$0x0], $0xffff  }
0x14b: {  	v59 =	vor.u32 $0xD, v7  }
0x14c: {  	v60 =	vor.u32 $0x1D, v7;
	vm1 =	vlt.s32 v12, $0x40000000  }
0x14d: {  	v12 =	vsel vm1, v12, v8  }
0x14e: {  	v9 =	vsub.f32 v6, v9  }
0x14f: {  	v10 =	vsub.f32 v5, v10  }
0x150: {  	[tilespmem:v59+s20+$0x0] =	vst.idx.msk $0xffff, v9  }
0x151: {  	[tilespmem:v60+s20+$0x0] =	vst.idx.msk $0xffff, v10  }
0x152: {  	v9 =	vld.idx.msk [tilespmem:v12+s3+$0x0], $0xffff  }
0x153: {  	v10 =	vld.idx.msk [tilespmem:v12+s13+$0x0], $0xffff  }
0x154: {  	v61 =	vor.u32 $0xE, v7  }
0x155: {  	v62 =	vor.u32 $0x1E, v7;
	vm1 =	vlt.s32 v24, $0x40000000  }
0x156: {  	v8 =	vsel vm1, v24, v8  }
0x157: {  	v9 =	vsub.f32 v6, v9  }
0x158: {  	v10 =	vsub.f32 v5, v10  }
0x159: {  	[tilespmem:v61+s20+$0x0] =	vst.idx.msk $0xffff, v9  }
0x15a: {  	[tilespmem:v62+s20+$0x0] =	vst.idx.msk $0xffff, v10  }
0x15b: {  	v9 =	vld.idx.msk [tilespmem:v8+s3+$0x0], $0xffff  }
0x15c: {  	v8 =	vld.idx.msk [tilespmem:v8+s13+$0x0], $0xffff  }
0x15d: {  	s22 =	sadd.s32 $0x1, s22;
	v63 =	vor.u32 $0xF, v7  }
0x15e: {  	p1 =	sne.s32 s22, $0x20;
	v7 =	vor.u32 $0x1F, v7  }
.Ltmp8:
0x15f: {  	_ = 	snop;
	(pc) =	sbr.rel @!p1 .LBB2_26-.Ltmp8, $4  }
0x160: {  	v6 =	vsub.f32 v6, v9  }
0x161: {  	v5 =	vsub.f32 v5, v8  }
0x162: {  	[tilespmem:v63+s20+$0x0] =	vst.idx.msk $0xffff, v6  }
0x163: {  	[tilespmem:v7+s20+$0x0] =	vst.idx.msk $0xffff, v5  }
.LBB2_12:
0x164: {  	_ =	sdelay $0x2  }
0x165: {  	s23 =	sshll.u32 s22, $0x4  }
0x166: {  	v5 =	vld.idx.msk [tilespmem:v4+s23+$0x1000 ss:$0x1], $0xffff;
	_ =	sdelay $0x1  }
0x167: {  	v6 =	vld.idx.msk [tilespmem:v4+s23+$0x0 ss:$0x1], $0xffff;
	_ =	sdelay $0x2  }
0x168: {  	v7 =	vmul.f32 $6.400000000e+01, v5;
	_ =	sdelay $0x1  }
0x169: {  	v9 =	vmul.f32 $6.400000000e+01, v6;
	v7 =	vtrunc.f32 v7  }
0x16a: {  	v8 =	vcvt.f32.s32 v7  }
0x16b: {  	v7 =	vtrunc.f32 v9  }
0x16c: {  	v7 =	vcvt.f32.s32 v7;
	vm1 =	vlt.s32 v8, $0x3F  }
0x16d: {  	v9 =	vnsel vm1, $0x3F, v8  }
0x16e: {  	vm1 =	vlt.s32 v7, $0x3F;
	v10 =	vadd.s32 $0xFFFFFFFF, v9  }
0x16f: {  	v11 =	vnsel vm1, $0x3F, v7;
	vm1 =	vgt.s32 v10, $0x0  }
0x170: {  	v11 =	vadd.s32 $0xFFFFFFFF, v11;
	v10 =	vnsel vm1, $0x0, v10  }
0x171: {  	vm2 =	vlt.s32 v7, $0x3E;
	vm1 =	vgt.s32 v11, $0x0;
	v12 =	vmin.u32 v10, $0x3F  }
0x172: {  	v7 =	vnsel vm2, $0x3E, v7;
	v10 =	vnsel vm1, $0x0, v11;
	v12 =	vshll.u32 v12, $0x6  }
0x173: {  	v11 =	vadd.s32 $0x2, v7;
	v13 =	vadd.s32 v10, v12  }
0x174: {  	v7 =	vadd.s32 v12, v11;
	_ =	sdelay $0x3  }
0x175: {  	v12 =	vld.idx.msk [tilespmem:v13+s19+$0x0], $0xffff  }
0x176: {  	v7 =	vld.idx.msk [tilespmem:v7+s19+$0x0], $0xffff;
	_ =	sdelay $0x4  }
0x177: {  	vm1 =	vgt.s32 v12, $0x0;
	vm2 =	vgt.s32 v7, $0x0  }
0x178: {  	v12 =	vnsel vm1, $0x0, v12;
	v7 =	vnsel vm2, $0x0, v7  }
0x179: {  	vm1 =	vgt.s32 v8, $0x0;
	v12 =	vmin.u32 v12, $0x1000;
	v7 =	vmin.u32 v7, $0x1000  }
0x17a: {  	v12 =	vnsel vm1, $0x0, v12;
	v7 =	vnsel vm1, $0x0, v7  }
0x17b: {  	v7 =	vsub.s32 v7, v12  }
0x17c: {  	vm1 =	vgt.s32 v7, $0x0  }
0x17d: {  	v13 =	vnsel vm1, $0x0, v7  }
0x17e: {  	v7 =	vor.u32 $0x80000000, v13  }
0x17f: {  	(xrf0) =	vmax.scan.msk.u32 $0xffff, v7;
	_ =	sdelay $0x5  }
0x180: {  	v7, _, _ =	vpop (xrf0)  }
0x181: {  	(v2sf) =	vpush v7, $0xF;
	_ =	sdelay $0xe  }
0x182: {  	s24 =	spop (v2sf)  }
0x183: {  	s25 =	sadd.s32 $0x80000001, s24;
	p1 =	slt.s32 s24, $0xFFFFFFFF;
	s24 =	simm.s32 $0x1  }
0x184: {  	s24 =	simm.s32 @!p1 $0x0;
	s26 =	sshra.s32 s25, $0x1F  }
0x185: {  	s30 =	sand.u32 $0x1, s25;
	s24 =	sadd.s32 s24, s26  }
0x186: {  	p2 =	seq.s32 s30, $0x1;
	p6 =	sne.s32 s24, $0x1  }
0x187: {  	s31 =	sshrl.u32 s25, $0x1F;
	p1 =	por !p6, !p2  }
0x188: {  	s24 =	sadd.s32 s31, s25;
	s25 =	simm.s32 $0x1;
	p1 =	por !p1, !p1  }
0x189: {  	s24 =	sshra.s32 s24, $0x1;
	s25 =	simm.s32 @!p1 $0x0  }
0x18a: {  	s25 =	ssub.s32 s24, s25  }
0x18b: {  	p1 =	slt.s32 s25, $0x1  }
.Ltmp9:
0x18c: {  	_ = 	snop;
	(pc) =	sbr.rel @p1 .LBB2_13-.Ltmp9, $2  }
0x18d: {  	_ =	sdelay $0x2  }
0x18e: {  	v7 =	vimm.s32 $0x40000000;
	s26 =	simm.s32 $0x1;
	s24 =	sadd.s32 s4, s23  }
0x18f: {  	s28 =	sadd.s32 $0xFFFFFFFF, s26  }
0x190: {  	v14 =	vadd.s32 s28, v12  }
0x191: {  	vm1 =	vgt.s32 v14, $0x0  }
0x192: {  	v15 =	vmov s28;
	v14 =	vnsel vm1, $0x0, v14  }
0x193: {  	vm2 =	vlt.s32 v15, v13;
	v14 =	vmin.u32 v14, $0xFFF  }
0x194: {  	v14 =	vnsel vm2, $0x0, v14;
	_ =	sdelay $0x2  }
0x195: {  	v15 =	vadd.s32 s26, v12  }
0x196: {  	vm1 =	vgt.s32 v15, $0x0  }
0x197: {  	v16 =	vmov s26;
	v15 =	vnsel vm1, $0x0, v15;
	v14 =	vld.idx.msk [tilespmem:v14+s18+$0x0], $0xffff  }
0x198: {  	vm1 =	vlt.s32 v16, v13;
	v15 =	vmin.u32 v15, $0xFFF  }
0x199: {  	v15 =	vnsel vm1, $0x0, v15;
	_ =	sdelay $0x2  }
0x19a: {  	vm3 =	vgt.s32 v14, $0x0  }
0x19b: {  	v14 =	vnsel vm3, $0x0, v14  }
0x19c: {  	v16 =	vmin.u32 v14, $0xFFF;
	v14 =	vld.idx.msk [tilespmem:v15+s18+$0x0], $0xffff;
	_ =	sdelay $0x4  }
0x19d: {  	v15 =	vld.idx.msk [tilespmem:v16+s13+$0x0], $0xffff;
	vm3 =	vgt.s32 v14, $0x0  }
0x19e: {  	v17 =	vld.idx.msk [tilespmem:v16+s3+$0x0], $0xffff;
	v14 =	vnsel vm3, $0x0, v14  }
0x19f: {  	v14 =	vmin.u32 v14, $0xFFF;
	_ =	sdelay $0x3  }
0x1a0: {  	v15 =	vsub.f32 v5, v15;
	v17 =	vsub.f32 v6, v17  }
0x1a1: {  	v18 =	vld.idx.msk [tilespmem:v14+s13+$0x0], $0xffff  }
0x1a2: {  	v15 =	vmul.f32 v15, v15;
	v17 =	vmul.f32 v17, v17  }
0x1a3: {  	v19 =	vld.idx.msk [tilespmem:v14+s3+$0x0], $0xffff  }
0x1a4: {  	v15 =	vadd.f32 v15, v17  }
0x1a5: {  	v34 =	vimm.s32 $0x40000000;
	v29 =	vimm.s32 $0x40000000  }
0x1a6: {  	v33 =	vimm.s32 $0x40000000;
	vm3 =	vlt.f32 v15, $1.085069450e-04;
	v15 =	vsub.f32 v5, v18  }
0x1a7: {  	v32 =	vimm.s32 $0x40000000;
	v27 =	vimm.s32 $0x40000000;
	vm2 =	vmand vm2, vm3  }
0x1a8: {  	v17 =	vsub.f32 v6, v19;
	v23 =	vnsel vm2, $0x40000000, v16;
	v20 =	vmul.f32 v15, v15  }
0x1a9: {  	vm4 =	vlt.s32 v7, v23;
	vm5 =	vlt.s32 v7, v23;
	vm6 =	vlt.s32 v7, v23  }
0x1aa: {  	vm7 =	vlt.s32 v7, v23;
	vm3 =	vlt.s32 v7, v23;
	v17 =	vmul.f32 v17, v17  }
0x1ab: {  	vm2 =	vlt.s32 v7, v23;
	vm8 =	vlt.s32 v7, v23;
	vm9 =	vlt.s32 v7, v23  }
0x1ac: {  	vm10 =	vlt.s32 v7, v23;
	vm11 =	vlt.s32 v7, v23;
	vm12 =	vlt.s32 v7, v23  }
0x1ad: {  	vm13 =	vlt.s32 v7, v23;
	vm14 =	vlt.s32 v7, v23;
	vm15 =	vlt.s32 v7, v23  }
0x1ae: {  	v15 =	vsel vm4, v7, v23;
	v30 =	vsel vm7, v7, v23;
	v18 =	vsel vm8, v7, v23  }
0x1af: {  	v16 =	vsel vm5, v7, v23;
	vm5 =	vlt.s32 v7, v23;
	v22 =	vsel vm14, v7, v23  }
0x1b0: {  	v37 =	vsel vm13, v7, v23;
	vm7 =	vlt.s32 v7, v23;
	v28 =	vsel vm11, v7, v23  }
0x1b1: {  	v19 =	vsel vm12, v7, v23;
	v21 =	vsel vm15, v7, v23;
	v25 =	vsel vm9, v7, v23  }
0x1b2: {  	v38 =	vsel vm10, v7, v23;
	v26 =	vsel vm6, v7, v23;
	vm4 =	vgt.s32 v7, v16  }
0x1b3: {  	vm8 =	vgt.s32 v7, v22;
	v35 =	vsel vm7, v7, v23;
	vm7 =	vgt.s32 v7, v15  }
0x1b4: {  	v36 =	vsel vm5, v7, v23;
	vm11 =	vgt.s32 v7, v18;
	vm6 =	vgt.s32 v7, v19  }
0x1b5: {  	v31 =	vadd.f32 v20, v17;
	vm9 =	vgt.s32 v7, v25;
	v17 =	vimm.s32 $0x40000000  }
0x1b6: {  	p1 =	sne.s32 s25, $0x1;
	v20 =	vimm.s32 $0x40000000;
	v16 =	vsel vm4, v7, v16;
	vm4 =	vgt.s32 v7, v28  }
.Ltmp10:
0x1b7: {  	v15 =	vsel vm7, v7, v15;
	vm5 =	vgt.s32 v7, v36;
	vm7 =	vgt.s32 v7, v21;
	(pc) =	sbr.rel @!p1 .LBB2_16-.Ltmp10, $4  }
0x1b8: {  	v18 =	vsel vm11, v7, v18;
	v22 =	vsel vm8, v7, v22;
	vm8 =	vgt.s32 v7, v30  }
0x1b9: {  	v24 =	vsel vm7, v7, v21;
	vm7 =	vgt.s32 v7, v26;
	v21 =	vsel vm6, v7, v19  }
0x1ba: {  	vm6 =	vgt.s32 v7, v35;
	v19 =	vsel vm7, v7, v26;
	vm7 =	vgt.s32 v7, v38  }
0x1bb: {  	s25 =	sadd.s32 $0xFFFFFFFF, s25;
	s26 =	sadd.s32 $0x2, s26;
	v26 =	vsel vm9, v7, v25;
	vm9 =	vgt.s32 v7, v37;
	v25 =	vimm.s32 $0x40000000  }
.LBB2_15:
0x1bc: {  	s28 =	sadd.s32 $0xFFFFFFFF, s26;
	p1 =	sne.s32 s25, $0x1;
	s25 =	sadd.s32 $0xFFFFFFFF, s25;
	v30 =	vsel vm8, v7, v30;
	v7 =	vsel vm3, v34, v23;
	v29 =	vsel vm9, v29, v37  }
0x1bd: {  	v34 =	vmov s28;
	v37 =	vadd.s32 s28, v12;
	vm3 =	vgt.s32 v33, v7  }
0x1be: {  	v39 =	vmov s26;
	vm8 =	vgt.s32 v37, $0x0  }
0x1bf: {  	v32 =	vsel vm7, v32, v38;
	v7 =	vsel vm3, v33, v7;
	v37 =	vnsel vm8, $0x0, v37  }
0x1c0: {  	vm7 =	vlt.f32 v31, $1.085069450e-04;
	vm3 =	vlt.s32 v34, v13;
	v33 =	vmin.u32 v37, $0xFFF  }
0x1c1: {  	v23 =	vsel vm2, v17, v23;
	vm1 =	vmand vm1, vm7;
	v31 =	vnsel vm3, $0x0, v33  }
0x1c2: {  	v34 =	vnsel vm1, $0x40000000, v14;
	v33 =	vsel vm5, v27, v36;
	v27 =	vsel vm6, v20, v35  }
0x1c3: {  	vm1 =	vlt.s32 v23, v34;
	vm6 =	vlt.s32 v16, v34;
	vm5 =	vlt.s32 v33, v34  }
0x1c4: {  	v25 =	vsel vm4, v25, v28;
	v14 =	vadd.s32 s26, v12;
	v17 =	vsel vm1, v23, v34  }
0x1c5: {  	vm2 =	vlt.s32 v29, v34;
	vm7 =	vlt.s32 v25, v34;
	vm1 =	vgt.s32 v14, $0x0  }
0x1c6: {  	vm4 =	vlt.s32 v30, v34;
	v28 =	vsel vm7, v25, v34;
	v14 =	vnsel vm1, $0x0, v14;
	v20 =	vld.idx.msk [tilespmem:v31+s18+$0x0], $0xffff  }
0x1c7: {  	vm8 =	vlt.s32 v18, v34;
	vm1 =	vlt.s32 v39, v13;
	v14 =	vmin.u32 v14, $0xFFF  }
0x1c8: {  	vm9 =	vlt.s32 v32, v34;
	vm10 =	vlt.s32 v24, v34;
	v14 =	vnsel vm1, $0x0, v14  }
0x1c9: {  	vm11 =	vlt.s32 v26, v34;
	vm7 =	vlt.s32 v15, v34;
	vm12 =	vlt.s32 v27, v34  }
0x1ca: {  	vm13 =	vlt.s32 v19, v34;
	v36 =	vsel vm8, v18, v34;
	v35 =	vsel vm5, v33, v34  }
0x1cb: {  	vm8 =	vlt.s32 v7, v34;
	vm5 =	vgt.s32 v19, v36;
	v31 =	vsel vm10, v24, v34  }
0x1cc: {  	v37 =	vsel vm9, v32, v34;
	vm9 =	vgt.s32 v22, v31;
	vm10 =	vgt.s32 v20, $0x0  }
0x1cd: {  	v38 =	vsel vm6, v16, v34;
	vm6 =	vlt.s32 v21, v34;
	v20 =	vnsel vm10, $0x0, v20;
	v14 =	vld.idx.msk [tilespmem:v14+s18+$0x0], $0xffff  }
0x1ce: {  	v40 =	vsel vm6, v21, v34;
	vm10 =	vgt.s32 v29, v37;
	v39 =	vmin.u32 v20, $0xFFF  }
0x1cf: {  	v41 =	vsel vm12, v27, v34;
	vm6 =	vgt.s32 v25, v40;
	v20 =	vsel vm9, v22, v31  }
0x1d0: {  	v42 =	vsel vm13, v19, v34;
	v43 =	vsel vm11, v26, v34;
	v31 =	vsel vm6, v25, v40  }
0x1d1: {  	vm11 =	vlt.s32 v22, v34;
	vm6 =	vgt.s32 v15, v38;
	vm9 =	vgt.s32 v7, v42  }
0x1d2: {  	v44 =	vsel vm8, v7, v34;
	v40 =	vsel vm7, v15, v34;
	v22 =	vsel vm11, v22, v34  }
0x1d3: {  	v46 =	vsel vm4, v30, v34;
	vm4 =	vgt.s32 v21, v22;
	vm7 =	vgt.s32 v14, $0x0;
	v45 =	vld.idx.msk [tilespmem:v39+s13+$0x0], $0xffff  }
0x1d4: {  	v21 =	vsel vm4, v21, v22;
	v14 =	vnsel vm7, $0x0, v14;
	vm7 =	vgt.s32 v23, v40;
	v47 =	vld.idx.msk [tilespmem:v39+s3+$0x0], $0xffff  }
0x1d5: {  	v25 =	vsel vm10, v29, v37;
	vm4 =	vgt.s32 v16, v35;
	v14 =	vmin.u32 v14, $0xFFF  }
0x1d6: {  	v48 =	vsel vm5, v19, v36;
	v19 =	vsel vm2, v29, v34;
	vm2 =	vgt.s32 v32, v28  }
0x1d7: {  	vm5 =	vgt.s32 v18, v43;
	v27 =	vsel vm6, v15, v38;
	v22 =	vsel vm9, v7, v42  }
0x1d8: {  	v29 =	vsel vm5, v18, v43;
	vm6 =	vgt.s32 v33, v46;
	v15 =	vsel vm7, v23, v40  }
0x1d9: {  	v7 =	vsel vm4, v16, v35;
	v40 =	vsel vm2, v32, v28;
	v18 =	vsub.f32 v5, v45  }
0x1da: {  	vm4 =	vgt.s32 v26, v19;
	vm2 =	vgt.s32 v30, v44;
	v16 =	vsub.f32 v6, v47;
	v23 =	vld.idx.msk [tilespmem:v14+s13+$0x0], $0xffff  }
0x1db: {  	v32 =	vsel vm4, v26, v19;
	v34 =	vsel vm2, v30, v44;
	v18 =	vmul.f32 v18, v18;
	v28 =	vld.idx.msk [tilespmem:v14+s3+$0x0], $0xffff  }
0x1dc: {  	v33 =	vsel vm6, v33, v46;
	vm2 =	vgt.s32 v24, v41;
	v16 =	vmul.f32 v16, v16  }
0x1dd: {  	v19 =	vsel vm2, v24, v41  }
0x1de: {  	v16 =	vadd.f32 v18, v16;
	_ =	sdelay $0x1  }
0x1df: {  	vm2 =	vlt.f32 v16, $1.085069450e-04;
	v16 =	vsub.f32 v5, v23  }
0x1e0: {  	vm2 =	vmand vm3, vm2;
	v18 =	vsub.f32 v6, v28  }
0x1e1: {  	v23 =	vnsel vm2, $0x40000000, v39;
	v26 =	vmul.f32 v16, v16  }
0x1e2: {  	vm4 =	vlt.s32 v15, v23;
	vm5 =	vlt.s32 v27, v23;
	vm6 =	vlt.s32 v22, v23  }
0x1e3: {  	vm9 =	vlt.s32 v33, v23;
	vm3 =	vlt.s32 v34, v23;
	v39 =	vmul.f32 v18, v18  }
0x1e4: {  	vm2 =	vlt.s32 v17, v23;
	vm10 =	vlt.s32 v48, v23;
	vm7 =	vlt.s32 v29, v23  }
0x1e5: {  	vm8 =	vlt.s32 v25, v23;
	vm11 =	vlt.s32 v40, v23;
	vm12 =	vlt.s32 v31, v23  }
0x1e6: {  	vm13 =	vlt.s32 v32, v23;
	vm14 =	vlt.s32 v21, v23;
	vm15 =	vlt.s32 v20, v23  }
0x1e7: {  	v18 =	vsel vm4, v15, v23;
	v30 =	vsel vm9, v33, v23;
	v41 =	vsel vm10, v48, v23  }
0x1e8: {  	v16 =	vsel vm5, v27, v23;
	vm5 =	vlt.s32 v7, v23;
	v42 =	vsel vm14, v21, v23  }
0x1e9: {  	v37 =	vsel vm13, v32, v23;
	vm9 =	vlt.s32 v19, v23;
	vm4 =	vgt.s32 v15, v16  }
0x1ea: {  	v28 =	vsel vm11, v40, v23;
	v43 =	vsel vm12, v31, v23;
	v16 =	vsel vm4, v15, v16  }
0x1eb: {  	vm10 =	vgt.s32 v31, v42;
	v35 =	vsel vm9, v19, v23;
	vm4 =	vgt.s32 v25, v28  }
0x1ec: {  	vm9 =	vgt.s32 v17, v18;
	v36 =	vsel vm5, v7, v23;
	vm11 =	vgt.s32 v22, v41  }
0x1ed: {  	v15 =	vsel vm9, v17, v18;
	vm5 =	vgt.s32 v27, v36;
	v18 =	vsel vm15, v20, v23  }
0x1ee: {  	v44 =	vsel vm7, v29, v23;
	v38 =	vsel vm8, v25, v23;
	vm7 =	vgt.s32 v21, v18  }
.Ltmp11:
0x1ef: {  	v19 =	vsel vm6, v22, v23;
	vm6 =	vgt.s32 v40, v43;
	v24 =	vsel vm7, v21, v18;
	(pc) =	sbr.rel @p1 .LBB2_15-.Ltmp11, $4  }
0x1f0: {  	vm7 =	vgt.s32 v34, v19;
	v18 =	vsel vm11, v22, v41;
	v21 =	vsel vm6, v40, v43  }
0x1f1: {  	v22 =	vsel vm10, v31, v42;
	v31 =	vadd.f32 v26, v39;
	v19 =	vsel vm7, v34, v19  }
0x1f2: {  	vm9 =	vgt.s32 v48, v44;
	vm6 =	vgt.s32 v20, v35;
	vm7 =	vgt.s32 v32, v38  }
0x1f3: {  	s26 =	sadd.s32 $0x2, s26;
	vm8 =	vgt.s32 v7, v30;
	v26 =	vsel vm9, v48, v44;
	vm9 =	vgt.s32 v29, v37  }
.LBB2_16:
0x1f4: {  	v12 =	vsel vm3, v34, v23  }
0x1f5: {  	v30 =	vsel vm8, v7, v30;
	vm3 =	vgt.s32 v33, v12  }
0x1f6: {  	v29 =	vsel vm9, v29, v37;
	v33 =	vsel vm3, v33, v12;
	vm3 =	vlt.f32 v31, $1.085069450e-04  }
0x1f7: {  	v17 =	vsel vm2, v17, v23;
	v27 =	vsel vm5, v27, v36;
	vm1 =	vmand vm1, vm3  }
0x1f8: {  	v13 =	vsel vm6, v20, v35;
	v20 =	vsel vm4, v25, v28;
	v14 =	vnsel vm1, $0x40000000, v14  }
0x1f9: {  	v31 =	vsel vm7, v32, v38;
	vm1 =	vlt.s32 v17, v14;
	vm2 =	vlt.s32 v16, v14  }
0x1fa: {  	vm3 =	vlt.s32 v27, v14;
	vm4 =	vlt.s32 v20, v14;
	vm5 =	vlt.s32 v30, v14  }
0x1fb: {  	vm13 =	vlt.s32 v18, v14;
	vm14 =	vlt.s32 v31, v14;
	vm15 =	vlt.s32 v24, v14  }
0x1fc: {  	vm8 =	vlt.s32 v15, v14;
	vm12 =	vlt.s32 v26, v14;
	vm10 =	vlt.s32 v13, v14  }
0x1fd: {  	v7 =	vsel vm1, v17, v14;
	vm1 =	vlt.s32 v29, v14;
	v23 =	vsel vm4, v20, v14  }
0x1fe: {  	v57 =	vsel vm3, v27, v14;
	vm3 =	vlt.s32 v19, v14;
	v25 =	vsel vm13, v18, v14  }
0x1ff: {  	vm13 =	vlt.s32 v33, v14;
	v12 =	vsel vm15, v24, v14;
	v28 =	vsel vm14, v31, v14  }
0x200: {  	vm15 =	vlt.s32 v21, v14;
	v58 =	vsel vm2, v16, v14;
	v60 =	vsel vm10, v13, v14  }
0x201: {  	v62 =	vsel vm12, v26, v14;
	vm12 =	vlt.s32 v22, v14;
	v63 =	vsel vm8, v15, v14  }
0x202: {  	v40 =	vsel vm5, v30, v14;
	vm11 =	vgt.s32 v19, v25;
	vm14 =	vgt.s32 v22, v12  }
0x203: {  	vm2 =	vgt.s32 v29, v28;
	v59 =	vsel vm15, v21, v14;
	v61 =	vsel vm3, v19, v14  }
0x204: {  	vm3 =	vgt.s32 v15, v58;
	v39 =	vsel vm13, v33, v14;
	v13 =	vsel vm12, v22, v14  }
0x205: {  	vm15 =	vgt.s32 v16, v57;
	vm7 =	vgt.s32 v20, v59;
	v12 =	vsel vm14, v22, v12  }
0x206: {  	vm10 =	vgt.s32 v33, v61;
	vm13 =	vgt.s32 v21, v13;
	vm14 =	vgt.s32 v17, v63  }
0x207: {  	v22 =	vsel vm11, v19, v25;
	v20 =	vsel vm7, v20, v59;
	v21 =	vsel vm13, v21, v13  }
0x208: {  	v13 =	vsel vm2, v29, v28;
	v29 =	vsel vm1, v29, v14;
	vm1 =	vgt.s32 v31, v23  }
.Ltmp12:
0x209: {  	v14 =	vsel vm3, v15, v58;
	v25 =	vsel vm10, v33, v61;
	vm2 =	vgt.s32 v18, v62;
	(pc) =	sbr.rel .LBB2_17-.Ltmp12, $4  }
0x20a: {  	v28 =	vsel vm14, v17, v63;
	vm3 =	vgt.s32 v27, v40;
	v17 =	vsel vm15, v16, v57  }
0x20b: {  	v15 =	vsel vm2, v18, v62;
	v23 =	vsel vm1, v31, v23;
	vm1 =	vgt.s32 v30, v39  }
0x20c: {  	vm2 =	vgt.s32 v26, v29;
	v19 =	vsel vm1, v30, v39;
	vm1 =	vgt.s32 v24, v60  }
0x20d: {  	v18 =	vsel vm3, v27, v40;
	v16 =	vsel vm2, v26, v29;
	v24 =	vsel vm1, v24, v60  }
.LBB2_13:
0x20e: {  	v28 =	vimm.s32 $0x40000000;
	v14 =	vimm.s32 $0x40000000;
	v17 =	vimm.s32 $0x40000000  }
0x20f: {  	v18 =	vimm.s32 $0x40000000;
	v19 =	vimm.s32 $0x40000000;
	v25 =	vimm.s32 $0x40000000  }
0x210: {  	v22 =	vimm.s32 $0x40000000;
	v15 =	vimm.s32 $0x40000000;
	v16 =	vimm.s32 $0x40000000  }
0x211: {  	v13 =	vimm.s32 $0x40000000;
	v23 =	vimm.s32 $0x40000000;
	v20 =	vimm.s32 $0x40000000  }
0x212: {  	v21 =	vimm.s32 $0x40000000;
	v12 =	vimm.s32 $0x40000000;
	v24 =	vimm.s32 $0x40000000  }
.LBB2_17:
0x213: {  	vm1 =	vgt.s32 v9, $0x0  }
0x214: {  	v26 =	vnsel vm1, $0x0, v9  }
0x215: {  	v26 =	vshll.u32 v26, $0x6  }
0x216: {  	v27 =	vadd.s32 v10, v26  }
0x217: {  	v26 =	vadd.s32 v26, v11;
	_ =	sdelay $0x3  }
0x218: {  	v27 =	vld.idx.msk [tilespmem:v27+s19+$0x0], $0xffff  }
0x219: {  	v26 =	vld.idx.msk [tilespmem:v26+s19+$0x0], $0xffff;
	_ =	sdelay $0x4  }
0x21a: {  	vm1 =	vgt.s32 v27, $0x0;
	vm2 =	vgt.s32 v26, $0x0  }
0x21b: {  	v27 =	vnsel vm1, $0x0, v27;
	v26 =	vnsel vm2, $0x0, v26  }
0x21c: {  	vm1 =	vgt.s32 v8, $0xFFFFFFFF;
	v27 =	vmin.u32 v27, $0x1000;
	v29 =	vmin.u32 v26, $0x1000  }
0x21d: {  	v26 =	vnsel vm1, $0x0, v27;
	v27 =	vnsel vm1, $0x0, v29  }
0x21e: {  	v27 =	vsub.s32 v27, v26  }
0x21f: {  	vm1 =	vgt.s32 v27, $0x0  }
0x220: {  	v27 =	vnsel vm1, $0x0, v27  }
0x221: {  	v29 =	vor.u32 $0x80000000, v27  }
0x222: {  	(xrf0) =	vmax.scan.msk.u32 $0xffff, v29;
	_ =	sdelay $0x5  }
0x223: {  	v29, _, _ =	vpop (xrf0)  }
0x224: {  	(v2sf) =	vpush v29, $0xF;
	_ =	sdelay $0xe  }
0x225: {  	s25 =	spop (v2sf)  }
0x226: {  	s26 =	sadd.s32 $0x80000001, s25;
	p1 =	slt.s32 s25, $0xFFFFFFFF;
	s25 =	simm.s32 $0x1  }
0x227: {  	s25 =	simm.s32 @!p1 $0x0;
	s28 =	sshra.s32 s26, $0x1F  }
0x228: {  	s30 =	sand.u32 $0x1, s26;
	s25 =	sadd.s32 s25, s28  }
0x229: {  	p2 =	seq.s32 s30, $0x1;
	p6 =	sne.s32 s25, $0x1  }
0x22a: {  	s31 =	sshrl.u32 s26, $0x1F;
	p1 =	por !p6, !p2  }
0x22b: {  	s25 =	sadd.s32 s31, s26;
	s26 =	simm.s32 $0x1;
	p1 =	por !p1, !p1  }
0x22c: {  	s25 =	sshra.s32 s25, $0x1;
	s26 =	simm.s32 @!p1 $0x0  }
0x22d: {  	s25 =	ssub.s32 s25, s26  }
0x22e: {  	p1 =	slt.s32 s25, $0x1  }
.Ltmp13:
0x22f: {  	_ = 	snop;
	(pc) =	sbr.rel @p1 .LBB2_21-.Ltmp13, $2  }
0x230: {  	_ =	sdelay $0x2  }
0x231: {  	s26 =	simm.s32 $0x1  }
0x232: {  	s28 =	sadd.s32 $0xFFFFFFFF, s26  }
0x233: {  	v29 =	vadd.s32 s28, v26  }
0x234: {  	vm1 =	vgt.s32 v29, $0x0  }
0x235: {  	v30 =	vmov s28;
	v29 =	vnsel vm1, $0x0, v29  }
0x236: {  	vm2 =	vlt.s32 v30, v27;
	v29 =	vmin.u32 v29, $0xFFF  }
0x237: {  	v29 =	vnsel vm2, $0x0, v29;
	_ =	sdelay $0x2  }
0x238: {  	v30 =	vadd.s32 s26, v26  }
0x239: {  	vm1 =	vgt.s32 v30, $0x0  }
0x23a: {  	v31 =	vmov s26;
	v30 =	vnsel vm1, $0x0, v30;
	v29 =	vld.idx.msk [tilespmem:v29+s18+$0x0], $0xffff  }
0x23b: {  	vm1 =	vlt.s32 v31, v27;
	v30 =	vmin.u32 v30, $0xFFF  }
0x23c: {  	v30 =	vnsel vm1, $0x0, v30;
	_ =	sdelay $0x2  }
0x23d: {  	vm3 =	vgt.s32 v29, $0x0  }
0x23e: {  	v29 =	vnsel vm3, $0x0, v29  }
0x23f: {  	v30 =	vld.idx.msk [tilespmem:v30+s18+$0x0], $0xffff;
	v29 =	vmin.u32 v29, $0xFFF;
	_ =	sdelay $0x4  }
0x240: {  	vm3 =	vgt.s32 v30, $0x0;
	v31 =	vld.idx.msk [tilespmem:v29+s13+$0x0], $0xffff  }
0x241: {  	v30 =	vnsel vm3, $0x0, v30;
	v32 =	vld.idx.msk [tilespmem:v29+s3+$0x0], $0xffff  }
0x242: {  	v30 =	vmin.u32 v30, $0xFFF;
	_ =	sdelay $0x3  }
0x243: {  	v31 =	vsub.f32 v5, v31;
	v32 =	vsub.f32 v6, v32  }
0x244: {  	v34 =	vld.idx.msk [tilespmem:v30+s3+$0x0], $0xffff  }
0x245: {  	v33 =	vld.idx.msk [tilespmem:v30+s13+$0x0], $0xffff;
	v31 =	vmul.f32 v31, v31;
	v32 =	vmul.f32 v32, v32;
	_ =	sdelay $0x1  }
0x246: {  	v31 =	vadd.f32 v31, v32;
	_ =	sdelay $0x1  }
0x247: {  	v63 =	vsub.f32 v6, v34;
	vm3 =	vlt.f32 v31, $1.085069450e-04  }
0x248: {  	v31 =	vsub.f32 v5, v33;
	vm2 =	vmand vm2, vm3  }
0x249: {  	v32 =	vmul.f32 v63, v63;
	v33 =	vnsel vm2, $0x40000000, v29  }
0x24a: {  	v40 =	vmul.f32 v31, v31;
	vm4 =	vlt.s32 v28, v33;
	vm5 =	vlt.s32 v14, v33  }
0x24b: {  	vm6 =	vlt.s32 v25, v33;
	vm7 =	vlt.s32 v18, v33;
	vm3 =	vlt.s32 v19, v33  }
0x24c: {  	vm2 =	vlt.s32 v7, v33;
	vm8 =	vlt.s32 v22, v33;
	vm9 =	vlt.s32 v15, v33  }
0x24d: {  	vm10 =	vlt.s32 v13, v33;
	vm11 =	vlt.s32 v23, v33;
	vm12 =	vlt.s32 v20, v33  }
0x24e: {  	vm13 =	vlt.s32 v16, v33;
	vm14 =	vlt.s32 v21, v33;
	vm15 =	vlt.s32 v12, v33  }
0x24f: {  	v31 =	vsel vm4, v28, v33;
	v36 =	vsel vm7, v18, v33;
	v41 =	vsel vm8, v22, v33  }
0x250: {  	v29 =	vsel vm5, v14, v33;
	vm5 =	vlt.s32 v17, v33;
	v42 =	vsel vm14, v21, v33  }
0x251: {  	v38 =	vsel vm13, v16, v33;
	vm7 =	vlt.s32 v24, v33;
	v34 =	vsel vm11, v23, v33  }
0x252: {  	v43 =	vsel vm12, v20, v33;
	v44 =	vsel vm9, v15, v33;
	v39 =	vsel vm10, v13, v33  }
0x253: {  	v45 =	vsel vm6, v25, v33;
	v40 =	vadd.f32 v40, v32;
	vm4 =	vgt.s32 v28, v29  }
0x254: {  	vm8 =	vgt.s32 v20, v42;
	v35 =	vsel vm7, v24, v33;
	vm7 =	vgt.s32 v7, v31  }
0x255: {  	v37 =	vsel vm5, v17, v33;
	vm11 =	vgt.s32 v25, v41;
	v24 =	vsel vm15, v12, v33  }
0x256: {  	p1 =	sne.s32 s25, $0x1;
	vm6 =	vgt.s32 v23, v43;
	vm9 =	vgt.s32 v22, v44;
	v29 =	vsel vm4, v28, v29  }
.Ltmp14:
0x257: {  	vm4 =	vgt.s32 v13, v34;
	v28 =	vsel vm7, v7, v31;
	vm5 =	vgt.s32 v14, v37;
	(pc) =	sbr.rel @!p1 .LBB2_20-.Ltmp14, $4  }
0x258: {  	vm7 =	vgt.s32 v21, v24;
	v31 =	vsel vm11, v25, v41;
	v25 =	vsel vm8, v20, v42  }
0x259: {  	vm8 =	vgt.s32 v17, v36;
	v32 =	vsel vm9, v22, v44;
	vm9 =	vgt.s32 v15, v38  }
0x25a: {  	v24 =	vsel vm7, v21, v24;
	vm7 =	vgt.s32 v19, v45;
	v21 =	vsel vm6, v23, v43  }
0x25b: {  	s25 =	sadd.s32 $0xFFFFFFFF, s25;
	s26 =	sadd.s32 $0x2, s26;
	vm6 =	vgt.s32 v12, v35;
	v23 =	vsel vm7, v19, v45;
	vm7 =	vgt.s32 v16, v39  }
.LBB2_19:
0x25c: {  	s28 =	sadd.s32 $0xFFFFFFFF, s26;
	p1 =	sne.s32 s25, $0x1;
	s25 =	sadd.s32 $0xFFFFFFFF, s25;
	v20 =	vsel vm8, v17, v36;
	v17 =	vsel vm3, v19, v33;
	v15 =	vsel vm9, v15, v38  }
0x25d: {  	v19 =	vmov s28;
	v22 =	vadd.s32 s28, v26;
	vm3 =	vgt.s32 v18, v17  }
0x25e: {  	v36 =	vmov s26;
	vm8 =	vgt.s32 v22, $0x0  }
0x25f: {  	v16 =	vsel vm7, v16, v39;
	v17 =	vsel vm3, v18, v17;
	v22 =	vnsel vm8, $0x0, v22  }
0x260: {  	vm7 =	vlt.f32 v40, $1.085069450e-04;
	vm3 =	vlt.s32 v19, v27;
	v18 =	vmin.u32 v22, $0xFFF  }
0x261: {  	vm1 =	vmand vm1, vm7;
	v19 =	vsel vm2, v7, v33;
	v18 =	vnsel vm3, $0x0, v18  }
0x262: {  	v33 =	vsel vm5, v14, v37;
	v14 =	vsel vm6, v12, v35;
	v35 =	vnsel vm1, $0x40000000, v30  }
0x263: {  	vm1 =	vlt.s32 v19, v35;
	vm6 =	vlt.s32 v29, v35;
	vm5 =	vlt.s32 v33, v35  }
0x264: {  	v13 =	vsel vm4, v13, v34;
	v12 =	vadd.s32 s26, v26;
	v7 =	vsel vm1, v19, v35  }
0x265: {  	vm2 =	vlt.s32 v15, v35;
	vm7 =	vlt.s32 v13, v35;
	vm1 =	vgt.s32 v12, $0x0  }
0x266: {  	vm4 =	vlt.s32 v20, v35;
	v34 =	vsel vm7, v13, v35;
	v12 =	vnsel vm1, $0x0, v12;
	v18 =	vld.idx.msk [tilespmem:v18+s18+$0x0], $0xffff  }
0x267: {  	vm8 =	vlt.s32 v31, v35;
	vm1 =	vlt.s32 v36, v27;
	v12 =	vmin.u32 v12, $0xFFF  }
0x268: {  	vm9 =	vlt.s32 v16, v35;
	vm10 =	vlt.s32 v24, v35;
	v12 =	vnsel vm1, $0x0, v12  }
0x269: {  	vm11 =	vlt.s32 v32, v35;
	vm12 =	vlt.s32 v14, v35;
	vm7 =	vlt.s32 v28, v35  }
0x26a: {  	vm13 =	vlt.s32 v23, v35;
	v37 =	vsel vm8, v31, v35;
	v36 =	vsel vm5, v33, v35  }
0x26b: {  	vm8 =	vlt.s32 v17, v35;
	v22 =	vsel vm10, v24, v35;
	vm5 =	vgt.s32 v23, v37  }
0x26c: {  	v38 =	vsel vm9, v16, v35;
	vm9 =	vgt.s32 v25, v22;
	vm10 =	vgt.s32 v18, $0x0  }
0x26d: {  	v39 =	vsel vm6, v29, v35;
	vm6 =	vlt.s32 v21, v35;
	v18 =	vnsel vm10, $0x0, v18;
	v30 =	vld.idx.msk [tilespmem:v12+s18+$0x0], $0xffff  }
0x26e: {  	vm10 =	vgt.s32 v15, v38;
	v40 =	vmin.u32 v18, $0xFFF;
	v18 =	vsel vm6, v21, v35  }
0x26f: {  	v41 =	vsel vm12, v14, v35;
	v12 =	vsel vm9, v25, v22;
	vm6 =	vgt.s32 v13, v18  }
0x270: {  	v42 =	vsel vm13, v23, v35;
	v43 =	vsel vm11, v32, v35;
	v22 =	vsel vm6, v13, v18  }
0x271: {  	vm11 =	vlt.s32 v25, v35;
	vm9 =	vgt.s32 v17, v42;
	vm6 =	vgt.s32 v28, v39  }
0x272: {  	v44 =	vsel vm8, v17, v35;
	v18 =	vsel vm7, v28, v35;
	v13 =	vsel vm11, v25, v35  }
0x273: {  	v45 =	vsel vm4, v20, v35;
	vm4 =	vgt.s32 v21, v13;
	vm7 =	vgt.s32 v30, $0x0;
	v25 =	vld.idx.msk [tilespmem:v40+s13+$0x0], $0xffff  }
0x274: {  	v21 =	vsel vm4, v21, v13;
	v14 =	vnsel vm7, $0x0, v30;
	vm7 =	vgt.s32 v19, v18;
	v46 =	vld.idx.msk [tilespmem:v40+s3+$0x0], $0xffff  }
0x275: {  	vm4 =	vgt.s32 v29, v36;
	v13 =	vsel vm10, v15, v38;
	v30 =	vmin.u32 v14, $0xFFF  }
0x276: {  	v47 =	vsel vm5, v23, v37;
	v23 =	vsel vm2, v15, v35;
	vm2 =	vgt.s32 v16, v34  }
0x277: {  	vm5 =	vgt.s32 v31, v43;
	v42 =	vsel vm9, v17, v42;
	v14 =	vsel vm6, v28, v39  }
0x278: {  	v15 =	vsel vm5, v31, v43;
	v28 =	vsel vm7, v19, v18;
	vm6 =	vgt.s32 v33, v45  }
0x279: {  	v17 =	vsel vm4, v29, v36;
	v18 =	vsub.f32 v5, v25;
	v25 =	vsel vm2, v16, v34  }
0x27a: {  	vm4 =	vgt.s32 v32, v23;
	vm2 =	vgt.s32 v20, v44;
	v29 =	vsub.f32 v6, v46;
	v31 =	vld.idx.msk [tilespmem:v30+s13+$0x0], $0xffff  }
0x27b: {  	v16 =	vsel vm4, v32, v23;
	v19 =	vsel vm2, v20, v44;
	v34 =	vmul.f32 v18, v18;
	v35 =	vld.idx.msk [tilespmem:v30+s3+$0x0], $0xffff  }
0x27c: {  	vm2 =	vgt.s32 v24, v41;
	v18 =	vsel vm6, v33, v45;
	v20 =	vmul.f32 v29, v29  }
0x27d: {  	v23 =	vsel vm2, v24, v41  }
0x27e: {  	v20 =	vadd.f32 v34, v20;
	_ =	sdelay $0x1  }
0x27f: {  	vm2 =	vlt.f32 v20, $1.085069450e-04;
	v20 =	vsub.f32 v5, v31  }
0x280: {  	vm2 =	vmand vm3, vm2;
	v24 =	vsub.f32 v6, v35  }
0x281: {  	v33 =	vnsel vm2, $0x40000000, v40;
	v20 =	vmul.f32 v20, v20  }
0x282: {  	vm4 =	vlt.s32 v28, v33;
	vm5 =	vlt.s32 v14, v33;
	vm6 =	vlt.s32 v42, v33  }
0x283: {  	vm9 =	vlt.s32 v18, v33;
	vm3 =	vlt.s32 v19, v33;
	v32 =	vmul.f32 v24, v24  }
0x284: {  	vm2 =	vlt.s32 v7, v33;
	vm10 =	vlt.s32 v47, v33;
	vm7 =	vlt.s32 v15, v33  }
0x285: {  	vm8 =	vlt.s32 v13, v33;
	vm11 =	vlt.s32 v25, v33;
	vm12 =	vlt.s32 v22, v33  }
0x286: {  	vm13 =	vlt.s32 v16, v33;
	vm14 =	vlt.s32 v21, v33;
	vm15 =	vlt.s32 v12, v33  }
0x287: {  	v24 =	vsel vm4, v28, v33;
	v36 =	vsel vm9, v18, v33;
	v31 =	vsel vm10, v47, v33  }
0x288: {  	v29 =	vsel vm5, v14, v33;
	vm5 =	vlt.s32 v17, v33;
	v40 =	vsel vm14, v21, v33  }
0x289: {  	v38 =	vsel vm13, v16, v33;
	vm9 =	vlt.s32 v23, v33;
	vm4 =	vgt.s32 v28, v29  }
0x28a: {  	v34 =	vsel vm11, v25, v33;
	v41 =	vsel vm12, v22, v33;
	v29 =	vsel vm4, v28, v29  }
0x28b: {  	vm10 =	vgt.s32 v22, v40;
	v35 =	vsel vm9, v23, v33;
	vm4 =	vgt.s32 v13, v34  }
0x28c: {  	vm9 =	vgt.s32 v7, v24;
	v37 =	vsel vm5, v17, v33;
	vm11 =	vgt.s32 v42, v31  }
0x28d: {  	v23 =	vsel vm15, v12, v33;
	v28 =	vsel vm9, v7, v24;
	vm5 =	vgt.s32 v14, v37  }
0x28e: {  	v43 =	vsel vm7, v15, v33;
	v39 =	vsel vm8, v13, v33;
	vm7 =	vgt.s32 v21, v23  }
.Ltmp15:
0x28f: {  	v44 =	vsel vm6, v42, v33;
	vm6 =	vgt.s32 v25, v41;
	v24 =	vsel vm7, v21, v23;
	(pc) =	sbr.rel @p1 .LBB2_19-.Ltmp15, $4  }
0x290: {  	v31 =	vsel vm11, v42, v31;
	vm7 =	vgt.s32 v19, v44;
	v21 =	vsel vm6, v25, v41  }
0x291: {  	v25 =	vsel vm10, v22, v40;
	v40 =	vadd.f32 v20, v32;
	v23 =	vsel vm7, v19, v44  }
0x292: {  	vm9 =	vgt.s32 v47, v43;
	vm6 =	vgt.s32 v12, v35;
	vm7 =	vgt.s32 v16, v39  }
0x293: {  	s26 =	sadd.s32 $0x2, s26;
	vm8 =	vgt.s32 v17, v36;
	v32 =	vsel vm9, v47, v43;
	vm9 =	vgt.s32 v15, v38  }
.LBB2_20:
0x294: {  	v19 =	vsel vm3, v19, v33  }
0x295: {  	v26 =	vsel vm8, v17, v36;
	vm3 =	vgt.s32 v18, v19  }
0x296: {  	v15 =	vsel vm9, v15, v38;
	v17 =	vsel vm3, v18, v19;
	vm3 =	vlt.f32 v40, $1.085069450e-04  }
0x297: {  	v16 =	vsel vm7, v16, v39;
	v27 =	vsel vm5, v14, v37;
	vm1 =	vmand vm1, vm3  }
0x298: {  	v14 =	vsel vm6, v12, v35;
	v18 =	vsel vm2, v7, v33;
	v19 =	vnsel vm1, $0x40000000, v30  }
0x299: {  	v13 =	vsel vm4, v13, v34;
	vm1 =	vlt.s32 v18, v19;
	vm2 =	vlt.s32 v29, v19  }
0x29a: {  	vm3 =	vlt.s32 v27, v19;
	vm4 =	vlt.s32 v13, v19;
	vm5 =	vlt.s32 v26, v19  }
0x29b: {  	vm13 =	vlt.s32 v31, v19;
	vm14 =	vlt.s32 v16, v19;
	vm15 =	vlt.s32 v24, v19  }
0x29c: {  	vm8 =	vlt.s32 v28, v19;
	vm12 =	vlt.s32 v32, v19;
	vm10 =	vlt.s32 v14, v19  }
0x29d: {  	v7 =	vsel vm1, v18, v19;
	vm1 =	vlt.s32 v15, v19;
	v30 =	vsel vm4, v13, v19  }
0x29e: {  	v55 =	vsel vm3, v27, v19;
	vm3 =	vlt.s32 v23, v19;
	v22 =	vsel vm13, v31, v19  }
0x29f: {  	vm13 =	vlt.s32 v17, v19;
	v12 =	vsel vm15, v24, v19;
	v56 =	vsel vm14, v16, v19  }
0x2a0: {  	vm15 =	vlt.s32 v21, v19;
	v57 =	vsel vm2, v29, v19;
	v58 =	vsel vm10, v14, v19  }
0x2a1: {  	v60 =	vsel vm12, v32, v19;
	vm12 =	vlt.s32 v25, v19;
	v61 =	vsel vm8, v28, v19  }
0x2a2: {  	v41 =	vsel vm5, v26, v19;
	vm11 =	vgt.s32 v23, v22;
	vm14 =	vgt.s32 v25, v12  }
0x2a3: {  	vm2 =	vgt.s32 v15, v56;
	v20 =	vsel vm15, v21, v19;
	v59 =	vsel vm3, v23, v19  }
0x2a4: {  	vm3 =	vgt.s32 v28, v57;
	v62 =	vsel vm13, v17, v19;
	vm15 =	vgt.s32 v29, v55  }
0x2a5: {  	v63 =	vsel vm1, v15, v19;
	vm1 =	vgt.s32 v16, v30;
	vm7 =	vgt.s32 v13, v20  }
0x2a6: {  	v12 =	vsel vm14, v25, v12;
	vm10 =	vgt.s32 v17, v59;
	vm14 =	vgt.s32 v18, v61  }
0x2a7: {  	v22 =	vsel vm11, v23, v22;
	v14 =	vsel vm3, v28, v57;
	vm3 =	vgt.s32 v27, v41  }
0x2a8: {  	v23 =	vsel vm1, v16, v30;
	vm1 =	vgt.s32 v26, v62;
	v20 =	vsel vm7, v13, v20  }
0x2a9: {  	v13 =	vsel vm12, v25, v19;
	v25 =	vsel vm10, v17, v59;
	v28 =	vsel vm14, v18, v61  }
0x2aa: {  	v17 =	vsel vm15, v29, v55;
	v19 =	vsel vm1, v26, v62;
	vm13 =	vgt.s32 v21, v13  }
0x2ab: {  	v21 =	vsel vm13, v21, v13;
	v13 =	vsel vm2, v15, v56;
	vm2 =	vgt.s32 v31, v60  }
0x2ac: {  	vm1 =	vgt.s32 v24, v58;
	v15 =	vsel vm2, v31, v60;
	vm2 =	vgt.s32 v32, v63  }
0x2ad: {  	v18 =	vsel vm3, v27, v41;
	v24 =	vsel vm1, v24, v58;
	v16 =	vsel vm2, v32, v63  }
.LBB2_21:
0x2ae: {  	v26 =	vshra.s32 v9, $0x1F  }
0x2af: {  	v9 =	vor.u32 v26, v9  }
0x2b0: {  	vm1 =	vlt.s32 v9, $0x3E  }
0x2b1: {  	v9 =	vnsel vm1, $0x3E, v9  }
0x2b2: {  	v9 =	vshll.u32 v9, $0x6  }
0x2b3: {  	v9 =	vadd.s32 $0x40, v9  }
0x2b4: {  	v10 =	vadd.s32 v10, v9  }
0x2b5: {  	v9 =	vadd.s32 v9, v11;
	_ =	sdelay $0x3  }
0x2b6: {  	v10 =	vld.idx.msk [tilespmem:v10+s19+$0x0], $0xffff  }
0x2b7: {  	v9 =	vld.idx.msk [tilespmem:v9+s19+$0x0], $0xffff;
	_ =	sdelay $0x4  }
0x2b8: {  	vm1 =	vgt.s32 v10, $0x0;
	vm2 =	vgt.s32 v9, $0x0  }
0x2b9: {  	v8 =	vadd.s32 $0x1, v8;
	v10 =	vnsel vm1, $0x0, v10;
	v9 =	vnsel vm2, $0x0, v9  }
0x2ba: {  	vm1 =	vlt.u32 v8, $0x40;
	v8 =	vmin.u32 v10, $0x1000;
	v9 =	vmin.u32 v9, $0x1000  }
0x2bb: {  	v8 =	vnsel vm1, $0x0, v8;
	v9 =	vnsel vm1, $0x0, v9  }
0x2bc: {  	v9 =	vsub.s32 v9, v8  }
0x2bd: {  	vm1 =	vgt.s32 v9, $0x0  }
0x2be: {  	v9 =	vnsel vm1, $0x0, v9  }
0x2bf: {  	v10 =	vor.u32 $0x80000000, v9  }
0x2c0: {  	(xrf0) =	vmax.scan.msk.u32 $0xffff, v10;
	_ =	sdelay $0x5  }
0x2c1: {  	v10, _, _ =	vpop (xrf0)  }
0x2c2: {  	(v2sf) =	vpush v10, $0xF;
	_ =	sdelay $0xe  }
0x2c3: {  	s25 =	spop (v2sf)  }
0x2c4: {  	s26 =	sadd.s32 $0x80000001, s25;
	p1 =	slt.s32 s25, $0xFFFFFFFF;
	s25 =	simm.s32 $0x1  }
0x2c5: {  	s25 =	simm.s32 @!p1 $0x0;
	s28 =	sshra.s32 s26, $0x1F  }
0x2c6: {  	s30 =	sand.u32 $0x1, s26;
	s25 =	sadd.s32 s25, s28  }
0x2c7: {  	p2 =	seq.s32 s30, $0x1;
	p6 =	sne.s32 s25, $0x1  }
0x2c8: {  	s31 =	sshrl.u32 s26, $0x1F;
	p1 =	por !p6, !p2  }
0x2c9: {  	s25 =	sadd.s32 s31, s26;
	s26 =	simm.s32 $0x1;
	p1 =	por !p1, !p1  }
0x2ca: {  	s25 =	sshra.s32 s25, $0x1;
	s26 =	simm.s32 @!p1 $0x0  }
0x2cb: {  	s25 =	ssub.s32 s25, s26  }
0x2cc: {  	p1 =	slt.s32 s25, $0x1  }
.Ltmp16:
0x2cd: {  	_ = 	snop;
	(pc) =	sbr.rel @p1 .LBB2_25-.Ltmp16, $2  }
0x2ce: {  	_ =	sdelay $0x2  }
0x2cf: {  	s26 =	simm.s32 $0x1  }
0x2d0: {  	s28 =	sadd.s32 $0xFFFFFFFF, s26  }
0x2d1: {  	v10 =	vadd.s32 s28, v8  }
0x2d2: {  	vm1 =	vgt.s32 v10, $0x0  }
0x2d3: {  	v11 =	vmov s28;
	v10 =	vnsel vm1, $0x0, v10  }
0x2d4: {  	vm2 =	vlt.s32 v11, v9;
	v10 =	vmin.u32 v10, $0xFFF  }
0x2d5: {  	v10 =	vnsel vm2, $0x0, v10;
	_ =	sdelay $0x2  }
0x2d6: {  	v11 =	vadd.s32 s26, v8  }
0x2d7: {  	vm1 =	vgt.s32 v11, $0x0  }
0x2d8: {  	v26 =	vmov s26;
	v11 =	vnsel vm1, $0x0, v11;
	v10 =	vld.idx.msk [tilespmem:v10+s18+$0x0], $0xffff  }
0x2d9: {  	vm1 =	vlt.s32 v26, v9;
	v11 =	vmin.u32 v11, $0xFFF  }
0x2da: {  	v11 =	vnsel vm1, $0x0, v11;
	_ =	sdelay $0x2  }
0x2db: {  	vm3 =	vgt.s32 v10, $0x0  }
0x2dc: {  	v10 =	vnsel vm3, $0x0, v10  }
0x2dd: {  	v11 =	vld.idx.msk [tilespmem:v11+s18+$0x0], $0xffff;
	v10 =	vmin.u32 v10, $0xFFF;
	_ =	sdelay $0x4  }
0x2de: {  	vm3 =	vgt.s32 v11, $0x0;
	v27 =	vld.idx.msk [tilespmem:v10+s13+$0x0], $0xffff  }
0x2df: {  	v11 =	vnsel vm3, $0x0, v11;
	v29 =	vld.idx.msk [tilespmem:v10+s3+$0x0], $0xffff  }
0x2e0: {  	v26 =	vmin.u32 v11, $0xFFF;
	_ =	sdelay $0x3  }
0x2e1: {  	v11 =	vsub.f32 v5, v27;
	v27 =	vsub.f32 v6, v29  }
0x2e2: {  	v30 =	vld.idx.msk [tilespmem:v26+s3+$0x0], $0xffff  }
0x2e3: {  	v29 =	vld.idx.msk [tilespmem:v26+s13+$0x0], $0xffff;
	v11 =	vmul.f32 v11, v11;
	v27 =	vmul.f32 v27, v27;
	_ =	sdelay $0x1  }
0x2e4: {  	v11 =	vadd.f32 v11, v27;
	_ =	sdelay $0x1  }
0x2e5: {  	v27 =	vsub.f32 v6, v30;
	vm3 =	vlt.f32 v11, $1.085069450e-04  }
0x2e6: {  	v11 =	vsub.f32 v5, v29;
	vm2 =	vmand vm2, vm3  }
0x2e7: {  	v36 =	vmul.f32 v27, v27;
	v30 =	vnsel vm2, $0x40000000, v10  }
0x2e8: {  	v29 =	vmul.f32 v11, v11;
	vm4 =	vlt.s32 v28, v30;
	vm5 =	vlt.s32 v14, v30  }
0x2e9: {  	vm6 =	vlt.s32 v25, v30;
	vm7 =	vlt.s32 v18, v30;
	vm3 =	vlt.s32 v19, v30  }
0x2ea: {  	vm2 =	vlt.s32 v7, v30;
	vm8 =	vlt.s32 v22, v30;
	vm9 =	vlt.s32 v15, v30  }
0x2eb: {  	vm10 =	vlt.s32 v13, v30;
	vm11 =	vlt.s32 v23, v30;
	vm12 =	vlt.s32 v20, v30  }
0x2ec: {  	vm13 =	vlt.s32 v16, v30;
	vm14 =	vlt.s32 v21, v30;
	vm15 =	vlt.s32 v12, v30  }
0x2ed: {  	v11 =	vsel vm4, v28, v30;
	v32 =	vsel vm7, v18, v30;
	v27 =	vsel vm8, v22, v30  }
0x2ee: {  	v10 =	vsel vm5, v14, v30;
	vm5 =	vlt.s32 v17, v30;
	v37 =	vsel vm14, v21, v30  }
0x2ef: {  	v34 =	vsel vm13, v16, v30;
	vm7 =	vlt.s32 v24, v30;
	v38 =	vsel vm12, v20, v30  }
0x2f0: {  	v39 =	vsel vm9, v15, v30;
	v35 =	vsel vm10, v13, v30;
	v40 =	vsel vm6, v25, v30  }
0x2f1: {  	v36 =	vadd.f32 v29, v36;
	vm4 =	vgt.s32 v28, v10;
	vm8 =	vgt.s32 v20, v37  }
0x2f2: {  	v31 =	vsel vm7, v24, v30;
	vm7 =	vgt.s32 v7, v11;
	v33 =	vsel vm5, v17, v30  }
0x2f3: {  	vm6 =	vgt.s32 v23, v38;
	vm9 =	vgt.s32 v22, v39;
	v10 =	vsel vm4, v28, v10  }
0x2f4: {  	p1 =	sne.s32 s25, $0x1;
	v28 =	vsel vm11, v23, v30;
	vm11 =	vgt.s32 v25, v27;
	v24 =	vsel vm7, v7, v11  }
.Ltmp17:
0x2f5: {  	vm5 =	vgt.s32 v14, v33;
	v11 =	vsel vm15, v12, v30;
	v29 =	vsel vm9, v22, v39;
	(pc) =	sbr.rel @!p1 .LBB2_24-.Ltmp17, $4  }
0x2f6: {  	vm9 =	vgt.s32 v15, v34;
	vm4 =	vgt.s32 v13, v28;
	vm7 =	vgt.s32 v21, v11  }
0x2f7: {  	v27 =	vsel vm11, v25, v27;
	v25 =	vsel vm8, v20, v37;
	vm8 =	vgt.s32 v17, v32  }
0x2f8: {  	v11 =	vsel vm7, v21, v11;
	vm7 =	vgt.s32 v19, v40;
	v21 =	vsel vm6, v23, v38  }
0x2f9: {  	s25 =	sadd.s32 $0xFFFFFFFF, s25;
	s26 =	sadd.s32 $0x2, s26;
	vm6 =	vgt.s32 v12, v31;
	v23 =	vsel vm7, v19, v40;
	vm7 =	vgt.s32 v16, v35  }
.LBB2_23:
0x2fa: {  	s28 =	sadd.s32 $0xFFFFFFFF, s26;
	p1 =	sne.s32 s25, $0x1;
	s25 =	sadd.s32 $0xFFFFFFFF, s25;
	v20 =	vsel vm8, v17, v32;
	v17 =	vsel vm3, v19, v30;
	v15 =	vsel vm9, v15, v34  }
0x2fb: {  	v19 =	vmov s28;
	v22 =	vadd.s32 s28, v8;
	vm3 =	vgt.s32 v18, v17  }
0x2fc: {  	v32 =	vmov s26;
	vm8 =	vgt.s32 v22, $0x0  }
0x2fd: {  	v16 =	vsel vm7, v16, v35;
	v17 =	vsel vm3, v18, v17;
	v22 =	vnsel vm8, $0x0, v22  }
0x2fe: {  	vm7 =	vlt.f32 v36, $1.085069450e-04;
	vm3 =	vlt.s32 v19, v9;
	v18 =	vmin.u32 v22, $0xFFF  }
0x2ff: {  	vm1 =	vmand vm1, vm7;
	v19 =	vsel vm2, v7, v30;
	v18 =	vnsel vm3, $0x0, v18  }
0x300: {  	v30 =	vsel vm5, v14, v33;
	v14 =	vsel vm6, v12, v31;
	v31 =	vnsel vm1, $0x40000000, v26  }
0x301: {  	vm1 =	vlt.s32 v19, v31;
	vm6 =	vlt.s32 v10, v31;
	vm5 =	vlt.s32 v30, v31  }
0x302: {  	v13 =	vsel vm4, v13, v28;
	v12 =	vadd.s32 s26, v8;
	v7 =	vsel vm1, v19, v31  }
0x303: {  	vm2 =	vlt.s32 v15, v31;
	vm7 =	vlt.s32 v13, v31;
	vm1 =	vgt.s32 v12, $0x0  }
0x304: {  	vm4 =	vlt.s32 v20, v31;
	v28 =	vsel vm7, v13, v31;
	v12 =	vnsel vm1, $0x0, v12;
	v18 =	vld.idx.msk [tilespmem:v18+s18+$0x0], $0xffff  }
0x305: {  	vm8 =	vlt.s32 v27, v31;
	vm1 =	vlt.s32 v32, v9;
	v12 =	vmin.u32 v12, $0xFFF  }
0x306: {  	vm9 =	vlt.s32 v16, v31;
	vm10 =	vlt.s32 v11, v31;
	v12 =	vnsel vm1, $0x0, v12  }
0x307: {  	vm11 =	vlt.s32 v29, v31;
	vm12 =	vlt.s32 v14, v31;
	vm7 =	vlt.s32 v24, v31  }
0x308: {  	vm13 =	vlt.s32 v23, v31;
	v33 =	vsel vm8, v27, v31;
	v32 =	vsel vm5, v30, v31  }
0x309: {  	vm8 =	vlt.s32 v17, v31;
	v22 =	vsel vm10, v11, v31;
	vm5 =	vgt.s32 v23, v33  }
0x30a: {  	v34 =	vsel vm9, v16, v31;
	vm9 =	vgt.s32 v25, v22;
	vm10 =	vgt.s32 v18, $0x0  }
0x30b: {  	v35 =	vsel vm6, v10, v31;
	vm6 =	vlt.s32 v21, v31;
	v18 =	vnsel vm10, $0x0, v18;
	v26 =	vld.idx.msk [tilespmem:v12+s18+$0x0], $0xffff  }
0x30c: {  	vm10 =	vgt.s32 v15, v34;
	v36 =	vmin.u32 v18, $0xFFF;
	v18 =	vsel vm6, v21, v31  }
0x30d: {  	v37 =	vsel vm12, v14, v31;
	v12 =	vsel vm9, v25, v22;
	vm6 =	vgt.s32 v13, v18  }
0x30e: {  	v38 =	vsel vm13, v23, v31;
	v39 =	vsel vm11, v29, v31;
	v22 =	vsel vm6, v13, v18  }
0x30f: {  	vm11 =	vlt.s32 v25, v31;
	vm9 =	vgt.s32 v17, v38;
	vm6 =	vgt.s32 v24, v35  }
0x310: {  	v40 =	vsel vm8, v17, v31;
	v18 =	vsel vm7, v24, v31;
	v13 =	vsel vm11, v25, v31  }
0x311: {  	v41 =	vsel vm4, v20, v31;
	vm4 =	vgt.s32 v21, v13;
	vm7 =	vgt.s32 v26, $0x0;
	v25 =	vld.idx.msk [tilespmem:v36+s13+$0x0], $0xffff  }
0x312: {  	v21 =	vsel vm4, v21, v13;
	v14 =	vnsel vm7, $0x0, v26;
	vm7 =	vgt.s32 v19, v18;
	v42 =	vld.idx.msk [tilespmem:v36+s3+$0x0], $0xffff  }
0x313: {  	vm4 =	vgt.s32 v10, v32;
	v13 =	vsel vm10, v15, v34;
	v26 =	vmin.u32 v14, $0xFFF  }
0x314: {  	v43 =	vsel vm5, v23, v33;
	v23 =	vsel vm2, v15, v31;
	vm2 =	vgt.s32 v16, v28  }
0x315: {  	vm5 =	vgt.s32 v27, v39;
	v38 =	vsel vm9, v17, v38;
	v14 =	vsel vm6, v24, v35  }
0x316: {  	v15 =	vsel vm5, v27, v39;
	v24 =	vsel vm7, v19, v18;
	vm6 =	vgt.s32 v30, v41  }
0x317: {  	v17 =	vsel vm4, v10, v32;
	v18 =	vsub.f32 v5, v25;
	v25 =	vsel vm2, v16, v28  }
0x318: {  	vm4 =	vgt.s32 v29, v23;
	vm2 =	vgt.s32 v20, v40;
	v10 =	vsub.f32 v6, v42;
	v27 =	vld.idx.msk [tilespmem:v26+s13+$0x0], $0xffff  }
0x319: {  	v16 =	vsel vm4, v29, v23;
	v19 =	vsel vm2, v20, v40;
	v28 =	vmul.f32 v18, v18;
	v31 =	vld.idx.msk [tilespmem:v26+s3+$0x0], $0xffff  }
0x31a: {  	vm2 =	vgt.s32 v11, v37;
	v18 =	vsel vm6, v30, v41;
	v10 =	vmul.f32 v10, v10  }
0x31b: {  	v11 =	vsel vm2, v11, v37  }
0x31c: {  	v10 =	vadd.f32 v28, v10;
	_ =	sdelay $0x1  }
0x31d: {  	vm2 =	vlt.f32 v10, $1.085069450e-04;
	v10 =	vsub.f32 v5, v27  }
0x31e: {  	vm2 =	vmand vm3, vm2;
	v20 =	vsub.f32 v6, v31  }
0x31f: {  	v30 =	vnsel vm2, $0x40000000, v36;
	v29 =	vmul.f32 v10, v10  }
0x320: {  	vm4 =	vlt.s32 v24, v30;
	vm5 =	vlt.s32 v14, v30;
	vm6 =	vlt.s32 v38, v30  }
0x321: {  	vm9 =	vlt.s32 v18, v30;
	vm3 =	vlt.s32 v19, v30;
	v20 =	vmul.f32 v20, v20  }
0x322: {  	vm2 =	vlt.s32 v7, v30;
	vm10 =	vlt.s32 v43, v30;
	vm7 =	vlt.s32 v15, v30  }
0x323: {  	vm8 =	vlt.s32 v13, v30;
	vm11 =	vlt.s32 v25, v30;
	vm12 =	vlt.s32 v22, v30  }
0x324: {  	vm13 =	vlt.s32 v16, v30;
	vm14 =	vlt.s32 v21, v30;
	vm15 =	vlt.s32 v12, v30  }
0x325: {  	v23 =	vsel vm4, v24, v30;
	v32 =	vsel vm9, v18, v30;
	v27 =	vsel vm10, v43, v30  }
0x326: {  	v10 =	vsel vm5, v14, v30;
	vm5 =	vlt.s32 v17, v30;
	v36 =	vsel vm14, v21, v30  }
0x327: {  	v34 =	vsel vm13, v16, v30;
	vm9 =	vlt.s32 v11, v30;
	vm4 =	vgt.s32 v24, v10  }
0x328: {  	v28 =	vsel vm11, v25, v30;
	v37 =	vsel vm12, v22, v30;
	v10 =	vsel vm4, v24, v10  }
0x329: {  	vm10 =	vgt.s32 v22, v36;
	v31 =	vsel vm9, v11, v30;
	vm4 =	vgt.s32 v13, v28  }
0x32a: {  	vm9 =	vgt.s32 v7, v23;
	v33 =	vsel vm5, v17, v30;
	vm11 =	vgt.s32 v38, v27  }
0x32b: {  	v11 =	vsel vm15, v12, v30;
	v24 =	vsel vm9, v7, v23;
	vm5 =	vgt.s32 v14, v33  }
0x32c: {  	v39 =	vsel vm7, v15, v30;
	v35 =	vsel vm8, v13, v30;
	vm7 =	vgt.s32 v21, v11  }
.Ltmp18:
0x32d: {  	v23 =	vsel vm6, v38, v30;
	vm6 =	vgt.s32 v25, v37;
	v11 =	vsel vm7, v21, v11;
	(pc) =	sbr.rel @p1 .LBB2_23-.Ltmp18, $4  }
0x32e: {  	v27 =	vsel vm11, v38, v27;
	vm7 =	vgt.s32 v19, v23;
	v21 =	vsel vm6, v25, v37  }
0x32f: {  	v25 =	vsel vm10, v22, v36;
	v36 =	vadd.f32 v29, v20;
	v23 =	vsel vm7, v19, v23  }
0x330: {  	vm9 =	vgt.s32 v43, v39;
	vm6 =	vgt.s32 v12, v31;
	vm7 =	vgt.s32 v16, v35  }
0x331: {  	s26 =	sadd.s32 $0x2, s26;
	vm8 =	vgt.s32 v17, v32;
	v29 =	vsel vm9, v43, v39;
	vm9 =	vgt.s32 v15, v34  }
.Ltmp19:
0x332: {  	_ = 	snop;
	(pc) =	sbr.rel .LBB2_24-.Ltmp19, $1  }
0x333: {  	_ =	sdelay $0x3  }
.LBB2_27:
0x334: {  	_ =	sfence.sel $0x180000  }
0x335: {  	[bflag:$0x0] =	sbarrier.arrive $0xFFFF  }
0x336: {  	p0 =	sne.s32 s2, $0x0;
	_ =	strace $0x90000047  }
0x337: {  	s0 =	sadd.s32 @!p0 $0x100000, s0;
	[bflag:$0x2] =	sbarrier.arrive $0xFFFF  }
0x338: {  	[sflag:s0] =	ssyncadd.tile.s32 @!p0 $0x1;
	_ =	shalt  }
.Lfunc_end2:
_tile_overlayer_lowered:
.L_overlay_start_2:
0x339: {  	(tag) =	ssettag $0x2  }
0x33a: {  	s0 =	rddreg [dreg:$0x0];
	s2 =	stileid.u32  }
0x33b: {  	s1 =	rddreg [dreg:$0x1];
	p0 =	sne.s32 s2, $0x0  }
0x33c: {  	s3 =	rddreg [dreg:$0x2];
	[bflag:$0x3] =	sbarrier.arrive $0xFFFF;
	s2 =	simm.s32 @!p0 $0x1C03  }
0x33d: {  	[timem:s3], [sflag:s2] =	dma.local @!p0 [hbm:s0], s1  }
0x33e: {  	s0 =	simm.s32 @!p0 $0x3  }
0x33f: {  	_ =	swait.ge @!p0 [sflag:s0], s1  }
0x340: {  	s1 =	ssub.s32 @!p0 $0x0, s1;
	[sflag:s0] =	ssyncset.done @!p0 $0x0  }
0x341: {  	[sflag:s0] =	ssyncadd.s32 @!p0 s1  }
0x342: {  	[bflag:$0x3] =	sbarrier.arrive $0xFFFF  }
0x343: {  	_ =	shalt  }

</sc_bundles>
